<compile_context>
chip_gen: v7x
topology: tpu7x:2x2x1
jax: 0.10.2.dev20260603
libtpu: 0.0.44.dev20260713+nightly
codegen_flags: <defaults>
</compile_context>

<pallas_src>
import functools

import jax
import jax.numpy as jnp
from jax import lax
from jax.experimental import pallas as pl
from jax.experimental.pallas import tpu as pltpu
from jax.experimental.pallas import tpu_sc as plsc

MAX_LEN = 1000
HIDDEN_DIM = 128

NW = 32
B, N, L, D = 16, 64, 50, 128
PANELS = B * L
PANELS_PER_W = PANELS // NW
L_PER_W = L // 2
CH_SIZES = [3] * 8 + [1]
CH_OFFS = [sum(CH_SIZES[:i]) for i in range(len(CH_SIZES))]
NCH = len(CH_SIZES)
CH_MAX = max(CH_SIZES)
NBUF = 4
GA_SKEW = 2
OUT_SKEW = 3


def _sc_kernel(emb_hbm, pos_hbm, pe_hbm, out_hbm,
               idx_v, pe_sh, b0, b1, b2, b3,
               sem_in, sem_ga, sem_out, sem_idx):
  bufs = (b0, b1, b2, b3)
  sid = lax.axis_index("s")
  wid = sid * 2 + lax.axis_index("c")
  bb = wid // 2
  l0 = (wid % 2) * L_PER_W

  in_d = [None] * NCH
  ga_d = [None] * NCH
  out_d = [None] * NCH

  def start_in(c):
    sz = CH_SIZES[c]
    in_d[c] = pltpu.async_copy(
        emb_hbm.at[bb, pl.ds(l0 + CH_OFFS[c], sz)],
        bufs[c % NBUF].at[pl.ds(0, sz)], sem_in)

  def start_ga(c):
    in_d[c].wait()
    ga_d[c] = [
        pltpu.async_copy(
            pe_sh.at[idx_v.at[CH_OFFS[c] + k]], bufs[c % NBUF].at[k],
            sem_ga, add=True)
        for k in range(CH_SIZES[c])
    ]

  def start_out(c):
    for d in ga_d[c]:
      d.wait()
    sz = CH_SIZES[c]
    out_d[c] = pltpu.async_copy(
        bufs[c % NBUF].at[pl.ds(0, sz)],
        out_hbm.at[bb, pl.ds(l0 + CH_OFFS[c], sz)], sem_out)

  idx_cp = pltpu.async_copy(
      pos_hbm.at[pl.ds(l0, L_PER_W), bb], idx_v, sem_idx)
  for c in range(GA_SKEW):
    start_in(c)

  @pl.when(sid == 0)
  def _stage():
    pltpu.sync_copy(pe_hbm, pe_sh)

  idx_cp.wait()
  plsc.subcore_barrier()

  for c in range(NCH):
    if c >= NBUF:
      out_d[c - NBUF].wait()
    if c >= GA_SKEW:
      start_in(c)
      start_ga(c - GA_SKEW)
    if c >= OUT_SKEW:
      start_out(c - OUT_SKEW)

  for c in range(NCH - GA_SKEW, NCH):
    start_ga(c)
  for c in range(NCH - OUT_SKEW, NCH):
    start_out(c)
  for c in range(max(0, NCH - NBUF), NCH):
    out_d[c].wait()


def kernel(input_emb, position, pe):
  emb_t = jnp.transpose(input_emb, (0, 2, 1, 3))
  pos_t = jnp.transpose(position.astype(jnp.int32), (2, 0, 1))

  run = functools.partial(
      pl.kernel,
      mesh=plsc.VectorSubcoreMesh(core_axis_name="c", subcore_axis_name="s"),
      out_type=jax.ShapeDtypeStruct((B, L, N, D), jnp.float32),
      scratch_types=[
          pltpu.VMEM((PANELS_PER_W, N), jnp.int32),
          pltpu.VMEM_SHARED((MAX_LEN, D), jnp.float32),
          pltpu.VMEM((CH_MAX, N, D), jnp.float32),
          pltpu.VMEM((CH_MAX, N, D), jnp.float32),
          pltpu.VMEM((CH_MAX, N, D), jnp.float32),
          pltpu.VMEM((CH_MAX, N, D), jnp.float32),
          pltpu.SemaphoreType.DMA,
          pltpu.SemaphoreType.DMA,
          pltpu.SemaphoreType.DMA,
          pltpu.SemaphoreType.DMA,
      ],
  )(_sc_kernel)

  out_t = run(emb_t, pos_t, pe)
  return jnp.transpose(out_t, (0, 2, 1, 3))

# --- scband reference (transcript-rebuilt; emitter-appended) ---
"""Pipeline reference for scband-temporal-positional-embedding-17145509446371 (READ-ONLY COPY).

The authoritative reference and input builder live on the scoring server;
editing this copy changes nothing except your own understanding.
"""

import jax, jax.numpy as jnp
import numpy as np

MAX_LEN = 1000
HIDDEN_DIM = 128

def setup_inputs(seed: int = 0) -> dict:
    key = jax.random.key(seed)
    k1, k2, k3 = jax.random.split(key, 3)
    input_emb = jax.random.normal(k1, (16, 64, 50, 128), dtype=jnp.float32)
    position = jax.random.randint(k2, (16, 64, 50), 0, MAX_LEN, dtype=jnp.int64 if jax.config.jax_enable_x64 else jnp.int32)
    pe = jax.random.uniform(k3, (MAX_LEN, HIDDEN_DIM), dtype=jnp.float32, minval=-0.02, maxval=0.02)
    return {"input_emb": input_emb, "position": position, "pe": pe}

def reference(input_emb, position, pe):
    # Faithful translation of Temporal_Positional_Embedding.forward (eval mode: dropout = identity)
    B, N, L, D = input_emb.shape
    idx = position.reshape(B * N, L, -1).astype(jnp.int32)  # [B*N, L, 1]
    gathered = jnp.take(pe, idx, axis=0)                    # [B*N, L, 1, D]
    learnable_pos_emb = input_emb + gathered.reshape(B, N, L, D)
    return learnable_pos_emb

if __name__ == "__main__":
    import jax
    _d = setup_inputs()
    print(jax.jit(kernel)(*tuple(_d.values())))

</pallas_src>

<mosaic_0001>
#map = affine_map<(d0, d1) -> (0, 0, 0, 0)>
#map1 = affine_map<(d0, d1) -> (0, 0, 0)>
#map2 = affine_map<(d0, d1) -> (0, 0)>
module attributes {stable_mosaic.version = 14 : i64} {
  func.func @_sc_kernel(%arg0: i32, %arg1: i32, %arg2: memref<16x50x64x128xf32, #tpu.memory_space<hbm>>, %arg3: memref<50x16x64xi32, #tpu.memory_space<hbm>>, %arg4: memref<1000x128xf32, #tpu.memory_space<hbm>>, %arg5: memref<16x50x64x128xf32, #tpu.memory_space<hbm>>, %arg6: memref<25x64xi32, #tpu.memory_space<vmem>>, %arg7: memref<1000x128xf32, #tpu.memory_space<vmem_shared>>, %arg8: memref<3x64x128xf32, #tpu.memory_space<vmem>>, %arg9: memref<3x64x128xf32, #tpu.memory_space<vmem>>, %arg10: memref<3x64x128xf32, #tpu.memory_space<vmem>>, %arg11: memref<3x64x128xf32, #tpu.memory_space<vmem>>, %arg12: memref<!tpu.dma_semaphore, #tpu.memory_space<semaphore_mem>>, %arg13: memref<!tpu.dma_semaphore, #tpu.memory_space<semaphore_mem>>, %arg14: memref<!tpu.dma_semaphore, #tpu.memory_space<semaphore_mem>>, %arg15: memref<!tpu.dma_semaphore, #tpu.memory_space<semaphore_mem>>) attributes {dimension_semantics = [#tpu.dimension_semantics<core_parallel>, #tpu.dimension_semantics<subcore_parallel>], iteration_bounds = array<i64: 2, 16>, scalar_prefetch = 0 : i64, scratch_operands = 10 : i64, tpu.core_type = #tpu.core_type<sc_vector_subcore>, window_params = [{transform_indices = #map}, {transform_indices = #map1}, {transform_indices = #map2}, {transform_indices = #map}]} {
    %mul3A = arith.constant 2 : i32
    %mul3A_0 = arith.muli %arg1, %mul3A : i32
    %add3A = arith.addi %mul3A_0, %arg0 : i32
    %jit3A = arith.constant 2 : i32
    %div3A = arith.divsi %add3A, %jit3A : i32
    %sign3A = arith.constant 0 : i32
    %sign3A_1 = arith.cmpi sgt, %add3A, %sign3A : i32
    %sign3A_2 = arith.extui %sign3A_1 : i1 to i32
    %sign3A_3 = arith.constant 0 : i32
    %sign3A_4 = arith.cmpi slt, %add3A, %sign3A_3 : i32
    %sign3A_5 = arith.extui %sign3A_4 : i1 to i32
    %sign3A_6 = arith.subi %sign3A_2, %sign3A_5 : i32
    %sign3A_7 = arith.constant 0 : i32
    %sign3A_8 = arith.cmpi sgt, %jit3A, %sign3A_7 : i32
    %sign3A_9 = arith.extui %sign3A_8 : i1 to i32
    %sign3A_10 = arith.constant 0 : i32
    %sign3A_11 = arith.cmpi slt, %jit3A, %sign3A_10 : i32
    %sign3A_12 = arith.extui %sign3A_11 : i1 to i32
    %sign3A_13 = arith.subi %sign3A_9, %sign3A_12 : i32
    %ne3A = arith.cmpi ne, %sign3A_6, %sign3A_13 : i32
    %rem3A = arith.remsi %add3A, %jit3A : i32
    %ne3A_14 = arith.constant 0 : i32
    %ne3A_15 = arith.cmpi ne, %rem3A, %ne3A_14 : i32
    %and3A = arith.andi %ne3A, %ne3A_15 : i1
    %sub3A = arith.constant 1 : i32
    %sub3A_16 = arith.subi %div3A, %sub3A : i32
    %select_n3A = arith.select %and3A, %sub3A_16, %div3A : i32
    %jit3A_17 = arith.constant 2 : i32
    %eq3A = arith.constant 0 : i32
    %eq3A_18 = arith.cmpi eq, %jit3A_17, %eq3A : i32
    %jit3A_19 = arith.constant 1 : i32
    %select_n3A_20 = arith.select %eq3A_18, %jit3A_19, %jit3A_17 : i32
    %rem3A_21 = arith.remsi %add3A, %select_n3A_20 : i32
    %ne3A_22 = arith.constant 0 : i32
    %ne3A_23 = arith.cmpi ne, %rem3A_21, %ne3A_22 : i32
    %lt3A = arith.constant 0 : i32
    %lt3A_24 = arith.cmpi slt, %rem3A_21, %lt3A : i32
    %lt3A_25 = arith.constant 0 : i32
    %lt3A_26 = arith.cmpi slt, %select_n3A_20, %lt3A_25 : i32
    %ne3A_27 = arith.xori %lt3A_24, %lt3A_26 : i1
    %and3A_28 = arith.andi %ne3A_27, %ne3A_23 : i1
    %add3A_29 = arith.addi %rem3A_21, %select_n3A_20 : i32
    %select_n3A_30 = arith.select %and3A_28, %add3A_29, %rem3A_21 : i32
    %mul3A_31 = arith.constant 25 : i32
    %mul3A_32 = arith.muli %select_n3A_30, %mul3A_31 : i32
    %dma_start3A = arith.constant 0 : i32
    %dma_start3A_33 = tpu.memref_slice %arg3[%mul3A_32, %select_n3A, %dma_start3A] : memref<50x16x64xi32, #tpu.memory_space<hbm>> -> memref<25x1x64xi32, #tpu.memory_space<hbm>>
    %dma_start3A_34 = tpu.memref_squeeze %dma_start3A_33 : memref<25x1x64xi32, #tpu.memory_space<hbm>> -> memref<25x64xi32, #tpu.memory_space<hbm>>
    %dma_start3A_35 = arith.constant 0 : i32
    %dma_start3A_36 = tpu.memref_slice %arg3[%mul3A_32, %select_n3A, %dma_start3A_35] : memref<50x16x64xi32, #tpu.memory_space<hbm>> -> memref<25x1x64xi32, #tpu.memory_space<hbm>>
    %dma_start3A_37 = tpu.memref_squeeze %dma_start3A_36 : memref<25x1x64xi32, #tpu.memory_space<hbm>> -> memref<25x64xi32, #tpu.memory_space<hbm>>
    tpu.enqueue_dma source(%dma_start3A_37 : memref<25x64xi32, #tpu.memory_space<hbm>>) target(%arg6 : memref<25x64xi32, #tpu.memory_space<vmem>>) target_semaphore(%arg15 : memref<!tpu.dma_semaphore, #tpu.memory_space<semaphore_mem>>)
    %add3A_38 = arith.constant 0 : i32
    %add3A_39 = arith.addi %mul3A_32, %add3A_38 : i32
    %dma_start3A_40 = arith.constant 0 : i32
    %dma_start3A_41 = arith.constant 0 : i32
    %dma_start3A_42 = arith.constant 0 : i32
    %dma_start3A_43 = tpu.memref_slice %arg8[%dma_start3A_40, %dma_start3A_41, %dma_start3A_42] : memref<3x64x128xf32, #tpu.memory_space<vmem>> -> memref<3x64x128xf32, #tpu.memory_space<vmem>>
    %dma_start3A_44 = arith.constant 0 : i32
    %dma_start3A_45 = arith.constant 0 : i32
    %dma_start3A_46 = tpu.memref_slice %arg2[%select_n3A, %add3A_39, %dma_start3A_44, %dma_start3A_45] : memref<16x50x64x128xf32, #tpu.memory_space<hbm>> -> memref<1x3x64x128xf32, #tpu.memory_space<hbm>>
    %dma_start3A_47 = tpu.memref_squeeze %dma_start3A_46 : memref<1x3x64x128xf32, #tpu.memory_space<hbm>> -> memref<3x64x128xf32, #tpu.memory_space<hbm>>
    %dma_start3A_48 = arith.constant 0 : i32
    %dma_start3A_49 = arith.constant 0 : i32
    %dma_start3A_50 = arith.constant 0 : i32
    %dma_start3A_51 = tpu.memref_slice %arg8[%dma_start3A_48, %dma_start3A_49, %dma_start3A_50] : memref<3x64x128xf32, #tpu.memory_space<vmem>> -> memref<3x64x128xf32, #tpu.memory_space<vmem>>
    %dma_start3A_52 = arith.constant 0 : i32
    %dma_start3A_53 = arith.constant 0 : i32
    %dma_start3A_54 = tpu.memref_slice %arg2[%select_n3A, %add3A_39, %dma_start3A_52, %dma_start3A_53] : memref<16x50x64x128xf32, #tpu.memory_space<hbm>> -> memref<1x3x64x128xf32, #tpu.memory_space<hbm>>
    %dma_start3A_55 = tpu.memref_squeeze %dma_start3A_54 : memref<1x3x64x128xf32, #tpu.memory_space<hbm>> -> memref<3x64x128xf32, #tpu.memory_space<hbm>>
    tpu.enqueue_dma source(%dma_start3A_55 : memref<3x64x128xf32, #tpu.memory_space<hbm>>) target(%dma_start3A_51 : memref<3x64x128xf32, #tpu.memory_space<vmem>>) target_semaphore(%arg12 : memref<!tpu.dma_semaphore, #tpu.memory_space<semaphore_mem>>)
    %add3A_56 = arith.constant 3 : i32
    %add3A_57 = arith.addi %mul3A_32, %add3A_56 : i32
    %dma_start3A_58 = arith.constant 0 : i32
    %dma_start3A_59 = arith.constant 0 : i32
    %dma_start3A_60 = arith.constant 0 : i32
    %dma_start3A_61 = tpu.memref_slice %arg9[%dma_start3A_58, %dma_start3A_59, %dma_start3A_60] : memref<3x64x128xf32, #tpu.memory_space<vmem>> -> memref<3x64x128xf32, #tpu.memory_space<vmem>>
    %dma_start3A_62 = arith.constant 0 : i32
    %dma_start3A_63 = arith.constant 0 : i32
    %dma_start3A_64 = tpu.memref_slice %arg2[%select_n3A, %add3A_57, %dma_start3A_62, %dma_start3A_63] : memref<16x50x64x128xf32, #tpu.memory_space<hbm>> -> memref<1x3x64x128xf32, #tpu.memory_space<hbm>>
    %dma_start3A_65 = tpu.memref_squeeze %dma_start3A_64 : memref<1x3x64x128xf32, #tpu.memory_space<hbm>> -> memref<3x64x128xf32, #tpu.memory_space<hbm>>
    %dma_start3A_66 = arith.constant 0 : i32
    %dma_start3A_67 = arith.constant 0 : i32
    %dma_start3A_68 = arith.constant 0 : i32
    %dma_start3A_69 = tpu.memref_slice %arg9[%dma_start3A_66, %dma_start3A_67, %dma_start3A_68] : memref<3x64x128xf32, #tpu.memory_space<vmem>> -> memref<3x64x128xf32, #tpu.memory_space<vmem>>
    %dma_start3A_70 = arith.constant 0 : i32
    %dma_start3A_71 = arith.constant 0 : i32
    %dma_start3A_72 = tpu.memref_slice %arg2[%select_n3A, %add3A_57, %dma_start3A_70, %dma_start3A_71] : memref<16x50x64x128xf32, #tpu.memory_space<hbm>> -> memref<1x3x64x128xf32, #tpu.memory_space<hbm>>
    %dma_start3A_73 = tpu.memref_squeeze %dma_start3A_72 : memref<1x3x64x128xf32, #tpu.memory_space<hbm>> -> memref<3x64x128xf32, #tpu.memory_space<hbm>>
    tpu.enqueue_dma source(%dma_start3A_73 : memref<3x64x128xf32, #tpu.memory_space<hbm>>) target(%dma_start3A_69 : memref<3x64x128xf32, #tpu.memory_space<vmem>>) target_semaphore(%arg12 : memref<!tpu.dma_semaphore, #tpu.memory_space<semaphore_mem>>)
    %eq3A_74 = arith.constant 0 : i32
    %eq3A_75 = arith.cmpi eq, %arg1, %eq3A_74 : i32
    %convert_element_type3A = arith.extui %eq3A_75 : i1 to i32
    %cond3A = arith.constant 0 : i32
    %cond3A_76 = arith.cmpi ne, %convert_element_type3A, %cond3A : i32
    scf.if %cond3A_76 {
      "tpu.region"() ({
        %run_scoped3A = tpu.sem_alloc : memref<!tpu.dma_semaphore, #tpu.memory_space<semaphore_mem>>
        tpu.enqueue_dma source(%arg4 : memref<1000x128xf32, #tpu.memory_space<hbm>>) target(%arg7 : memref<1000x128xf32, #tpu.memory_space<vmem_shared>>) target_semaphore(%run_scoped3A : memref<!tpu.dma_semaphore, #tpu.memory_space<semaphore_mem>>)
        tpu.wait_dma2 semaphore(%run_scoped3A : memref<!tpu.dma_semaphore, #tpu.memory_space<semaphore_mem>>) src(%arg4 : memref<1000x128xf32, #tpu.memory_space<hbm>>) dst(%arg7 : memref<1000x128xf32, #tpu.memory_space<vmem_shared>>)
        tpu.yield
      }) : () -> ()
    } else {
    }
    %dma_wait3A = arith.constant 0 : i32
    %dma_wait3A_77 = tpu.memref_slice %arg3[%mul3A_32, %select_n3A, %dma_wait3A] : memref<50x16x64xi32, #tpu.memory_space<hbm>> -> memref<25x1x64xi32, #tpu.memory_space<hbm>>
    %dma_wait3A_78 = tpu.memref_squeeze %dma_wait3A_77 : memref<25x1x64xi32, #tpu.memory_space<hbm>> -> memref<25x64xi32, #tpu.memory_space<hbm>>
    %dma_wait3A_79 = arith.constant 0 : i32
    %dma_wait3A_80 = tpu.memref_slice %arg3[%mul3A_32, %select_n3A, %dma_wait3A_79] : memref<50x16x64xi32, #tpu.memory_space<hbm>> -> memref<25x1x64xi32, #tpu.memory_space<hbm>>
    %dma_wait3A_81 = tpu.memref_squeeze %dma_wait3A_80 : memref<25x1x64xi32, #tpu.memory_space<hbm>> -> memref<25x64xi32, #tpu.memory_space<hbm>>
    tpu.wait_dma2 semaphore(%arg15 : memref<!tpu.dma_semaphore, #tpu.memory_space<semaphore_mem>>) src(%dma_wait3A_81 : memref<25x64xi32, #tpu.memory_space<hbm>>) dst(%arg6 : memref<25x64xi32, #tpu.memory_space<vmem>>)
    %barrier3A = arith.constant 0 : index
    tpu.barrier barrier_id(%barrier3A)
    %add3A_82 = arith.constant 6 : i32
    %add3A_83 = arith.addi %mul3A_32, %add3A_82 : i32
    %dma_start3A_84 = arith.constant 0 : i32
    %dma_start3A_85 = arith.constant 0 : i32
    %dma_start3A_86 = arith.constant 0 : i32
    %dma_start3A_87 = tpu.memref_slice %arg10[%dma_start3A_84, %dma_start3A_85, %dma_start3A_86] : memref<3x64x128xf32, #tpu.memory_space<vmem>> -> memref<3x64x128xf32, #tpu.memory_space<vmem>>
    %dma_start3A_88 = arith.constant 0 : i32
    %dma_start3A_89 = arith.constant 0 : i32
    %dma_start3A_90 = tpu.memref_slice %arg2[%select_n3A, %add3A_83, %dma_start3A_88, %dma_start3A_89] : memref<16x50x64x128xf32, #tpu.memory_space<hbm>> -> memref<1x3x64x128xf32, #tpu.memory_space<hbm>>
    %dma_start3A_91 = tpu.memref_squeeze %dma_start3A_90 : memref<1x3x64x128xf32, #tpu.memory_space<hbm>> -> memref<3x64x128xf32, #tpu.memory_space<hbm>>
    %dma_start3A_92 = arith.constant 0 : i32
    %dma_start3A_93 = arith.constant 0 : i32
    %dma_start3A_94 = arith.constant 0 : i32
    %dma_start3A_95 = tpu.memref_slice %arg10[%dma_start3A_92, %dma_start3A_93, %dma_start3A_94] : memref<3x64x128xf32, #tpu.memory_space<vmem>> -> memref<3x64x128xf32, #tpu.memory_space<vmem>>
    %dma_start3A_96 = arith.constant 0 : i32
    %dma_start3A_97 = arith.constant 0 : i32
    %dma_start3A_98 = tpu.memref_slice %arg2[%select_n3A, %add3A_83, %dma_start3A_96, %dma_start3A_97] : memref<16x50x64x128xf32, #tpu.memory_space<hbm>> -> memref<1x3x64x128xf32, #tpu.memory_space<hbm>>
    %dma_start3A_99 = tpu.memref_squeeze %dma_start3A_98 : memref<1x3x64x128xf32, #tpu.memory_space<hbm>> -> memref<3x64x128xf32, #tpu.memory_space<hbm>>
    tpu.enqueue_dma source(%dma_start3A_99 : memref<3x64x128xf32, #tpu.memory_space<hbm>>) target(%dma_start3A_95 : memref<3x64x128xf32, #tpu.memory_space<vmem>>) target_semaphore(%arg12 : memref<!tpu.dma_semaphore, #tpu.memory_space<semaphore_mem>>)
    %dma_wait3A_100 = arith.constant 0 : i32
    %dma_wait3A_101 = arith.constant 0 : i32
    %dma_wait3A_102 = arith.constant 0 : i32
    %dma_wait3A_103 = tpu.memref_slice %arg8[%dma_wait3A_100, %dma_wait3A_101, %dma_wait3A_102] : memref<3x64x128xf32, #tpu.memory_space<vmem>> -> memref<3x64x128xf32, #tpu.memory_space<vmem>>
    %dma_wait3A_104 = arith.constant 0 : i32
    %dma_wait3A_105 = arith.constant 0 : i32
    %dma_wait3A_106 = tpu.memref_slice %arg2[%select_n3A, %add3A_39, %dma_wait3A_104, %dma_wait3A_105] : memref<16x50x64x128xf32, #tpu.memory_space<hbm>> -> memref<1x3x64x128xf32, #tpu.memory_space<hbm>>
    %dma_wait3A_107 = tpu.memref_squeeze %dma_wait3A_106 : memref<1x3x64x128xf32, #tpu.memory_space<hbm>> -> memref<3x64x128xf32, #tpu.memory_space<hbm>>
    %dma_wait3A_108 = arith.constant 0 : i32
    %dma_wait3A_109 = arith.constant 0 : i32
    %dma_wait3A_110 = arith.constant 0 : i32
    %dma_wait3A_111 = tpu.memref_slice %arg8[%dma_wait3A_108, %dma_wait3A_109, %dma_wait3A_110] : memref<3x64x128xf32, #tpu.memory_space<vmem>> -> memref<3x64x128xf32, #tpu.memory_space<vmem>>
    %dma_wait3A_112 = arith.constant 0 : i32
    %dma_wait3A_113 = arith.constant 0 : i32
    %dma_wait3A_114 = tpu.memref_slice %arg2[%select_n3A, %add3A_39, %dma_wait3A_112, %dma_wait3A_113] : memref<16x50x64x128xf32, #tpu.memory_space<hbm>> -> memref<1x3x64x128xf32, #tpu.memory_space<hbm>>
    %dma_wait3A_115 = tpu.memref_squeeze %dma_wait3A_114 : memref<1x3x64x128xf32, #tpu.memory_space<hbm>> -> memref<3x64x128xf32, #tpu.memory_space<hbm>>
    tpu.wait_dma2 semaphore(%arg12 : memref<!tpu.dma_semaphore, #tpu.memory_space<semaphore_mem>>) src(%dma_wait3A_115 : memref<3x64x128xf32, #tpu.memory_space<hbm>>) dst(%dma_wait3A_111 : memref<3x64x128xf32, #tpu.memory_space<vmem>>)
    %dma_start3A_116 = arith.constant 0 : i32
    %dma_start3A_117 = arith.constant 0 : i32
    %dma_start3A_118 = arith.constant 0 : i32
    %dma_start3A_119 = arith.constant 0 : i32
    %dma_start3A_120 = tpu.memref_slice %arg8[%dma_start3A_117, %dma_start3A_118, %dma_start3A_119] : memref<3x64x128xf32, #tpu.memory_space<vmem>> -> memref<1x64x128xf32, #tpu.memory_space<vmem>>
    %dma_start3A_121 = tpu.memref_squeeze %dma_start3A_120 : memref<1x64x128xf32, #tpu.memory_space<vmem>> -> memref<64x128xf32, #tpu.memory_space<vmem>>
    %dma_start3A_122 = arith.constant 0 : i32
    %dma_start3A_123 = tpu.memref_slice %arg6[%dma_start3A_116, %dma_start3A_122] : memref<25x64xi32, #tpu.memory_space<vmem>> -> memref<1x64xi32, #tpu.memory_space<vmem>>
    %dma_start3A_124 = tpu.memref_squeeze %dma_start3A_123 : memref<1x64xi32, #tpu.memory_space<vmem>> -> memref<64xi32, #tpu.memory_space<vmem>>
    %dma_start3A_125 = arith.constant 0 : i32
    %dma_start3A_126 = arith.constant 0 : i32
    %dma_start3A_127 = tpu.memref_slice %arg7[%dma_start3A_125, %dma_start3A_126] : memref<1000x128xf32, #tpu.memory_space<vmem_shared>> -> memref<1000x128xf32, #tpu.memory_space<vmem_shared>>
    tpu.enqueue_indirect_dma source(%dma_start3A_127 : memref<1000x128xf32, #tpu.memory_space<vmem_shared>>) target(%dma_start3A_121 : memref<64x128xf32, #tpu.memory_space<vmem>>) offsets(%dma_start3A_124 : memref<64xi32, #tpu.memory_space<vmem>>) semaphore(%arg13 : memref<!tpu.dma_semaphore, #tpu.memory_space<semaphore_mem>>) {add = true}
    %dma_start3A_128 = arith.constant 1 : i32
    %dma_start3A_129 = arith.constant 1 : i32
    %dma_start3A_130 = arith.constant 0 : i32
    %dma_start3A_131 = arith.constant 0 : i32
    %dma_start3A_132 = tpu.memref_slice %arg8[%dma_start3A_129, %dma_start3A_130, %dma_start3A_131] : memref<3x64x128xf32, #tpu.memory_space<vmem>> -> memref<1x64x128xf32, #tpu.memory_space<vmem>>
    %dma_start3A_133 = tpu.memref_squeeze %dma_start3A_132 : memref<1x64x128xf32, #tpu.memory_space<vmem>> -> memref<64x128xf32, #tpu.memory_space<vmem>>
    %dma_start3A_134 = arith.constant 0 : i32
    %dma_start3A_135 = tpu.memref_slice %arg6[%dma_start3A_128, %dma_start3A_134] : memref<25x64xi32, #tpu.memory_space<vmem>> -> memref<1x64xi32, #tpu.memory_space<vmem>>
    %dma_start3A_136 = tpu.memref_squeeze %dma_start3A_135 : memref<1x64xi32, #tpu.memory_space<vmem>> -> memref<64xi32, #tpu.memory_space<vmem>>
    %dma_start3A_137 = arith.constant 0 : i32
    %dma_start3A_138 = arith.constant 0 : i32
    %dma_start3A_139 = tpu.memref_slice %arg7[%dma_start3A_137, %dma_start3A_138] : memref<1000x128xf32, #tpu.memory_space<vmem_shared>> -> memref<1000x128xf32, #tpu.memory_space<vmem_shared>>
    tpu.enqueue_indirect_dma source(%dma_start3A_139 : memref<1000x128xf32, #tpu.memory_space<vmem_shared>>) target(%dma_start3A_133 : memref<64x128xf32, #tpu.memory_space<vmem>>) offsets(%dma_start3A_136 : memref<64xi32, #tpu.memory_space<vmem>>) semaphore(%arg13 : memref<!tpu.dma_semaphore, #tpu.memory_space<semaphore_mem>>) {add = true}
    %dma_start3A_140 = arith.constant 2 : i32
    %dma_start3A_141 = arith.constant 2 : i32
    %dma_start3A_142 = arith.constant 0 : i32
    %dma_start3A_143 = arith.constant 0 : i32
    %dma_start3A_144 = tpu.memref_slice %arg8[%dma_start3A_141, %dma_start3A_142, %dma_start3A_143] : memref<3x64x128xf32, #tpu.memory_space<vmem>> -> memref<1x64x128xf32, #tpu.memory_space<vmem>>
    %dma_start3A_145 = tpu.memref_squeeze %dma_start3A_144 : memref<1x64x128xf32, #tpu.memory_space<vmem>> -> memref<64x128xf32, #tpu.memory_space<vmem>>
    %dma_start3A_146 = arith.constant 0 : i32
    %dma_start3A_147 = tpu.memref_slice %arg6[%dma_start3A_140, %dma_start3A_146] : memref<25x64xi32, #tpu.memory_space<vmem>> -> memref<1x64xi32, #tpu.memory_space<vmem>>
    %dma_start3A_148 = tpu.memref_squeeze %dma_start3A_147 : memref<1x64xi32, #tpu.memory_space<vmem>> -> memref<64xi32, #tpu.memory_space<vmem>>
    %dma_start3A_149 = arith.constant 0 : i32
    %dma_start3A_150 = arith.constant 0 : i32
    %dma_start3A_151 = tpu.memref_slice %arg7[%dma_start3A_149, %dma_start3A_150] : memref<1000x128xf32, #tpu.memory_space<vmem_shared>> -> memref<1000x128xf32, #tpu.memory_space<vmem_shared>>
    tpu.enqueue_indirect_dma source(%dma_start3A_151 : memref<1000x128xf32, #tpu.memory_space<vmem_shared>>) target(%dma_start3A_145 : memref<64x128xf32, #tpu.memory_space<vmem>>) offsets(%dma_start3A_148 : memref<64xi32, #tpu.memory_space<vmem>>) semaphore(%arg13 : memref<!tpu.dma_semaphore, #tpu.memory_space<semaphore_mem>>) {add = true}
    %add3A_152 = arith.constant 9 : i32
    %add3A_153 = arith.addi %mul3A_32, %add3A_152 : i32
    %dma_start3A_154 = arith.constant 0 : i32
    %dma_start3A_155 = arith.constant 0 : i32
    %dma_start3A_156 = arith.constant 0 : i32
    %dma_start3A_157 = tpu.memref_slice %arg11[%dma_start3A_154, %dma_start3A_155, %dma_start3A_156] : memref<3x64x128xf32, #tpu.memory_space<vmem>> -> memref<3x64x128xf32, #tpu.memory_space<vmem>>
    %dma_start3A_158 = arith.constant 0 : i32
    %dma_start3A_159 = arith.constant 0 : i32
    %dma_start3A_160 = tpu.memref_slice %arg2[%select_n3A, %add3A_153, %dma_start3A_158, %dma_start3A_159] : memref<16x50x64x128xf32, #tpu.memory_space<hbm>> -> memref<1x3x64x128xf32, #tpu.memory_space<hbm>>
    %dma_start3A_161 = tpu.memref_squeeze %dma_start3A_160 : memref<1x3x64x128xf32, #tpu.memory_space<hbm>> -> memref<3x64x128xf32, #tpu.memory_space<hbm>>
    %dma_start3A_162 = arith.constant 0 : i32
    %dma_start3A_163 = arith.constant 0 : i32
    %dma_start3A_164 = arith.constant 0 : i32
    %dma_start3A_165 = tpu.memref_slice %arg11[%dma_start3A_162, %dma_start3A_163, %dma_start3A_164] : memref<3x64x128xf32, #tpu.memory_space<vmem>> -> memref<3x64x128xf32, #tpu.memory_space<vmem>>
    %dma_start3A_166 = arith.constant 0 : i32
    %dma_start3A_167 = arith.constant 0 : i32
    %dma_start3A_168 = tpu.memref_slice %arg2[%select_n3A, %add3A_153, %dma_start3A_166, %dma_start3A_167] : memref<16x50x64x128xf32, #tpu.memory_space<hbm>> -> memref<1x3x64x128xf32, #tpu.memory_space<hbm>>
    %dma_start3A_169 = tpu.memref_squeeze %dma_start3A_168 : memref<1x3x64x128xf32, #tpu.memory_space<hbm>> -> memref<3x64x128xf32, #tpu.memory_space<hbm>>
    tpu.enqueue_dma source(%dma_start3A_169 : memref<3x64x128xf32, #tpu.memory_space<hbm>>) target(%dma_start3A_165 : memref<3x64x128xf32, #tpu.memory_space<vmem>>) target_semaphore(%arg12 : memref<!tpu.dma_semaphore, #tpu.memory_space<semaphore_mem>>)
    %dma_wait3A_170 = arith.constant 0 : i32
    %dma_wait3A_171 = arith.constant 0 : i32
    %dma_wait3A_172 = arith.constant 0 : i32
    %dma_wait3A_173 = tpu.memref_slice %arg9[%dma_wait3A_170, %dma_wait3A_171, %dma_wait3A_172] : memref<3x64x128xf32, #tpu.memory_space<vmem>> -> memref<3x64x128xf32, #tpu.memory_space<vmem>>
    %dma_wait3A_174 = arith.constant 0 : i32
    %dma_wait3A_175 = arith.constant 0 : i32
    %dma_wait3A_176 = tpu.memref_slice %arg2[%select_n3A, %add3A_57, %dma_wait3A_174, %dma_wait3A_175] : memref<16x50x64x128xf32, #tpu.memory_space<hbm>> -> memref<1x3x64x128xf32, #tpu.memory_space<hbm>>
    %dma_wait3A_177 = tpu.memref_squeeze %dma_wait3A_176 : memref<1x3x64x128xf32, #tpu.memory_space<hbm>> -> memref<3x64x128xf32, #tpu.memory_space<hbm>>
    %dma_wait3A_178 = arith.constant 0 : i32
    %dma_wait3A_179 = arith.constant 0 : i32
    %dma_wait3A_180 = arith.constant 0 : i32
    %dma_wait3A_181 = tpu.memref_slice %arg9[%dma_wait3A_178, %dma_wait3A_179, %dma_wait3A_180] : memref<3x64x128xf32, #tpu.memory_space<vmem>> -> memref<3x64x128xf32, #tpu.memory_space<vmem>>
    %dma_wait3A_182 = arith.constant 0 : i32
    %dma_wait3A_183 = arith.constant 0 : i32
    %dma_wait3A_184 = tpu.memref_slice %arg2[%select_n3A, %add3A_57, %dma_wait3A_182, %dma_wait3A_183] : memref<16x50x64x128xf32, #tpu.memory_space<hbm>> -> memref<1x3x64x128xf32, #tpu.memory_space<hbm>>
    %dma_wait3A_185 = tpu.memref_squeeze %dma_wait3A_184 : memref<1x3x64x128xf32, #tpu.memory_space<hbm>> -> memref<3x64x128xf32, #tpu.memory_space<hbm>>
    tpu.wait_dma2 semaphore(%arg12 : memref<!tpu.dma_semaphore, #tpu.memory_space<semaphore_mem>>) src(%dma_wait3A_185 : memref<3x64x128xf32, #tpu.memory_space<hbm>>) dst(%dma_wait3A_181 : memref<3x64x128xf32, #tpu.memory_space<vmem>>)
    %dma_start3A_186 = arith.constant 3 : i32
    %dma_start3A_187 = arith.constant 0 : i32
    %dma_start3A_188 = arith.constant 0 : i32
    %dma_start3A_189 = arith.constant 0 : i32
    %dma_start3A_190 = tpu.memref_slice %arg9[%dma_start3A_187, %dma_start3A_188, %dma_start3A_189] : memref<3x64x128xf32, #tpu.memory_space<vmem>> -> memref<1x64x128xf32, #tpu.memory_space<vmem>>
    %dma_start3A_191 = tpu.memref_squeeze %dma_start3A_190 : memref<1x64x128xf32, #tpu.memory_space<vmem>> -> memref<64x128xf32, #tpu.memory_space<vmem>>
    %dma_start3A_192 = arith.constant 0 : i32
    %dma_start3A_193 = tpu.memref_slice %arg6[%dma_start3A_186, %dma_start3A_192] : memref<25x64xi32, #tpu.memory_space<vmem>> -> memref<1x64xi32, #tpu.memory_space<vmem>>
    %dma_start3A_194 = tpu.memref_squeeze %dma_start3A_193 : memref<1x64xi32, #tpu.memory_space<vmem>> -> memref<64xi32, #tpu.memory_space<vmem>>
    %dma_start3A_195 = arith.constant 0 : i32
    %dma_start3A_196 = arith.constant 0 : i32
    %dma_start3A_197 = tpu.memref_slice %arg7[%dma_start3A_195, %dma_start3A_196] : memref<1000x128xf32, #tpu.memory_space<vmem_shared>> -> memref<1000x128xf32, #tpu.memory_space<vmem_shared>>
    tpu.enqueue_indirect_dma source(%dma_start3A_197 : memref<1000x128xf32, #tpu.memory_space<vmem_shared>>) target(%dma_start3A_191 : memref<64x128xf32, #tpu.memory_space<vmem>>) offsets(%dma_start3A_194 : memref<64xi32, #tpu.memory_space<vmem>>) semaphore(%arg13 : memref<!tpu.dma_semaphore, #tpu.memory_space<semaphore_mem>>) {add = true}
    %dma_start3A_198 = arith.constant 4 : i32
    %dma_start3A_199 = arith.constant 1 : i32
    %dma_start3A_200 = arith.constant 0 : i32
    %dma_start3A_201 = arith.constant 0 : i32
    %dma_start3A_202 = tpu.memref_slice %arg9[%dma_start3A_199, %dma_start3A_200, %dma_start3A_201] : memref<3x64x128xf32, #tpu.memory_space<vmem>> -> memref<1x64x128xf32, #tpu.memory_space<vmem>>
    %dma_start3A_203 = tpu.memref_squeeze %dma_start3A_202 : memref<1x64x128xf32, #tpu.memory_space<vmem>> -> memref<64x128xf32, #tpu.memory_space<vmem>>
    %dma_start3A_204 = arith.constant 0 : i32
    %dma_start3A_205 = tpu.memref_slice %arg6[%dma_start3A_198, %dma_start3A_204] : memref<25x64xi32, #tpu.memory_space<vmem>> -> memref<1x64xi32, #tpu.memory_space<vmem>>
    %dma_start3A_206 = tpu.memref_squeeze %dma_start3A_205 : memref<1x64xi32, #tpu.memory_space<vmem>> -> memref<64xi32, #tpu.memory_space<vmem>>
    %dma_start3A_207 = arith.constant 0 : i32
    %dma_start3A_208 = arith.constant 0 : i32
    %dma_start3A_209 = tpu.memref_slice %arg7[%dma_start3A_207, %dma_start3A_208] : memref<1000x128xf32, #tpu.memory_space<vmem_shared>> -> memref<1000x128xf32, #tpu.memory_space<vmem_shared>>
    tpu.enqueue_indirect_dma source(%dma_start3A_209 : memref<1000x128xf32, #tpu.memory_space<vmem_shared>>) target(%dma_start3A_203 : memref<64x128xf32, #tpu.memory_space<vmem>>) offsets(%dma_start3A_206 : memref<64xi32, #tpu.memory_space<vmem>>) semaphore(%arg13 : memref<!tpu.dma_semaphore, #tpu.memory_space<semaphore_mem>>) {add = true}
    %dma_start3A_210 = arith.constant 5 : i32
    %dma_start3A_211 = arith.constant 2 : i32
    %dma_start3A_212 = arith.constant 0 : i32
    %dma_start3A_213 = arith.constant 0 : i32
    %dma_start3A_214 = tpu.memref_slice %arg9[%dma_start3A_211, %dma_start3A_212, %dma_start3A_213] : memref<3x64x128xf32, #tpu.memory_space<vmem>> -> memref<1x64x128xf32, #tpu.memory_space<vmem>>
    %dma_start3A_215 = tpu.memref_squeeze %dma_start3A_214 : memref<1x64x128xf32, #tpu.memory_space<vmem>> -> memref<64x128xf32, #tpu.memory_space<vmem>>
    %dma_start3A_216 = arith.constant 0 : i32
    %dma_start3A_217 = tpu.memref_slice %arg6[%dma_start3A_210, %dma_start3A_216] : memref<25x64xi32, #tpu.memory_space<vmem>> -> memref<1x64xi32, #tpu.memory_space<vmem>>
    %dma_start3A_218 = tpu.memref_squeeze %dma_start3A_217 : memref<1x64xi32, #tpu.memory_space<vmem>> -> memref<64xi32, #tpu.memory_space<vmem>>
    %dma_start3A_219 = arith.constant 0 : i32
    %dma_start3A_220 = arith.constant 0 : i32
    %dma_start3A_221 = tpu.memref_slice %arg7[%dma_start3A_219, %dma_start3A_220] : memref<1000x128xf32, #tpu.memory_space<vmem_shared>> -> memref<1000x128xf32, #tpu.memory_space<vmem_shared>>
    tpu.enqueue_indirect_dma source(%dma_start3A_221 : memref<1000x128xf32, #tpu.memory_space<vmem_shared>>) target(%dma_start3A_215 : memref<64x128xf32, #tpu.memory_space<vmem>>) offsets(%dma_start3A_218 : memref<64xi32, #tpu.memory_space<vmem>>) semaphore(%arg13 : memref<!tpu.dma_semaphore, #tpu.memory_space<semaphore_mem>>) {add = true}
    %dma_wait3A_222 = arith.constant 0 : i32
    %dma_wait3A_223 = arith.constant 0 : i32
    %dma_wait3A_224 = arith.constant 0 : i32
    %dma_wait3A_225 = arith.constant 0 : i32
    %dma_wait3A_226 = tpu.memref_slice %arg8[%dma_wait3A_223, %dma_wait3A_224, %dma_wait3A_225] : memref<3x64x128xf32, #tpu.memory_space<vmem>> -> memref<1x64x128xf32, #tpu.memory_space<vmem>>
    %dma_wait3A_227 = tpu.memref_squeeze %dma_wait3A_226 : memref<1x64x128xf32, #tpu.memory_space<vmem>> -> memref<64x128xf32, #tpu.memory_space<vmem>>
    %dma_wait3A_228 = arith.constant 0 : i32
    %dma_wait3A_229 = tpu.memref_slice %arg6[%dma_wait3A_222, %dma_wait3A_228] : memref<25x64xi32, #tpu.memory_space<vmem>> -> memref<1x64xi32, #tpu.memory_space<vmem>>
    %dma_wait3A_230 = tpu.memref_squeeze %dma_wait3A_229 : memref<1x64xi32, #tpu.memory_space<vmem>> -> memref<64xi32, #tpu.memory_space<vmem>>
    %dma_wait3A_231 = arith.constant 0 : i32
    %dma_wait3A_232 = arith.constant 0 : i32
    %dma_wait3A_233 = tpu.memref_slice %arg7[%dma_wait3A_231, %dma_wait3A_232] : memref<1000x128xf32, #tpu.memory_space<vmem_shared>> -> memref<1000x128xf32, #tpu.memory_space<vmem_shared>>
    tpu.wait_indirect_dma semaphore(%arg13 : memref<!tpu.dma_semaphore, #tpu.memory_space<semaphore_mem>>) src(%dma_wait3A_233 : memref<1000x128xf32, #tpu.memory_space<vmem_shared>>) dst(%dma_wait3A_227 : memref<64x128xf32, #tpu.memory_space<vmem>>)
    %dma_wait3A_234 = arith.constant 1 : i32
    %dma_wait3A_235 = arith.constant 1 : i32
    %dma_wait3A_236 = arith.constant 0 : i32
    %dma_wait3A_237 = arith.constant 0 : i32
    %dma_wait3A_238 = tpu.memref_slice %arg8[%dma_wait3A_235, %dma_wait3A_236, %dma_wait3A_237] : memref<3x64x128xf32, #tpu.memory_space<vmem>> -> memref<1x64x128xf32, #tpu.memory_space<vmem>>
    %dma_wait3A_239 = tpu.memref_squeeze %dma_wait3A_238 : memref<1x64x128xf32, #tpu.memory_space<vmem>> -> memref<64x128xf32, #tpu.memory_space<vmem>>
    %dma_wait3A_240 = arith.constant 0 : i32
    %dma_wait3A_241 = tpu.memref_slice %arg6[%dma_wait3A_234, %dma_wait3A_240] : memref<25x64xi32, #tpu.memory_space<vmem>> -> memref<1x64xi32, #tpu.memory_space<vmem>>
    %dma_wait3A_242 = tpu.memref_squeeze %dma_wait3A_241 : memref<1x64xi32, #tpu.memory_space<vmem>> -> memref<64xi32, #tpu.memory_space<vmem>>
    %dma_wait3A_243 = arith.constant 0 : i32
    %dma_wait3A_244 = arith.constant 0 : i32
    %dma_wait3A_245 = tpu.memref_slice %arg7[%dma_wait3A_243, %dma_wait3A_244] : memref<1000x128xf32, #tpu.memory_space<vmem_shared>> -> memref<1000x128xf32, #tpu.memory_space<vmem_shared>>
    tpu.wait_indirect_dma semaphore(%arg13 : memref<!tpu.dma_semaphore, #tpu.memory_space<semaphore_mem>>) src(%dma_wait3A_245 : memref<1000x128xf32, #tpu.memory_space<vmem_shared>>) dst(%dma_wait3A_239 : memref<64x128xf32, #tpu.memory_space<vmem>>)
    %dma_wait3A_246 = arith.constant 2 : i32
    %dma_wait3A_247 = arith.constant 2 : i32
    %dma_wait3A_248 = arith.constant 0 : i32
    %dma_wait3A_249 = arith.constant 0 : i32
    %dma_wait3A_250 = tpu.memref_slice %arg8[%dma_wait3A_247, %dma_wait3A_248, %dma_wait3A_249] : memref<3x64x128xf32, #tpu.memory_space<vmem>> -> memref<1x64x128xf32, #tpu.memory_space<vmem>>
    %dma_wait3A_251 = tpu.memref_squeeze %dma_wait3A_250 : memref<1x64x128xf32, #tpu.memory_space<vmem>> -> memref<64x128xf32, #tpu.memory_space<vmem>>
    %dma_wait3A_252 = arith.constant 0 : i32
    %dma_wait3A_253 = tpu.memref_slice %arg6[%dma_wait3A_246, %dma_wait3A_252] : memref<25x64xi32, #tpu.memory_space<vmem>> -> memref<1x64xi32, #tpu.memory_space<vmem>>
    %dma_wait3A_254 = tpu.memref_squeeze %dma_wait3A_253 : memref<1x64xi32, #tpu.memory_space<vmem>> -> memref<64xi32, #tpu.memory_space<vmem>>
    %dma_wait3A_255 = arith.constant 0 : i32
    %dma_wait3A_256 = arith.constant 0 : i32
    %dma_wait3A_257 = tpu.memref_slice %arg7[%dma_wait3A_255, %dma_wait3A_256] : memref<1000x128xf32, #tpu.memory_space<vmem_shared>> -> memref<1000x128xf32, #tpu.memory_space<vmem_shared>>
    tpu.wait_indirect_dma semaphore(%arg13 : memref<!tpu.dma_semaphore, #tpu.memory_space<semaphore_mem>>) src(%dma_wait3A_257 : memref<1000x128xf32, #tpu.memory_space<vmem_shared>>) dst(%dma_wait3A_251 : memref<64x128xf32, #tpu.memory_space<vmem>>)
    %add3A_258 = arith.constant 0 : i32
    %add3A_259 = arith.addi %mul3A_32, %add3A_258 : i32
    %dma_start3A_260 = arith.constant 0 : i32
    %dma_start3A_261 = arith.constant 0 : i32
    %dma_start3A_262 = arith.constant 0 : i32
    %dma_start3A_263 = tpu.memref_slice %arg8[%dma_start3A_260, %dma_start3A_261, %dma_start3A_262] : memref<3x64x128xf32, #tpu.memory_space<vmem>> -> memref<3x64x128xf32, #tpu.memory_space<vmem>>
    %dma_start3A_264 = arith.constant 0 : i32
    %dma_start3A_265 = arith.constant 0 : i32
    %dma_start3A_266 = tpu.memref_slice %arg5[%select_n3A, %add3A_259, %dma_start3A_264, %dma_start3A_265] : memref<16x50x64x128xf32, #tpu.memory_space<hbm>> -> memref<1x3x64x128xf32, #tpu.memory_space<hbm>>
    %dma_start3A_267 = tpu.memref_squeeze %dma_start3A_266 : memref<1x3x64x128xf32, #tpu.memory_space<hbm>> -> memref<3x64x128xf32, #tpu.memory_space<hbm>>
    %dma_start3A_268 = arith.constant 0 : i32
    %dma_start3A_269 = arith.constant 0 : i32
    %dma_start3A_270 = tpu.memref_slice %arg5[%select_n3A, %add3A_259, %dma_start3A_268, %dma_start3A_269] : memref<16x50x64x128xf32, #tpu.memory_space<hbm>> -> memref<1x3x64x128xf32, #tpu.memory_space<hbm>>
    %dma_start3A_271 = tpu.memref_squeeze %dma_start3A_270 : memref<1x3x64x128xf32, #tpu.memory_space<hbm>> -> memref<3x64x128xf32, #tpu.memory_space<hbm>>
    %dma_start3A_272 = arith.constant 0 : i32
    %dma_start3A_273 = arith.constant 0 : i32
    %dma_start3A_274 = arith.constant 0 : i32
    %dma_start3A_275 = tpu.memref_slice %arg8[%dma_start3A_272, %dma_start3A_273, %dma_start3A_274] : memref<3x64x128xf32, #tpu.memory_space<vmem>> -> memref<3x64x128xf32, #tpu.memory_space<vmem>>
    tpu.enqueue_dma source(%dma_start3A_275 : memref<3x64x128xf32, #tpu.memory_space<vmem>>) target(%dma_start3A_271 : memref<3x64x128xf32, #tpu.memory_space<hbm>>) target_semaphore(%arg14 : memref<!tpu.dma_semaphore, #tpu.memory_space<semaphore_mem>>)
    %dma_wait3A_276 = arith.constant 0 : i32
    %dma_wait3A_277 = arith.constant 0 : i32
    %dma_wait3A_278 = arith.constant 0 : i32
    %dma_wait3A_279 = tpu.memref_slice %arg8[%dma_wait3A_276, %dma_wait3A_277, %dma_wait3A_278] : memref<3x64x128xf32, #tpu.memory_space<vmem>> -> memref<3x64x128xf32, #tpu.memory_space<vmem>>
    %dma_wait3A_280 = arith.constant 0 : i32
    %dma_wait3A_281 = arith.constant 0 : i32
    %dma_wait3A_282 = tpu.memref_slice %arg5[%select_n3A, %add3A_259, %dma_wait3A_280, %dma_wait3A_281] : memref<16x50x64x128xf32, #tpu.memory_space<hbm>> -> memref<1x3x64x128xf32, #tpu.memory_space<hbm>>
    %dma_wait3A_283 = tpu.memref_squeeze %dma_wait3A_282 : memref<1x3x64x128xf32, #tpu.memory_space<hbm>> -> memref<3x64x128xf32, #tpu.memory_space<hbm>>
    %dma_wait3A_284 = arith.constant 0 : i32
    %dma_wait3A_285 = arith.constant 0 : i32
    %dma_wait3A_286 = tpu.memref_slice %arg5[%select_n3A, %add3A_259, %dma_wait3A_284, %dma_wait3A_285] : memref<16x50x64x128xf32, #tpu.memory_space<hbm>> -> memref<1x3x64x128xf32, #tpu.memory_space<hbm>>
    %dma_wait3A_287 = tpu.memref_squeeze %dma_wait3A_286 : memref<1x3x64x128xf32, #tpu.memory_space<hbm>> -> memref<3x64x128xf32, #tpu.memory_space<hbm>>
    %dma_wait3A_288 = arith.constant 0 : i32
    %dma_wait3A_289 = arith.constant 0 : i32
    %dma_wait3A_290 = arith.constant 0 : i32
    %dma_wait3A_291 = tpu.memref_slice %arg8[%dma_wait3A_288, %dma_wait3A_289, %dma_wait3A_290] : memref<3x64x128xf32, #tpu.memory_space<vmem>> -> memref<3x64x128xf32, #tpu.memory_space<vmem>>
    tpu.wait_dma2 semaphore(%arg14 : memref<!tpu.dma_semaphore, #tpu.memory_space<semaphore_mem>>) src(%dma_wait3A_291 : memref<3x64x128xf32, #tpu.memory_space<vmem>>) dst(%dma_wait3A_287 : memref<3x64x128xf32, #tpu.memory_space<hbm>>)
    %add3A_292 = arith.constant 12 : i32
    %add3A_293 = arith.addi %mul3A_32, %add3A_292 : i32
    %dma_start3A_294 = arith.constant 0 : i32
    %dma_start3A_295 = arith.constant 0 : i32
    %dma_start3A_296 = arith.constant 0 : i32
    %dma_start3A_297 = tpu.memref_slice %arg8[%dma_start3A_294, %dma_start3A_295, %dma_start3A_296] : memref<3x64x128xf32, #tpu.memory_space<vmem>> -> memref<3x64x128xf32, #tpu.memory_space<vmem>>
    %dma_start3A_298 = arith.constant 0 : i32
    %dma_start3A_299 = arith.constant 0 : i32
    %dma_start3A_300 = tpu.memref_slice %arg2[%select_n3A, %add3A_293, %dma_start3A_298, %dma_start3A_299] : memref<16x50x64x128xf32, #tpu.memory_space<hbm>> -> memref<1x3x64x128xf32, #tpu.memory_space<hbm>>
    %dma_start3A_301 = tpu.memref_squeeze %dma_start3A_300 : memref<1x3x64x128xf32, #tpu.memory_space<hbm>> -> memref<3x64x128xf32, #tpu.memory_space<hbm>>
    %dma_start3A_302 = arith.constant 0 : i32
    %dma_start3A_303 = arith.constant 0 : i32
    %dma_start3A_304 = arith.constant 0 : i32
    %dma_start3A_305 = tpu.memref_slice %arg8[%dma_start3A_302, %dma_start3A_303, %dma_start3A_304] : memref<3x64x128xf32, #tpu.memory_space<vmem>> -> memref<3x64x128xf32, #tpu.memory_space<vmem>>
    %dma_start3A_306 = arith.constant 0 : i32
    %dma_start3A_307 = arith.constant 0 : i32
    %dma_start3A_308 = tpu.memref_slice %arg2[%select_n3A, %add3A_293, %dma_start3A_306, %dma_start3A_307] : memref<16x50x64x128xf32, #tpu.memory_space<hbm>> -> memref<1x3x64x128xf32, #tpu.memory_space<hbm>>
    %dma_start3A_309 = tpu.memref_squeeze %dma_start3A_308 : memref<1x3x64x128xf32, #tpu.memory_space<hbm>> -> memref<3x64x128xf32, #tpu.memory_space<hbm>>
    tpu.enqueue_dma source(%dma_start3A_309 : memref<3x64x128xf32, #tpu.memory_space<hbm>>) target(%dma_start3A_305 : memref<3x64x128xf32, #tpu.memory_space<vmem>>) target_semaphore(%arg12 : memref<!tpu.dma_semaphore, #tpu.memory_space<semaphore_mem>>)
    %dma_wait3A_310 = arith.constant 0 : i32
    %dma_wait3A_311 = arith.constant 0 : i32
    %dma_wait3A_312 = arith.constant 0 : i32
    %dma_wait3A_313 = tpu.memref_slice %arg10[%dma_wait3A_310, %dma_wait3A_311, %dma_wait3A_312] : memref<3x64x128xf32, #tpu.memory_space<vmem>> -> memref<3x64x128xf32, #tpu.memory_space<vmem>>
    %dma_wait3A_314 = arith.constant 0 : i32
    %dma_wait3A_315 = arith.constant 0 : i32
    %dma_wait3A_316 = tpu.memref_slice %arg2[%select_n3A, %add3A_83, %dma_wait3A_314, %dma_wait3A_315] : memref<16x50x64x128xf32, #tpu.memory_space<hbm>> -> memref<1x3x64x128xf32, #tpu.memory_space<hbm>>
    %dma_wait3A_317 = tpu.memref_squeeze %dma_wait3A_316 : memref<1x3x64x128xf32, #tpu.memory_space<hbm>> -> memref<3x64x128xf32, #tpu.memory_space<hbm>>
    %dma_wait3A_318 = arith.constant 0 : i32
    %dma_wait3A_319 = arith.constant 0 : i32
    %dma_wait3A_320 = arith.constant 0 : i32
    %dma_wait3A_321 = tpu.memref_slice %arg10[%dma_wait3A_318, %dma_wait3A_319, %dma_wait3A_320] : memref<3x64x128xf32, #tpu.memory_space<vmem>> -> memref<3x64x128xf32, #tpu.memory_space<vmem>>
    %dma_wait3A_322 = arith.constant 0 : i32
    %dma_wait3A_323 = arith.constant 0 : i32
    %dma_wait3A_324 = tpu.memref_slice %arg2[%select_n3A, %add3A_83, %dma_wait3A_322, %dma_wait3A_323] : memref<16x50x64x128xf32, #tpu.memory_space<hbm>> -> memref<1x3x64x128xf32, #tpu.memory_space<hbm>>
    %dma_wait3A_325 = tpu.memref_squeeze %dma_wait3A_324 : memref<1x3x64x128xf32, #tpu.memory_space<hbm>> -> memref<3x64x128xf32, #tpu.memory_space<hbm>>
    tpu.wait_dma2 semaphore(%arg12 : memref<!tpu.dma_semaphore, #tpu.memory_space<semaphore_mem>>) src(%dma_wait3A_325 : memref<3x64x128xf32, #tpu.memory_space<hbm>>) dst(%dma_wait3A_321 : memref<3x64x128xf32, #tpu.memory_space<vmem>>)
    %dma_start3A_326 = arith.constant 6 : i32
    %dma_start3A_327 = arith.constant 0 : i32
    %dma_start3A_328 = arith.constant 0 : i32
    %dma_start3A_329 = arith.constant 0 : i32
    %dma_start3A_330 = tpu.memref_slice %arg10[%dma_start3A_327, %dma_start3A_328, %dma_start3A_329] : memref<3x64x128xf32, #tpu.memory_space<vmem>> -> memref<1x64x128xf32, #tpu.memory_space<vmem>>
    %dma_start3A_331 = tpu.memref_squeeze %dma_start3A_330 : memref<1x64x128xf32, #tpu.memory_space<vmem>> -> memref<64x128xf32, #tpu.memory_space<vmem>>
    %dma_start3A_332 = arith.constant 0 : i32
    %dma_start3A_333 = tpu.memref_slice %arg6[%dma_start3A_326, %dma_start3A_332] : memref<25x64xi32, #tpu.memory_space<vmem>> -> memref<1x64xi32, #tpu.memory_space<vmem>>
    %dma_start3A_334 = tpu.memref_squeeze %dma_start3A_333 : memref<1x64xi32, #tpu.memory_space<vmem>> -> memref<64xi32, #tpu.memory_space<vmem>>
    %dma_start3A_335 = arith.constant 0 : i32
    %dma_start3A_336 = arith.constant 0 : i32
    %dma_start3A_337 = tpu.memref_slice %arg7[%dma_start3A_335, %dma_start3A_336] : memref<1000x128xf32, #tpu.memory_space<vmem_shared>> -> memref<1000x128xf32, #tpu.memory_space<vmem_shared>>
    tpu.enqueue_indirect_dma source(%dma_start3A_337 : memref<1000x128xf32, #tpu.memory_space<vmem_shared>>) target(%dma_start3A_331 : memref<64x128xf32, #tpu.memory_space<vmem>>) offsets(%dma_start3A_334 : memref<64xi32, #tpu.memory_space<vmem>>) semaphore(%arg13 : memref<!tpu.dma_semaphore, #tpu.memory_space<semaphore_mem>>) {add = true}
    %dma_start3A_338 = arith.constant 7 : i32
    %dma_start3A_339 = arith.constant 1 : i32
    %dma_start3A_340 = arith.constant 0 : i32
    %dma_start3A_341 = arith.constant 0 : i32
    %dma_start3A_342 = tpu.memref_slice %arg10[%dma_start3A_339, %dma_start3A_340, %dma_start3A_341] : memref<3x64x128xf32, #tpu.memory_space<vmem>> -> memref<1x64x128xf32, #tpu.memory_space<vmem>>
    %dma_start3A_343 = tpu.memref_squeeze %dma_start3A_342 : memref<1x64x128xf32, #tpu.memory_space<vmem>> -> memref<64x128xf32, #tpu.memory_space<vmem>>
    %dma_start3A_344 = arith.constant 0 : i32
    %dma_start3A_345 = tpu.memref_slice %arg6[%dma_start3A_338, %dma_start3A_344] : memref<25x64xi32, #tpu.memory_space<vmem>> -> memref<1x64xi32, #tpu.memory_space<vmem>>
    %dma_start3A_346 = tpu.memref_squeeze %dma_start3A_345 : memref<1x64xi32, #tpu.memory_space<vmem>> -> memref<64xi32, #tpu.memory_space<vmem>>
    %dma_start3A_347 = arith.constant 0 : i32
    %dma_start3A_348 = arith.constant 0 : i32
    %dma_start3A_349 = tpu.memref_slice %arg7[%dma_start3A_347, %dma_start3A_348] : memref<1000x128xf32, #tpu.memory_space<vmem_shared>> -> memref<1000x128xf32, #tpu.memory_space<vmem_shared>>
    tpu.enqueue_indirect_dma source(%dma_start3A_349 : memref<1000x128xf32, #tpu.memory_space<vmem_shared>>) target(%dma_start3A_343 : memref<64x128xf32, #tpu.memory_space<vmem>>) offsets(%dma_start3A_346 : memref<64xi32, #tpu.memory_space<vmem>>) semaphore(%arg13 : memref<!tpu.dma_semaphore, #tpu.memory_space<semaphore_mem>>) {add = true}
    %dma_start3A_350 = arith.constant 8 : i32
    %dma_start3A_351 = arith.constant 2 : i32
    %dma_start3A_352 = arith.constant 0 : i32
    %dma_start3A_353 = arith.constant 0 : i32
    %dma_start3A_354 = tpu.memref_slice %arg10[%dma_start3A_351, %dma_start3A_352, %dma_start3A_353] : memref<3x64x128xf32, #tpu.memory_space<vmem>> -> memref<1x64x128xf32, #tpu.memory_space<vmem>>
    %dma_start3A_355 = tpu.memref_squeeze %dma_start3A_354 : memref<1x64x128xf32, #tpu.memory_space<vmem>> -> memref<64x128xf32, #tpu.memory_space<vmem>>
    %dma_start3A_356 = arith.constant 0 : i32
    %dma_start3A_357 = tpu.memref_slice %arg6[%dma_start3A_350, %dma_start3A_356] : memref<25x64xi32, #tpu.memory_space<vmem>> -> memref<1x64xi32, #tpu.memory_space<vmem>>
    %dma_start3A_358 = tpu.memref_squeeze %dma_start3A_357 : memref<1x64xi32, #tpu.memory_space<vmem>> -> memref<64xi32, #tpu.memory_space<vmem>>
    %dma_start3A_359 = arith.constant 0 : i32
    %dma_start3A_360 = arith.constant 0 : i32
    %dma_start3A_361 = tpu.memref_slice %arg7[%dma_start3A_359, %dma_start3A_360] : memref<1000x128xf32, #tpu.memory_space<vmem_shared>> -> memref<1000x128xf32, #tpu.memory_space<vmem_shared>>
    tpu.enqueue_indirect_dma source(%dma_start3A_361 : memref<1000x128xf32, #tpu.memory_space<vmem_shared>>) target(%dma_start3A_355 : memref<64x128xf32, #tpu.memory_space<vmem>>) offsets(%dma_start3A_358 : memref<64xi32, #tpu.memory_space<vmem>>) semaphore(%arg13 : memref<!tpu.dma_semaphore, #tpu.memory_space<semaphore_mem>>) {add = true}
    %dma_wait3A_362 = arith.constant 3 : i32
    %dma_wait3A_363 = arith.constant 0 : i32
    %dma_wait3A_364 = arith.constant 0 : i32
    %dma_wait3A_365 = arith.constant 0 : i32
    %dma_wait3A_366 = tpu.memref_slice %arg9[%dma_wait3A_363, %dma_wait3A_364, %dma_wait3A_365] : memref<3x64x128xf32, #tpu.memory_space<vmem>> -> memref<1x64x128xf32, #tpu.memory_space<vmem>>
    %dma_wait3A_367 = tpu.memref_squeeze %dma_wait3A_366 : memref<1x64x128xf32, #tpu.memory_space<vmem>> -> memref<64x128xf32, #tpu.memory_space<vmem>>
    %dma_wait3A_368 = arith.constant 0 : i32
    %dma_wait3A_369 = tpu.memref_slice %arg6[%dma_wait3A_362, %dma_wait3A_368] : memref<25x64xi32, #tpu.memory_space<vmem>> -> memref<1x64xi32, #tpu.memory_space<vmem>>
    %dma_wait3A_370 = tpu.memref_squeeze %dma_wait3A_369 : memref<1x64xi32, #tpu.memory_space<vmem>> -> memref<64xi32, #tpu.memory_space<vmem>>
    %dma_wait3A_371 = arith.constant 0 : i32
    %dma_wait3A_372 = arith.constant 0 : i32
    %dma_wait3A_373 = tpu.memref_slice %arg7[%dma_wait3A_371, %dma_wait3A_372] : memref<1000x128xf32, #tpu.memory_space<vmem_shared>> -> memref<1000x128xf32, #tpu.memory_space<vmem_shared>>
    tpu.wait_indirect_dma semaphore(%arg13 : memref<!tpu.dma_semaphore, #tpu.memory_space<semaphore_mem>>) src(%dma_wait3A_373 : memref<1000x128xf32, #tpu.memory_space<vmem_shared>>) dst(%dma_wait3A_367 : memref<64x128xf32, #tpu.memory_space<vmem>>)
    %dma_wait3A_374 = arith.constant 4 : i32
    %dma_wait3A_375 = arith.constant 1 : i32
    %dma_wait3A_376 = arith.constant 0 : i32
    %dma_wait3A_377 = arith.constant 0 : i32
    %dma_wait3A_378 = tpu.memref_slice %arg9[%dma_wait3A_375, %dma_wait3A_376, %dma_wait3A_377] : memref<3x64x128xf32, #tpu.memory_space<vmem>> -> memref<1x64x128xf32, #tpu.memory_space<vmem>>
    %dma_wait3A_379 = tpu.memref_squeeze %dma_wait3A_378 : memref<1x64x128xf32, #tpu.memory_space<vmem>> -> memref<64x128xf32, #tpu.memory_space<vmem>>
    %dma_wait3A_380 = arith.constant 0 : i32
    %dma_wait3A_381 = tpu.memref_slice %arg6[%dma_wait3A_374, %dma_wait3A_380] : memref<25x64xi32, #tpu.memory_space<vmem>> -> memref<1x64xi32, #tpu.memory_space<vmem>>
    %dma_wait3A_382 = tpu.memref_squeeze %dma_wait3A_381 : memref<1x64xi32, #tpu.memory_space<vmem>> -> memref<64xi32, #tpu.memory_space<vmem>>
    %dma_wait3A_383 = arith.constant 0 : i32
    %dma_wait3A_384 = arith.constant 0 : i32
    %dma_wait3A_385 = tpu.memref_slice %arg7[%dma_wait3A_383, %dma_wait3A_384] : memref<1000x128xf32, #tpu.memory_space<vmem_shared>> -> memref<1000x128xf32, #tpu.memory_space<vmem_shared>>
    tpu.wait_indirect_dma semaphore(%arg13 : memref<!tpu.dma_semaphore, #tpu.memory_space<semaphore_mem>>) src(%dma_wait3A_385 : memref<1000x128xf32, #tpu.memory_space<vmem_shared>>) dst(%dma_wait3A_379 : memref<64x128xf32, #tpu.memory_space<vmem>>)
    %dma_wait3A_386 = arith.constant 5 : i32
    %dma_wait3A_387 = arith.constant 2 : i32
    %dma_wait3A_388 = arith.constant 0 : i32
    %dma_wait3A_389 = arith.constant 0 : i32
    %dma_wait3A_390 = tpu.memref_slice %arg9[%dma_wait3A_387, %dma_wait3A_388, %dma_wait3A_389] : memref<3x64x128xf32, #tpu.memory_space<vmem>> -> memref<1x64x128xf32, #tpu.memory_space<vmem>>
    %dma_wait3A_391 = tpu.memref_squeeze %dma_wait3A_390 : memref<1x64x128xf32, #tpu.memory_space<vmem>> -> memref<64x128xf32, #tpu.memory_space<vmem>>
    %dma_wait3A_392 = arith.constant 0 : i32
    %dma_wait3A_393 = tpu.memref_slice %arg6[%dma_wait3A_386, %dma_wait3A_392] : memref<25x64xi32, #tpu.memory_space<vmem>> -> memref<1x64xi32, #tpu.memory_space<vmem>>
    %dma_wait3A_394 = tpu.memref_squeeze %dma_wait3A_393 : memref<1x64xi32, #tpu.memory_space<vmem>> -> memref<64xi32, #tpu.memory_space<vmem>>
    %dma_wait3A_395 = arith.constant 0 : i32
    %dma_wait3A_396 = arith.constant 0 : i32
    %dma_wait3A_397 = tpu.memref_slice %arg7[%dma_wait3A_395, %dma_wait3A_396] : memref<1000x128xf32, #tpu.memory_space<vmem_shared>> -> memref<1000x128xf32, #tpu.memory_space<vmem_shared>>
    tpu.wait_indirect_dma semaphore(%arg13 : memref<!tpu.dma_semaphore, #tpu.memory_space<semaphore_mem>>) src(%dma_wait3A_397 : memref<1000x128xf32, #tpu.memory_space<vmem_shared>>) dst(%dma_wait3A_391 : memref<64x128xf32, #tpu.memory_space<vmem>>)
    %add3A_398 = arith.constant 3 : i32
    %add3A_399 = arith.addi %mul3A_32, %add3A_398 : i32
    %dma_start3A_400 = arith.constant 0 : i32
    %dma_start3A_401 = arith.constant 0 : i32
    %dma_start3A_402 = arith.constant 0 : i32
    %dma_start3A_403 = tpu.memref_slice %arg9[%dma_start3A_400, %dma_start3A_401, %dma_start3A_402] : memref<3x64x128xf32, #tpu.memory_space<vmem>> -> memref<3x64x128xf32, #tpu.memory_space<vmem>>
    %dma_start3A_404 = arith.constant 0 : i32
    %dma_start3A_405 = arith.constant 0 : i32
    %dma_start3A_406 = tpu.memref_slice %arg5[%select_n3A, %add3A_399, %dma_start3A_404, %dma_start3A_405] : memref<16x50x64x128xf32, #tpu.memory_space<hbm>> -> memref<1x3x64x128xf32, #tpu.memory_space<hbm>>
    %dma_start3A_407 = tpu.memref_squeeze %dma_start3A_406 : memref<1x3x64x128xf32, #tpu.memory_space<hbm>> -> memref<3x64x128xf32, #tpu.memory_space<hbm>>
    %dma_start3A_408 = arith.constant 0 : i32
    %dma_start3A_409 = arith.constant 0 : i32
    %dma_start3A_410 = tpu.memref_slice %arg5[%select_n3A, %add3A_399, %dma_start3A_408, %dma_start3A_409] : memref<16x50x64x128xf32, #tpu.memory_space<hbm>> -> memref<1x3x64x128xf32, #tpu.memory_space<hbm>>
    %dma_start3A_411 = tpu.memref_squeeze %dma_start3A_410 : memref<1x3x64x128xf32, #tpu.memory_space<hbm>> -> memref<3x64x128xf32, #tpu.memory_space<hbm>>
    %dma_start3A_412 = arith.constant 0 : i32
    %dma_start3A_413 = arith.constant 0 : i32
    %dma_start3A_414 = arith.constant 0 : i32
    %dma_start3A_415 = tpu.memref_slice %arg9[%dma_start3A_412, %dma_start3A_413, %dma_start3A_414] : memref<3x64x128xf32, #tpu.memory_space<vmem>> -> memref<3x64x128xf32, #tpu.memory_space<vmem>>
    tpu.enqueue_dma source(%dma_start3A_415 : memref<3x64x128xf32, #tpu.memory_space<vmem>>) target(%dma_start3A_411 : memref<3x64x128xf32, #tpu.memory_space<hbm>>) target_semaphore(%arg14 : memref<!tpu.dma_semaphore, #tpu.memory_space<semaphore_mem>>)
    %dma_wait3A_416 = arith.constant 0 : i32
    %dma_wait3A_417 = arith.constant 0 : i32
    %dma_wait3A_418 = arith.constant 0 : i32
    %dma_wait3A_419 = tpu.memref_slice %arg9[%dma_wait3A_416, %dma_wait3A_417, %dma_wait3A_418] : memref<3x64x128xf32, #tpu.memory_space<vmem>> -> memref<3x64x128xf32, #tpu.memory_space<vmem>>
    %dma_wait3A_420 = arith.constant 0 : i32
    %dma_wait3A_421 = arith.constant 0 : i32
    %dma_wait3A_422 = tpu.memref_slice %arg5[%select_n3A, %add3A_399, %dma_wait3A_420, %dma_wait3A_421] : memref<16x50x64x128xf32, #tpu.memory_space<hbm>> -> memref<1x3x64x128xf32, #tpu.memory_space<hbm>>
    %dma_wait3A_423 = tpu.memref_squeeze %dma_wait3A_422 : memref<1x3x64x128xf32, #tpu.memory_space<hbm>> -> memref<3x64x128xf32, #tpu.memory_space<hbm>>
    %dma_wait3A_424 = arith.constant 0 : i32
    %dma_wait3A_425 = arith.constant 0 : i32
    %dma_wait3A_426 = tpu.memref_slice %arg5[%select_n3A, %add3A_399, %dma_wait3A_424, %dma_wait3A_425] : memref<16x50x64x128xf32, #tpu.memory_space<hbm>> -> memref<1x3x64x128xf32, #tpu.memory_space<hbm>>
    %dma_wait3A_427 = tpu.memref_squeeze %dma_wait3A_426 : memref<1x3x64x128xf32, #tpu.memory_space<hbm>> -> memref<3x64x128xf32, #tpu.memory_space<hbm>>
    %dma_wait3A_428 = arith.constant 0 : i32
    %dma_wait3A_429 = arith.constant 0 : i32
    %dma_wait3A_430 = arith.constant 0 : i32
    %dma_wait3A_431 = tpu.memref_slice %arg9[%dma_wait3A_428, %dma_wait3A_429, %dma_wait3A_430] : memref<3x64x128xf32, #tpu.memory_space<vmem>> -> memref<3x64x128xf32, #tpu.memory_space<vmem>>
    tpu.wait_dma2 semaphore(%arg14 : memref<!tpu.dma_semaphore, #tpu.memory_space<semaphore_mem>>) src(%dma_wait3A_431 : memref<3x64x128xf32, #tpu.memory_space<vmem>>) dst(%dma_wait3A_427 : memref<3x64x128xf32, #tpu.memory_space<hbm>>)
    %add3A_432 = arith.constant 15 : i32
    %add3A_433 = arith.addi %mul3A_32, %add3A_432 : i32
    %dma_start3A_434 = arith.constant 0 : i32
    %dma_start3A_435 = arith.constant 0 : i32
    %dma_start3A_436 = arith.constant 0 : i32
    %dma_start3A_437 = tpu.memref_slice %arg9[%dma_start3A_434, %dma_start3A_435, %dma_start3A_436] : memref<3x64x128xf32, #tpu.memory_space<vmem>> -> memref<3x64x128xf32, #tpu.memory_space<vmem>>
    %dma_start3A_438 = arith.constant 0 : i32
    %dma_start3A_439 = arith.constant 0 : i32
    %dma_start3A_440 = tpu.memref_slice %arg2[%select_n3A, %add3A_433, %dma_start3A_438, %dma_start3A_439] : memref<16x50x64x128xf32, #tpu.memory_space<hbm>> -> memref<1x3x64x128xf32, #tpu.memory_space<hbm>>
    %dma_start3A_441 = tpu.memref_squeeze %dma_start3A_440 : memref<1x3x64x128xf32, #tpu.memory_space<hbm>> -> memref<3x64x128xf32, #tpu.memory_space<hbm>>
    %dma_start3A_442 = arith.constant 0 : i32
    %dma_start3A_443 = arith.constant 0 : i32
    %dma_start3A_444 = arith.constant 0 : i32
    %dma_start3A_445 = tpu.memref_slice %arg9[%dma_start3A_442, %dma_start3A_443, %dma_start3A_444] : memref<3x64x128xf32, #tpu.memory_space<vmem>> -> memref<3x64x128xf32, #tpu.memory_space<vmem>>
    %dma_start3A_446 = arith.constant 0 : i32
    %dma_start3A_447 = arith.constant 0 : i32
    %dma_start3A_448 = tpu.memref_slice %arg2[%select_n3A, %add3A_433, %dma_start3A_446, %dma_start3A_447] : memref<16x50x64x128xf32, #tpu.memory_space<hbm>> -> memref<1x3x64x128xf32, #tpu.memory_space<hbm>>
    %dma_start3A_449 = tpu.memref_squeeze %dma_start3A_448 : memref<1x3x64x128xf32, #tpu.memory_space<hbm>> -> memref<3x64x128xf32, #tpu.memory_space<hbm>>
    tpu.enqueue_dma source(%dma_start3A_449 : memref<3x64x128xf32, #tpu.memory_space<hbm>>) target(%dma_start3A_445 : memref<3x64x128xf32, #tpu.memory_space<vmem>>) target_semaphore(%arg12 : memref<!tpu.dma_semaphore, #tpu.memory_space<semaphore_mem>>)
    %dma_wait3A_450 = arith.constant 0 : i32
    %dma_wait3A_451 = arith.constant 0 : i32
    %dma_wait3A_452 = arith.constant 0 : i32
    %dma_wait3A_453 = tpu.memref_slice %arg11[%dma_wait3A_450, %dma_wait3A_451, %dma_wait3A_452] : memref<3x64x128xf32, #tpu.memory_space<vmem>> -> memref<3x64x128xf32, #tpu.memory_space<vmem>>
    %dma_wait3A_454 = arith.constant 0 : i32
    %dma_wait3A_455 = arith.constant 0 : i32
    %dma_wait3A_456 = tpu.memref_slice %arg2[%select_n3A, %add3A_153, %dma_wait3A_454, %dma_wait3A_455] : memref<16x50x64x128xf32, #tpu.memory_space<hbm>> -> memref<1x3x64x128xf32, #tpu.memory_space<hbm>>
    %dma_wait3A_457 = tpu.memref_squeeze %dma_wait3A_456 : memref<1x3x64x128xf32, #tpu.memory_space<hbm>> -> memref<3x64x128xf32, #tpu.memory_space<hbm>>
    %dma_wait3A_458 = arith.constant 0 : i32
    %dma_wait3A_459 = arith.constant 0 : i32
    %dma_wait3A_460 = arith.constant 0 : i32
    %dma_wait3A_461 = tpu.memref_slice %arg11[%dma_wait3A_458, %dma_wait3A_459, %dma_wait3A_460] : memref<3x64x128xf32, #tpu.memory_space<vmem>> -> memref<3x64x128xf32, #tpu.memory_space<vmem>>
    %dma_wait3A_462 = arith.constant 0 : i32
    %dma_wait3A_463 = arith.constant 0 : i32
    %dma_wait3A_464 = tpu.memref_slice %arg2[%select_n3A, %add3A_153, %dma_wait3A_462, %dma_wait3A_463] : memref<16x50x64x128xf32, #tpu.memory_space<hbm>> -> memref<1x3x64x128xf32, #tpu.memory_space<hbm>>
    %dma_wait3A_465 = tpu.memref_squeeze %dma_wait3A_464 : memref<1x3x64x128xf32, #tpu.memory_space<hbm>> -> memref<3x64x128xf32, #tpu.memory_space<hbm>>
    tpu.wait_dma2 semaphore(%arg12 : memref<!tpu.dma_semaphore, #tpu.memory_space<semaphore_mem>>) src(%dma_wait3A_465 : memref<3x64x128xf32, #tpu.memory_space<hbm>>) dst(%dma_wait3A_461 : memref<3x64x128xf32, #tpu.memory_space<vmem>>)
    %dma_start3A_466 = arith.constant 9 : i32
    %dma_start3A_467 = arith.constant 0 : i32
    %dma_start3A_468 = arith.constant 0 : i32
    %dma_start3A_469 = arith.constant 0 : i32
    %dma_start3A_470 = tpu.memref_slice %arg11[%dma_start3A_467, %dma_start3A_468, %dma_start3A_469] : memref<3x64x128xf32, #tpu.memory_space<vmem>> -> memref<1x64x128xf32, #tpu.memory_space<vmem>>
    %dma_start3A_471 = tpu.memref_squeeze %dma_start3A_470 : memref<1x64x128xf32, #tpu.memory_space<vmem>> -> memref<64x128xf32, #tpu.memory_space<vmem>>
    %dma_start3A_472 = arith.constant 0 : i32
    %dma_start3A_473 = tpu.memref_slice %arg6[%dma_start3A_466, %dma_start3A_472] : memref<25x64xi32, #tpu.memory_space<vmem>> -> memref<1x64xi32, #tpu.memory_space<vmem>>
    %dma_start3A_474 = tpu.memref_squeeze %dma_start3A_473 : memref<1x64xi32, #tpu.memory_space<vmem>> -> memref<64xi32, #tpu.memory_space<vmem>>
    %dma_start3A_475 = arith.constant 0 : i32
    %dma_start3A_476 = arith.constant 0 : i32
    %dma_start3A_477 = tpu.memref_slice %arg7[%dma_start3A_475, %dma_start3A_476] : memref<1000x128xf32, #tpu.memory_space<vmem_shared>> -> memref<1000x128xf32, #tpu.memory_space<vmem_shared>>
    tpu.enqueue_indirect_dma source(%dma_start3A_477 : memref<1000x128xf32, #tpu.memory_space<vmem_shared>>) target(%dma_start3A_471 : memref<64x128xf32, #tpu.memory_space<vmem>>) offsets(%dma_start3A_474 : memref<64xi32, #tpu.memory_space<vmem>>) semaphore(%arg13 : memref<!tpu.dma_semaphore, #tpu.memory_space<semaphore_mem>>) {add = true}
    %dma_start3A_478 = arith.constant 10 : i32
    %dma_start3A_479 = arith.constant 1 : i32
    %dma_start3A_480 = arith.constant 0 : i32
    %dma_start3A_481 = arith.constant 0 : i32
    %dma_start3A_482 = tpu.memref_slice %arg11[%dma_start3A_479, %dma_start3A_480, %dma_start3A_481] : memref<3x64x128xf32, #tpu.memory_space<vmem>> -> memref<1x64x128xf32, #tpu.memory_space<vmem>>
    %dma_start3A_483 = tpu.memref_squeeze %dma_start3A_482 : memref<1x64x128xf32, #tpu.memory_space<vmem>> -> memref<64x128xf32, #tpu.memory_space<vmem>>
    %dma_start3A_484 = arith.constant 0 : i32
    %dma_start3A_485 = tpu.memref_slice %arg6[%dma_start3A_478, %dma_start3A_484] : memref<25x64xi32, #tpu.memory_space<vmem>> -> memref<1x64xi32, #tpu.memory_space<vmem>>
    %dma_start3A_486 = tpu.memref_squeeze %dma_start3A_485 : memref<1x64xi32, #tpu.memory_space<vmem>> -> memref<64xi32, #tpu.memory_space<vmem>>
    %dma_start3A_487 = arith.constant 0 : i32
    %dma_start3A_488 = arith.constant 0 : i32
    %dma_start3A_489 = tpu.memref_slice %arg7[%dma_start3A_487, %dma_start3A_488] : memref<1000x128xf32, #tpu.memory_space<vmem_shared>> -> memref<1000x128xf32, #tpu.memory_space<vmem_shared>>
    tpu.enqueue_indirect_dma source(%dma_start3A_489 : memref<1000x128xf32, #tpu.memory_space<vmem_shared>>) target(%dma_start3A_483 : memref<64x128xf32, #tpu.memory_space<vmem>>) offsets(%dma_start3A_486 : memref<64xi32, #tpu.memory_space<vmem>>) semaphore(%arg13 : memref<!tpu.dma_semaphore, #tpu.memory_space<semaphore_mem>>) {add = true}
    %dma_start3A_490 = arith.constant 11 : i32
    %dma_start3A_491 = arith.constant 2 : i32
    %dma_start3A_492 = arith.constant 0 : i32
    %dma_start3A_493 = arith.constant 0 : i32
    %dma_start3A_494 = tpu.memref_slice %arg11[%dma_start3A_491, %dma_start3A_492, %dma_start3A_493] : memref<3x64x128xf32, #tpu.memory_space<vmem>> -> memref<1x64x128xf32, #tpu.memory_space<vmem>>
    %dma_start3A_495 = tpu.memref_squeeze %dma_start3A_494 : memref<1x64x128xf32, #tpu.memory_space<vmem>> -> memref<64x128xf32, #tpu.memory_space<vmem>>
    %dma_start3A_496 = arith.constant 0 : i32
    %dma_start3A_497 = tpu.memref_slice %arg6[%dma_start3A_490, %dma_start3A_496] : memref<25x64xi32, #tpu.memory_space<vmem>> -> memref<1x64xi32, #tpu.memory_space<vmem>>
    %dma_start3A_498 = tpu.memref_squeeze %dma_start3A_497 : memref<1x64xi32, #tpu.memory_space<vmem>> -> memref<64xi32, #tpu.memory_space<vmem>>
    %dma_start3A_499 = arith.constant 0 : i32
    %dma_start3A_500 = arith.constant 0 : i32
    %dma_start3A_501 = tpu.memref_slice %arg7[%dma_start3A_499, %dma_start3A_500] : memref<1000x128xf32, #tpu.memory_space<vmem_shared>> -> memref<1000x128xf32, #tpu.memory_space<vmem_shared>>
    tpu.enqueue_indirect_dma source(%dma_start3A_501 : memref<1000x128xf32, #tpu.memory_space<vmem_shared>>) target(%dma_start3A_495 : memref<64x128xf32, #tpu.memory_space<vmem>>) offsets(%dma_start3A_498 : memref<64xi32, #tpu.memory_space<vmem>>) semaphore(%arg13 : memref<!tpu.dma_semaphore, #tpu.memory_space<semaphore_mem>>) {add = true}
    %dma_wait3A_502 = arith.constant 6 : i32
    %dma_wait3A_503 = arith.constant 0 : i32
    %dma_wait3A_504 = arith.constant 0 : i32
    %dma_wait3A_505 = arith.constant 0 : i32
    %dma_wait3A_506 = tpu.memref_slice %arg10[%dma_wait3A_503, %dma_wait3A_504, %dma_wait3A_505] : memref<3x64x128xf32, #tpu.memory_space<vmem>> -> memref<1x64x128xf32, #tpu.memory_space<vmem>>
    %dma_wait3A_507 = tpu.memref_squeeze %dma_wait3A_506 : memref<1x64x128xf32, #tpu.memory_space<vmem>> -> memref<64x128xf32, #tpu.memory_space<vmem>>
    %dma_wait3A_508 = arith.constant 0 : i32
    %dma_wait3A_509 = tpu.memref_slice %arg6[%dma_wait3A_502, %dma_wait3A_508] : memref<25x64xi32, #tpu.memory_space<vmem>> -> memref<1x64xi32, #tpu.memory_space<vmem>>
    %dma_wait3A_510 = tpu.memref_squeeze %dma_wait3A_509 : memref<1x64xi32, #tpu.memory_space<vmem>> -> memref<64xi32, #tpu.memory_space<vmem>>
    %dma_wait3A_511 = arith.constant 0 : i32
    %dma_wait3A_512 = arith.constant 0 : i32
    %dma_wait3A_513 = tpu.memref_slice %arg7[%dma_wait3A_511, %dma_wait3A_512] : memref<1000x128xf32, #tpu.memory_space<vmem_shared>> -> memref<1000x128xf32, #tpu.memory_space<vmem_shared>>
    tpu.wait_indirect_dma semaphore(%arg13 : memref<!tpu.dma_semaphore, #tpu.memory_space<semaphore_mem>>) src(%dma_wait3A_513 : memref<1000x128xf32, #tpu.memory_space<vmem_shared>>) dst(%dma_wait3A_507 : memref<64x128xf32, #tpu.memory_space<vmem>>)
    %dma_wait3A_514 = arith.constant 7 : i32
    %dma_wait3A_515 = arith.constant 1 : i32
    %dma_wait3A_516 = arith.constant 0 : i32
    %dma_wait3A_517 = arith.constant 0 : i32
    %dma_wait3A_518 = tpu.memref_slice %arg10[%dma_wait3A_515, %dma_wait3A_516, %dma_wait3A_517] : memref<3x64x128xf32, #tpu.memory_space<vmem>> -> memref<1x64x128xf32, #tpu.memory_space<vmem>>
    %dma_wait3A_519 = tpu.memref_squeeze %dma_wait3A_518 : memref<1x64x128xf32, #tpu.memory_space<vmem>> -> memref<64x128xf32, #tpu.memory_space<vmem>>
    %dma_wait3A_520 = arith.constant 0 : i32
    %dma_wait3A_521 = tpu.memref_slice %arg6[%dma_wait3A_514, %dma_wait3A_520] : memref<25x64xi32, #tpu.memory_space<vmem>> -> memref<1x64xi32, #tpu.memory_space<vmem>>
    %dma_wait3A_522 = tpu.memref_squeeze %dma_wait3A_521 : memref<1x64xi32, #tpu.memory_space<vmem>> -> memref<64xi32, #tpu.memory_space<vmem>>
    %dma_wait3A_523 = arith.constant 0 : i32
    %dma_wait3A_524 = arith.constant 0 : i32
    %dma_wait3A_525 = tpu.memref_slice %arg7[%dma_wait3A_523, %dma_wait3A_524] : memref<1000x128xf32, #tpu.memory_space<vmem_shared>> -> memref<1000x128xf32, #tpu.memory_space<vmem_shared>>
    tpu.wait_indirect_dma semaphore(%arg13 : memref<!tpu.dma_semaphore, #tpu.memory_space<semaphore_mem>>) src(%dma_wait3A_525 : memref<1000x128xf32, #tpu.memory_space<vmem_shared>>) dst(%dma_wait3A_519 : memref<64x128xf32, #tpu.memory_space<vmem>>)
    %dma_wait3A_526 = arith.constant 8 : i32
    %dma_wait3A_527 = arith.constant 2 : i32
    %dma_wait3A_528 = arith.constant 0 : i32
    %dma_wait3A_529 = arith.constant 0 : i32
    %dma_wait3A_530 = tpu.memref_slice %arg10[%dma_wait3A_527, %dma_wait3A_528, %dma_wait3A_529] : memref<3x64x128xf32, #tpu.memory_space<vmem>> -> memref<1x64x128xf32, #tpu.memory_space<vmem>>
    %dma_wait3A_531 = tpu.memref_squeeze %dma_wait3A_530 : memref<1x64x128xf32, #tpu.memory_space<vmem>> -> memref<64x128xf32, #tpu.memory_space<vmem>>
    %dma_wait3A_532 = arith.constant 0 : i32
    %dma_wait3A_533 = tpu.memref_slice %arg6[%dma_wait3A_526, %dma_wait3A_532] : memref<25x64xi32, #tpu.memory_space<vmem>> -> memref<1x64xi32, #tpu.memory_space<vmem>>
    %dma_wait3A_534 = tpu.memref_squeeze %dma_wait3A_533 : memref<1x64xi32, #tpu.memory_space<vmem>> -> memref<64xi32, #tpu.memory_space<vmem>>
    %dma_wait3A_535 = arith.constant 0 : i32
    %dma_wait3A_536 = arith.constant 0 : i32
    %dma_wait3A_537 = tpu.memref_slice %arg7[%dma_wait3A_535, %dma_wait3A_536] : memref<1000x128xf32, #tpu.memory_space<vmem_shared>> -> memref<1000x128xf32, #tpu.memory_space<vmem_shared>>
    tpu.wait_indirect_dma semaphore(%arg13 : memref<!tpu.dma_semaphore, #tpu.memory_space<semaphore_mem>>) src(%dma_wait3A_537 : memref<1000x128xf32, #tpu.memory_space<vmem_shared>>) dst(%dma_wait3A_531 : memref<64x128xf32, #tpu.memory_space<vmem>>)
    %add3A_538 = arith.constant 6 : i32
    %add3A_539 = arith.addi %mul3A_32, %add3A_538 : i32
    %dma_start3A_540 = arith.constant 0 : i32
    %dma_start3A_541 = arith.constant 0 : i32
    %dma_start3A_542 = arith.constant 0 : i32
    %dma_start3A_543 = tpu.memref_slice %arg10[%dma_start3A_540, %dma_start3A_541, %dma_start3A_542] : memref<3x64x128xf32, #tpu.memory_space<vmem>> -> memref<3x64x128xf32, #tpu.memory_space<vmem>>
    %dma_start3A_544 = arith.constant 0 : i32
    %dma_start3A_545 = arith.constant 0 : i32
    %dma_start3A_546 = tpu.memref_slice %arg5[%select_n3A, %add3A_539, %dma_start3A_544, %dma_start3A_545] : memref<16x50x64x128xf32, #tpu.memory_space<hbm>> -> memref<1x3x64x128xf32, #tpu.memory_space<hbm>>
    %dma_start3A_547 = tpu.memref_squeeze %dma_start3A_546 : memref<1x3x64x128xf32, #tpu.memory_space<hbm>> -> memref<3x64x128xf32, #tpu.memory_space<hbm>>
    %dma_start3A_548 = arith.constant 0 : i32
    %dma_start3A_549 = arith.constant 0 : i32
    %dma_start3A_550 = tpu.memref_slice %arg5[%select_n3A, %add3A_539, %dma_start3A_548, %dma_start3A_549] : memref<16x50x64x128xf32, #tpu.memory_space<hbm>> -> memref<1x3x64x128xf32, #tpu.memory_space<hbm>>
    %dma_start3A_551 = tpu.memref_squeeze %dma_start3A_550 : memref<1x3x64x128xf32, #tpu.memory_space<hbm>> -> memref<3x64x128xf32, #tpu.memory_space<hbm>>
    %dma_start3A_552 = arith.constant 0 : i32
    %dma_start3A_553 = arith.constant 0 : i32
    %dma_start3A_554 = arith.constant 0 : i32
    %dma_start3A_555 = tpu.memref_slice %arg10[%dma_start3A_552, %dma_start3A_553, %dma_start3A_554] : memref<3x64x128xf32, #tpu.memory_space<vmem>> -> memref<3x64x128xf32, #tpu.memory_space<vmem>>
    tpu.enqueue_dma source(%dma_start3A_555 : memref<3x64x128xf32, #tpu.memory_space<vmem>>) target(%dma_start3A_551 : memref<3x64x128xf32, #tpu.memory_space<hbm>>) target_semaphore(%arg14 : memref<!tpu.dma_semaphore, #tpu.memory_space<semaphore_mem>>)
    %dma_wait3A_556 = arith.constant 0 : i32
    %dma_wait3A_557 = arith.constant 0 : i32
    %dma_wait3A_558 = arith.constant 0 : i32
    %dma_wait3A_559 = tpu.memref_slice %arg10[%dma_wait3A_556, %dma_wait3A_557, %dma_wait3A_558] : memref<3x64x128xf32, #tpu.memory_space<vmem>> -> memref<3x64x128xf32, #tpu.memory_space<vmem>>
    %dma_wait3A_560 = arith.constant 0 : i32
    %dma_wait3A_561 = arith.constant 0 : i32
    %dma_wait3A_562 = tpu.memref_slice %arg5[%select_n3A, %add3A_539, %dma_wait3A_560, %dma_wait3A_561] : memref<16x50x64x128xf32, #tpu.memory_space<hbm>> -> memref<1x3x64x128xf32, #tpu.memory_space<hbm>>
    %dma_wait3A_563 = tpu.memref_squeeze %dma_wait3A_562 : memref<1x3x64x128xf32, #tpu.memory_space<hbm>> -> memref<3x64x128xf32, #tpu.memory_space<hbm>>
    %dma_wait3A_564 = arith.constant 0 : i32
    %dma_wait3A_565 = arith.constant 0 : i32
    %dma_wait3A_566 = tpu.memref_slice %arg5[%select_n3A, %add3A_539, %dma_wait3A_564, %dma_wait3A_565] : memref<16x50x64x128xf32, #tpu.memory_space<hbm>> -> memref<1x3x64x128xf32, #tpu.memory_space<hbm>>
    %dma_wait3A_567 = tpu.memref_squeeze %dma_wait3A_566 : memref<1x3x64x128xf32, #tpu.memory_space<hbm>> -> memref<3x64x128xf32, #tpu.memory_space<hbm>>
    %dma_wait3A_568 = arith.constant 0 : i32
    %dma_wait3A_569 = arith.constant 0 : i32
    %dma_wait3A_570 = arith.constant 0 : i32
    %dma_wait3A_571 = tpu.memref_slice %arg10[%dma_wait3A_568, %dma_wait3A_569, %dma_wait3A_570] : memref<3x64x128xf32, #tpu.memory_space<vmem>> -> memref<3x64x128xf32, #tpu.memory_space<vmem>>
    tpu.wait_dma2 semaphore(%arg14 : memref<!tpu.dma_semaphore, #tpu.memory_space<semaphore_mem>>) src(%dma_wait3A_571 : memref<3x64x128xf32, #tpu.memory_space<vmem>>) dst(%dma_wait3A_567 : memref<3x64x128xf32, #tpu.memory_space<hbm>>)
    %add3A_572 = arith.constant 18 : i32
    %add3A_573 = arith.addi %mul3A_32, %add3A_572 : i32
    %dma_start3A_574 = arith.constant 0 : i32
    %dma_start3A_575 = arith.constant 0 : i32
    %dma_start3A_576 = arith.constant 0 : i32
    %dma_start3A_577 = tpu.memref_slice %arg10[%dma_start3A_574, %dma_start3A_575, %dma_start3A_576] : memref<3x64x128xf32, #tpu.memory_space<vmem>> -> memref<3x64x128xf32, #tpu.memory_space<vmem>>
    %dma_start3A_578 = arith.constant 0 : i32
    %dma_start3A_579 = arith.constant 0 : i32
    %dma_start3A_580 = tpu.memref_slice %arg2[%select_n3A, %add3A_573, %dma_start3A_578, %dma_start3A_579] : memref<16x50x64x128xf32, #tpu.memory_space<hbm>> -> memref<1x3x64x128xf32, #tpu.memory_space<hbm>>
    %dma_start3A_581 = tpu.memref_squeeze %dma_start3A_580 : memref<1x3x64x128xf32, #tpu.memory_space<hbm>> -> memref<3x64x128xf32, #tpu.memory_space<hbm>>
    %dma_start3A_582 = arith.constant 0 : i32
    %dma_start3A_583 = arith.constant 0 : i32
    %dma_start3A_584 = arith.constant 0 : i32
    %dma_start3A_585 = tpu.memref_slice %arg10[%dma_start3A_582, %dma_start3A_583, %dma_start3A_584] : memref<3x64x128xf32, #tpu.memory_space<vmem>> -> memref<3x64x128xf32, #tpu.memory_space<vmem>>
    %dma_start3A_586 = arith.constant 0 : i32
    %dma_start3A_587 = arith.constant 0 : i32
    %dma_start3A_588 = tpu.memref_slice %arg2[%select_n3A, %add3A_573, %dma_start3A_586, %dma_start3A_587] : memref<16x50x64x128xf32, #tpu.memory_space<hbm>> -> memref<1x3x64x128xf32, #tpu.memory_space<hbm>>
    %dma_start3A_589 = tpu.memref_squeeze %dma_start3A_588 : memref<1x3x64x128xf32, #tpu.memory_space<hbm>> -> memref<3x64x128xf32, #tpu.memory_space<hbm>>
    tpu.enqueue_dma source(%dma_start3A_589 : memref<3x64x128xf32, #tpu.memory_space<hbm>>) target(%dma_start3A_585 : memref<3x64x128xf32, #tpu.memory_space<vmem>>) target_semaphore(%arg12 : memref<!tpu.dma_semaphore, #tpu.memory_space<semaphore_mem>>)
    %dma_wait3A_590 = arith.constant 0 : i32
    %dma_wait3A_591 = arith.constant 0 : i32
    %dma_wait3A_592 = arith.constant 0 : i32
    %dma_wait3A_593 = tpu.memref_slice %arg8[%dma_wait3A_590, %dma_wait3A_591, %dma_wait3A_592] : memref<3x64x128xf32, #tpu.memory_space<vmem>> -> memref<3x64x128xf32, #tpu.memory_space<vmem>>
    %dma_wait3A_594 = arith.constant 0 : i32
    %dma_wait3A_595 = arith.constant 0 : i32
    %dma_wait3A_596 = tpu.memref_slice %arg2[%select_n3A, %add3A_293, %dma_wait3A_594, %dma_wait3A_595] : memref<16x50x64x128xf32, #tpu.memory_space<hbm>> -> memref<1x3x64x128xf32, #tpu.memory_space<hbm>>
    %dma_wait3A_597 = tpu.memref_squeeze %dma_wait3A_596 : memref<1x3x64x128xf32, #tpu.memory_space<hbm>> -> memref<3x64x128xf32, #tpu.memory_space<hbm>>
    %dma_wait3A_598 = arith.constant 0 : i32
    %dma_wait3A_599 = arith.constant 0 : i32
    %dma_wait3A_600 = arith.constant 0 : i32
    %dma_wait3A_601 = tpu.memref_slice %arg8[%dma_wait3A_598, %dma_wait3A_599, %dma_wait3A_600] : memref<3x64x128xf32, #tpu.memory_space<vmem>> -> memref<3x64x128xf32, #tpu.memory_space<vmem>>
    %dma_wait3A_602 = arith.constant 0 : i32
    %dma_wait3A_603 = arith.constant 0 : i32
    %dma_wait3A_604 = tpu.memref_slice %arg2[%select_n3A, %add3A_293, %dma_wait3A_602, %dma_wait3A_603] : memref<16x50x64x128xf32, #tpu.memory_space<hbm>> -> memref<1x3x64x128xf32, #tpu.memory_space<hbm>>
    %dma_wait3A_605 = tpu.memref_squeeze %dma_wait3A_604 : memref<1x3x64x128xf32, #tpu.memory_space<hbm>> -> memref<3x64x128xf32, #tpu.memory_space<hbm>>
    tpu.wait_dma2 semaphore(%arg12 : memref<!tpu.dma_semaphore, #tpu.memory_space<semaphore_mem>>) src(%dma_wait3A_605 : memref<3x64x128xf32, #tpu.memory_space<hbm>>) dst(%dma_wait3A_601 : memref<3x64x128xf32, #tpu.memory_space<vmem>>)
    %dma_start3A_606 = arith.constant 12 : i32
    %dma_start3A_607 = arith.constant 0 : i32
    %dma_start3A_608 = arith.constant 0 : i32
    %dma_start3A_609 = arith.constant 0 : i32
    %dma_start3A_610 = tpu.memref_slice %arg8[%dma_start3A_607, %dma_start3A_608, %dma_start3A_609] : memref<3x64x128xf32, #tpu.memory_space<vmem>> -> memref<1x64x128xf32, #tpu.memory_space<vmem>>
    %dma_start3A_611 = tpu.memref_squeeze %dma_start3A_610 : memref<1x64x128xf32, #tpu.memory_space<vmem>> -> memref<64x128xf32, #tpu.memory_space<vmem>>
    %dma_start3A_612 = arith.constant 0 : i32
    %dma_start3A_613 = tpu.memref_slice %arg6[%dma_start3A_606, %dma_start3A_612] : memref<25x64xi32, #tpu.memory_space<vmem>> -> memref<1x64xi32, #tpu.memory_space<vmem>>
    %dma_start3A_614 = tpu.memref_squeeze %dma_start3A_613 : memref<1x64xi32, #tpu.memory_space<vmem>> -> memref<64xi32, #tpu.memory_space<vmem>>
    %dma_start3A_615 = arith.constant 0 : i32
    %dma_start3A_616 = arith.constant 0 : i32
    %dma_start3A_617 = tpu.memref_slice %arg7[%dma_start3A_615, %dma_start3A_616] : memref<1000x128xf32, #tpu.memory_space<vmem_shared>> -> memref<1000x128xf32, #tpu.memory_space<vmem_shared>>
    tpu.enqueue_indirect_dma source(%dma_start3A_617 : memref<1000x128xf32, #tpu.memory_space<vmem_shared>>) target(%dma_start3A_611 : memref<64x128xf32, #tpu.memory_space<vmem>>) offsets(%dma_start3A_614 : memref<64xi32, #tpu.memory_space<vmem>>) semaphore(%arg13 : memref<!tpu.dma_semaphore, #tpu.memory_space<semaphore_mem>>) {add = true}
    %dma_start3A_618 = arith.constant 13 : i32
    %dma_start3A_619 = arith.constant 1 : i32
    %dma_start3A_620 = arith.constant 0 : i32
    %dma_start3A_621 = arith.constant 0 : i32
    %dma_start3A_622 = tpu.memref_slice %arg8[%dma_start3A_619, %dma_start3A_620, %dma_start3A_621] : memref<3x64x128xf32, #tpu.memory_space<vmem>> -> memref<1x64x128xf32, #tpu.memory_space<vmem>>
    %dma_start3A_623 = tpu.memref_squeeze %dma_start3A_622 : memref<1x64x128xf32, #tpu.memory_space<vmem>> -> memref<64x128xf32, #tpu.memory_space<vmem>>
    %dma_start3A_624 = arith.constant 0 : i32
    %dma_start3A_625 = tpu.memref_slice %arg6[%dma_start3A_618, %dma_start3A_624] : memref<25x64xi32, #tpu.memory_space<vmem>> -> memref<1x64xi32, #tpu.memory_space<vmem>>
    %dma_start3A_626 = tpu.memref_squeeze %dma_start3A_625 : memref<1x64xi32, #tpu.memory_space<vmem>> -> memref<64xi32, #tpu.memory_space<vmem>>
    %dma_start3A_627 = arith.constant 0 : i32
    %dma_start3A_628 = arith.constant 0 : i32
    %dma_start3A_629 = tpu.memref_slice %arg7[%dma_start3A_627, %dma_start3A_628] : memref<1000x128xf32, #tpu.memory_space<vmem_shared>> -> memref<1000x128xf32, #tpu.memory_space<vmem_shared>>
    tpu.enqueue_indirect_dma source(%dma_start3A_629 : memref<1000x128xf32, #tpu.memory_space<vmem_shared>>) target(%dma_start3A_623 : memref<64x128xf32, #tpu.memory_space<vmem>>) offsets(%dma_start3A_626 : memref<64xi32, #tpu.memory_space<vmem>>) semaphore(%arg13 : memref<!tpu.dma_semaphore, #tpu.memory_space<semaphore_mem>>) {add = true}
    %dma_start3A_630 = arith.constant 14 : i32
    %dma_start3A_631 = arith.constant 2 : i32
    %dma_start3A_632 = arith.constant 0 : i32
    %dma_start3A_633 = arith.constant 0 : i32
    %dma_start3A_634 = tpu.memref_slice %arg8[%dma_start3A_631, %dma_start3A_632, %dma_start3A_633] : memref<3x64x128xf32, #tpu.memory_space<vmem>> -> memref<1x64x128xf32, #tpu.memory_space<vmem>>
    %dma_start3A_635 = tpu.memref_squeeze %dma_start3A_634 : memref<1x64x128xf32, #tpu.memory_space<vmem>> -> memref<64x128xf32, #tpu.memory_space<vmem>>
    %dma_start3A_636 = arith.constant 0 : i32
    %dma_start3A_637 = tpu.memref_slice %arg6[%dma_start3A_630, %dma_start3A_636] : memref<25x64xi32, #tpu.memory_space<vmem>> -> memref<1x64xi32, #tpu.memory_space<vmem>>
    %dma_start3A_638 = tpu.memref_squeeze %dma_start3A_637 : memref<1x64xi32, #tpu.memory_space<vmem>> -> memref<64xi32, #tpu.memory_space<vmem>>
    %dma_start3A_639 = arith.constant 0 : i32
    %dma_start3A_640 = arith.constant 0 : i32
    %dma_start3A_641 = tpu.memref_slice %arg7[%dma_start3A_639, %dma_start3A_640] : memref<1000x128xf32, #tpu.memory_space<vmem_shared>> -> memref<1000x128xf32, #tpu.memory_space<vmem_shared>>
    tpu.enqueue_indirect_dma source(%dma_start3A_641 : memref<1000x128xf32, #tpu.memory_space<vmem_shared>>) target(%dma_start3A_635 : memref<64x128xf32, #tpu.memory_space<vmem>>) offsets(%dma_start3A_638 : memref<64xi32, #tpu.memory_space<vmem>>) semaphore(%arg13 : memref<!tpu.dma_semaphore, #tpu.memory_space<semaphore_mem>>) {add = true}
    %dma_wait3A_642 = arith.constant 9 : i32
    %dma_wait3A_643 = arith.constant 0 : i32
    %dma_wait3A_644 = arith.constant 0 : i32
    %dma_wait3A_645 = arith.constant 0 : i32
    %dma_wait3A_646 = tpu.memref_slice %arg11[%dma_wait3A_643, %dma_wait3A_644, %dma_wait3A_645] : memref<3x64x128xf32, #tpu.memory_space<vmem>> -> memref<1x64x128xf32, #tpu.memory_space<vmem>>
    %dma_wait3A_647 = tpu.memref_squeeze %dma_wait3A_646 : memref<1x64x128xf32, #tpu.memory_space<vmem>> -> memref<64x128xf32, #tpu.memory_space<vmem>>
    %dma_wait3A_648 = arith.constant 0 : i32
    %dma_wait3A_649 = tpu.memref_slice %arg6[%dma_wait3A_642, %dma_wait3A_648] : memref<25x64xi32, #tpu.memory_space<vmem>> -> memref<1x64xi32, #tpu.memory_space<vmem>>
    %dma_wait3A_650 = tpu.memref_squeeze %dma_wait3A_649 : memref<1x64xi32, #tpu.memory_space<vmem>> -> memref<64xi32, #tpu.memory_space<vmem>>
    %dma_wait3A_651 = arith.constant 0 : i32
    %dma_wait3A_652 = arith.constant 0 : i32
    %dma_wait3A_653 = tpu.memref_slice %arg7[%dma_wait3A_651, %dma_wait3A_652] : memref<1000x128xf32, #tpu.memory_space<vmem_shared>> -> memref<1000x128xf32, #tpu.memory_space<vmem_shared>>
    tpu.wait_indirect_dma semaphore(%arg13 : memref<!tpu.dma_semaphore, #tpu.memory_space<semaphore_mem>>) src(%dma_wait3A_653 : memref<1000x128xf32, #tpu.memory_space<vmem_shared>>) dst(%dma_wait3A_647 : memref<64x128xf32, #tpu.memory_space<vmem>>)
    %dma_wait3A_654 = arith.constant 10 : i32
    %dma_wait3A_655 = arith.constant 1 : i32
    %dma_wait3A_656 = arith.constant 0 : i32
    %dma_wait3A_657 = arith.constant 0 : i32
    %dma_wait3A_658 = tpu.memref_slice %arg11[%dma_wait3A_655, %dma_wait3A_656, %dma_wait3A_657] : memref<3x64x128xf32, #tpu.memory_space<vmem>> -> memref<1x64x128xf32, #tpu.memory_space<vmem>>
    %dma_wait3A_659 = tpu.memref_squeeze %dma_wait3A_658 : memref<1x64x128xf32, #tpu.memory_space<vmem>> -> memref<64x128xf32, #tpu.memory_space<vmem>>
    %dma_wait3A_660 = arith.constant 0 : i32
    %dma_wait3A_661 = tpu.memref_slice %arg6[%dma_wait3A_654, %dma_wait3A_660] : memref<25x64xi32, #tpu.memory_space<vmem>> -> memref<1x64xi32, #tpu.memory_space<vmem>>
    %dma_wait3A_662 = tpu.memref_squeeze %dma_wait3A_661 : memref<1x64xi32, #tpu.memory_space<vmem>> -> memref<64xi32, #tpu.memory_space<vmem>>
    %dma_wait3A_663 = arith.constant 0 : i32
    %dma_wait3A_664 = arith.constant 0 : i32
    %dma_wait3A_665 = tpu.memref_slice %arg7[%dma_wait3A_663, %dma_wait3A_664] : memref<1000x128xf32, #tpu.memory_space<vmem_shared>> -> memref<1000x128xf32, #tpu.memory_space<vmem_shared>>
    tpu.wait_indirect_dma semaphore(%arg13 : memref<!tpu.dma_semaphore, #tpu.memory_space<semaphore_mem>>) src(%dma_wait3A_665 : memref<1000x128xf32, #tpu.memory_space<vmem_shared>>) dst(%dma_wait3A_659 : memref<64x128xf32, #tpu.memory_space<vmem>>)
    %dma_wait3A_666 = arith.constant 11 : i32
    %dma_wait3A_667 = arith.constant 2 : i32
    %dma_wait3A_668 = arith.constant 0 : i32
    %dma_wait3A_669 = arith.constant 0 : i32
    %dma_wait3A_670 = tpu.memref_slice %arg11[%dma_wait3A_667, %dma_wait3A_668, %dma_wait3A_669] : memref<3x64x128xf32, #tpu.memory_space<vmem>> -> memref<1x64x128xf32, #tpu.memory_space<vmem>>
    %dma_wait3A_671 = tpu.memref_squeeze %dma_wait3A_670 : memref<1x64x128xf32, #tpu.memory_space<vmem>> -> memref<64x128xf32, #tpu.memory_space<vmem>>
    %dma_wait3A_672 = arith.constant 0 : i32
    %dma_wait3A_673 = tpu.memref_slice %arg6[%dma_wait3A_666, %dma_wait3A_672] : memref<25x64xi32, #tpu.memory_space<vmem>> -> memref<1x64xi32, #tpu.memory_space<vmem>>
    %dma_wait3A_674 = tpu.memref_squeeze %dma_wait3A_673 : memref<1x64xi32, #tpu.memory_space<vmem>> -> memref<64xi32, #tpu.memory_space<vmem>>
    %dma_wait3A_675 = arith.constant 0 : i32
    %dma_wait3A_676 = arith.constant 0 : i32
    %dma_wait3A_677 = tpu.memref_slice %arg7[%dma_wait3A_675, %dma_wait3A_676] : memref<1000x128xf32, #tpu.memory_space<vmem_shared>> -> memref<1000x128xf32, #tpu.memory_space<vmem_shared>>
    tpu.wait_indirect_dma semaphore(%arg13 : memref<!tpu.dma_semaphore, #tpu.memory_space<semaphore_mem>>) src(%dma_wait3A_677 : memref<1000x128xf32, #tpu.memory_space<vmem_shared>>) dst(%dma_wait3A_671 : memref<64x128xf32, #tpu.memory_space<vmem>>)
    %add3A_678 = arith.constant 9 : i32
    %add3A_679 = arith.addi %mul3A_32, %add3A_678 : i32
    %dma_start3A_680 = arith.constant 0 : i32
    %dma_start3A_681 = arith.constant 0 : i32
    %dma_start3A_682 = arith.constant 0 : i32
    %dma_start3A_683 = tpu.memref_slice %arg11[%dma_start3A_680, %dma_start3A_681, %dma_start3A_682] : memref<3x64x128xf32, #tpu.memory_space<vmem>> -> memref<3x64x128xf32, #tpu.memory_space<vmem>>
    %dma_start3A_684 = arith.constant 0 : i32
    %dma_start3A_685 = arith.constant 0 : i32
    %dma_start3A_686 = tpu.memref_slice %arg5[%select_n3A, %add3A_679, %dma_start3A_684, %dma_start3A_685] : memref<16x50x64x128xf32, #tpu.memory_space<hbm>> -> memref<1x3x64x128xf32, #tpu.memory_space<hbm>>
    %dma_start3A_687 = tpu.memref_squeeze %dma_start3A_686 : memref<1x3x64x128xf32, #tpu.memory_space<hbm>> -> memref<3x64x128xf32, #tpu.memory_space<hbm>>
    %dma_start3A_688 = arith.constant 0 : i32
    %dma_start3A_689 = arith.constant 0 : i32
    %dma_start3A_690 = tpu.memref_slice %arg5[%select_n3A, %add3A_679, %dma_start3A_688, %dma_start3A_689] : memref<16x50x64x128xf32, #tpu.memory_space<hbm>> -> memref<1x3x64x128xf32, #tpu.memory_space<hbm>>
    %dma_start3A_691 = tpu.memref_squeeze %dma_start3A_690 : memref<1x3x64x128xf32, #tpu.memory_space<hbm>> -> memref<3x64x128xf32, #tpu.memory_space<hbm>>
    %dma_start3A_692 = arith.constant 0 : i32
    %dma_start3A_693 = arith.constant 0 : i32
    %dma_start3A_694 = arith.constant 0 : i32
    %dma_start3A_695 = tpu.memref_slice %arg11[%dma_start3A_692, %dma_start3A_693, %dma_start3A_694] : memref<3x64x128xf32, #tpu.memory_space<vmem>> -> memref<3x64x128xf32, #tpu.memory_space<vmem>>
    tpu.enqueue_dma source(%dma_start3A_695 : memref<3x64x128xf32, #tpu.memory_space<vmem>>) target(%dma_start3A_691 : memref<3x64x128xf32, #tpu.memory_space<hbm>>) target_semaphore(%arg14 : memref<!tpu.dma_semaphore, #tpu.memory_space<semaphore_mem>>)
    %dma_wait3A_696 = arith.constant 0 : i32
    %dma_wait3A_697 = arith.constant 0 : i32
    %dma_wait3A_698 = arith.constant 0 : i32
    %dma_wait3A_699 = tpu.memref_slice %arg11[%dma_wait3A_696, %dma_wait3A_697, %dma_wait3A_698] : memref<3x64x128xf32, #tpu.memory_space<vmem>> -> memref<3x64x128xf32, #tpu.memory_space<vmem>>
    %dma_wait3A_700 = arith.constant 0 : i32
    %dma_wait3A_701 = arith.constant 0 : i32
    %dma_wait3A_702 = tpu.memref_slice %arg5[%select_n3A, %add3A_679, %dma_wait3A_700, %dma_wait3A_701] : memref<16x50x64x128xf32, #tpu.memory_space<hbm>> -> memref<1x3x64x128xf32, #tpu.memory_space<hbm>>
    %dma_wait3A_703 = tpu.memref_squeeze %dma_wait3A_702 : memref<1x3x64x128xf32, #tpu.memory_space<hbm>> -> memref<3x64x128xf32, #tpu.memory_space<hbm>>
    %dma_wait3A_704 = arith.constant 0 : i32
    %dma_wait3A_705 = arith.constant 0 : i32
    %dma_wait3A_706 = tpu.memref_slice %arg5[%select_n3A, %add3A_679, %dma_wait3A_704, %dma_wait3A_705] : memref<16x50x64x128xf32, #tpu.memory_space<hbm>> -> memref<1x3x64x128xf32, #tpu.memory_space<hbm>>
    %dma_wait3A_707 = tpu.memref_squeeze %dma_wait3A_706 : memref<1x3x64x128xf32, #tpu.memory_space<hbm>> -> memref<3x64x128xf32, #tpu.memory_space<hbm>>
    %dma_wait3A_708 = arith.constant 0 : i32
    %dma_wait3A_709 = arith.constant 0 : i32
    %dma_wait3A_710 = arith.constant 0 : i32
    %dma_wait3A_711 = tpu.memref_slice %arg11[%dma_wait3A_708, %dma_wait3A_709, %dma_wait3A_710] : memref<3x64x128xf32, #tpu.memory_space<vmem>> -> memref<3x64x128xf32, #tpu.memory_space<vmem>>
    tpu.wait_dma2 semaphore(%arg14 : memref<!tpu.dma_semaphore, #tpu.memory_space<semaphore_mem>>) src(%dma_wait3A_711 : memref<3x64x128xf32, #tpu.memory_space<vmem>>) dst(%dma_wait3A_707 : memref<3x64x128xf32, #tpu.memory_space<hbm>>)
    %add3A_712 = arith.constant 21 : i32
    %add3A_713 = arith.addi %mul3A_32, %add3A_712 : i32
    %dma_start3A_714 = arith.constant 0 : i32
    %dma_start3A_715 = arith.constant 0 : i32
    %dma_start3A_716 = arith.constant 0 : i32
    %dma_start3A_717 = tpu.memref_slice %arg11[%dma_start3A_714, %dma_start3A_715, %dma_start3A_716] : memref<3x64x128xf32, #tpu.memory_space<vmem>> -> memref<3x64x128xf32, #tpu.memory_space<vmem>>
    %dma_start3A_718 = arith.constant 0 : i32
    %dma_start3A_719 = arith.constant 0 : i32
    %dma_start3A_720 = tpu.memref_slice %arg2[%select_n3A, %add3A_713, %dma_start3A_718, %dma_start3A_719] : memref<16x50x64x128xf32, #tpu.memory_space<hbm>> -> memref<1x3x64x128xf32, #tpu.memory_space<hbm>>
    %dma_start3A_721 = tpu.memref_squeeze %dma_start3A_720 : memref<1x3x64x128xf32, #tpu.memory_space<hbm>> -> memref<3x64x128xf32, #tpu.memory_space<hbm>>
    %dma_start3A_722 = arith.constant 0 : i32
    %dma_start3A_723 = arith.constant 0 : i32
    %dma_start3A_724 = arith.constant 0 : i32
    %dma_start3A_725 = tpu.memref_slice %arg11[%dma_start3A_722, %dma_start3A_723, %dma_start3A_724] : memref<3x64x128xf32, #tpu.memory_space<vmem>> -> memref<3x64x128xf32, #tpu.memory_space<vmem>>
    %dma_start3A_726 = arith.constant 0 : i32
    %dma_start3A_727 = arith.constant 0 : i32
    %dma_start3A_728 = tpu.memref_slice %arg2[%select_n3A, %add3A_713, %dma_start3A_726, %dma_start3A_727] : memref<16x50x64x128xf32, #tpu.memory_space<hbm>> -> memref<1x3x64x128xf32, #tpu.memory_space<hbm>>
    %dma_start3A_729 = tpu.memref_squeeze %dma_start3A_728 : memref<1x3x64x128xf32, #tpu.memory_space<hbm>> -> memref<3x64x128xf32, #tpu.memory_space<hbm>>
    tpu.enqueue_dma source(%dma_start3A_729 : memref<3x64x128xf32, #tpu.memory_space<hbm>>) target(%dma_start3A_725 : memref<3x64x128xf32, #tpu.memory_space<vmem>>) target_semaphore(%arg12 : memref<!tpu.dma_semaphore, #tpu.memory_space<semaphore_mem>>)
    %dma_wait3A_730 = arith.constant 0 : i32
    %dma_wait3A_731 = arith.constant 0 : i32
    %dma_wait3A_732 = arith.constant 0 : i32
    %dma_wait3A_733 = tpu.memref_slice %arg9[%dma_wait3A_730, %dma_wait3A_731, %dma_wait3A_732] : memref<3x64x128xf32, #tpu.memory_space<vmem>> -> memref<3x64x128xf32, #tpu.memory_space<vmem>>
    %dma_wait3A_734 = arith.constant 0 : i32
    %dma_wait3A_735 = arith.constant 0 : i32
    %dma_wait3A_736 = tpu.memref_slice %arg2[%select_n3A, %add3A_433, %dma_wait3A_734, %dma_wait3A_735] : memref<16x50x64x128xf32, #tpu.memory_space<hbm>> -> memref<1x3x64x128xf32, #tpu.memory_space<hbm>>
    %dma_wait3A_737 = tpu.memref_squeeze %dma_wait3A_736 : memref<1x3x64x128xf32, #tpu.memory_space<hbm>> -> memref<3x64x128xf32, #tpu.memory_space<hbm>>
    %dma_wait3A_738 = arith.constant 0 : i32
    %dma_wait3A_739 = arith.constant 0 : i32
    %dma_wait3A_740 = arith.constant 0 : i32
    %dma_wait3A_741 = tpu.memref_slice %arg9[%dma_wait3A_738, %dma_wait3A_739, %dma_wait3A_740] : memref<3x64x128xf32, #tpu.memory_space<vmem>> -> memref<3x64x128xf32, #tpu.memory_space<vmem>>
    %dma_wait3A_742 = arith.constant 0 : i32
    %dma_wait3A_743 = arith.constant 0 : i32
    %dma_wait3A_744 = tpu.memref_slice %arg2[%select_n3A, %add3A_433, %dma_wait3A_742, %dma_wait3A_743] : memref<16x50x64x128xf32, #tpu.memory_space<hbm>> -> memref<1x3x64x128xf32, #tpu.memory_space<hbm>>
    %dma_wait3A_745 = tpu.memref_squeeze %dma_wait3A_744 : memref<1x3x64x128xf32, #tpu.memory_space<hbm>> -> memref<3x64x128xf32, #tpu.memory_space<hbm>>
    tpu.wait_dma2 semaphore(%arg12 : memref<!tpu.dma_semaphore, #tpu.memory_space<semaphore_mem>>) src(%dma_wait3A_745 : memref<3x64x128xf32, #tpu.memory_space<hbm>>) dst(%dma_wait3A_741 : memref<3x64x128xf32, #tpu.memory_space<vmem>>)
    %dma_start3A_746 = arith.constant 15 : i32
    %dma_start3A_747 = arith.constant 0 : i32
    %dma_start3A_748 = arith.constant 0 : i32
    %dma_start3A_749 = arith.constant 0 : i32
    %dma_start3A_750 = tpu.memref_slice %arg9[%dma_start3A_747, %dma_start3A_748, %dma_start3A_749] : memref<3x64x128xf32, #tpu.memory_space<vmem>> -> memref<1x64x128xf32, #tpu.memory_space<vmem>>
    %dma_start3A_751 = tpu.memref_squeeze %dma_start3A_750 : memref<1x64x128xf32, #tpu.memory_space<vmem>> -> memref<64x128xf32, #tpu.memory_space<vmem>>
    %dma_start3A_752 = arith.constant 0 : i32
    %dma_start3A_753 = tpu.memref_slice %arg6[%dma_start3A_746, %dma_start3A_752] : memref<25x64xi32, #tpu.memory_space<vmem>> -> memref<1x64xi32, #tpu.memory_space<vmem>>
    %dma_start3A_754 = tpu.memref_squeeze %dma_start3A_753 : memref<1x64xi32, #tpu.memory_space<vmem>> -> memref<64xi32, #tpu.memory_space<vmem>>
    %dma_start3A_755 = arith.constant 0 : i32
    %dma_start3A_756 = arith.constant 0 : i32
    %dma_start3A_757 = tpu.memref_slice %arg7[%dma_start3A_755, %dma_start3A_756] : memref<1000x128xf32, #tpu.memory_space<vmem_shared>> -> memref<1000x128xf32, #tpu.memory_space<vmem_shared>>
    tpu.enqueue_indirect_dma source(%dma_start3A_757 : memref<1000x128xf32, #tpu.memory_space<vmem_shared>>) target(%dma_start3A_751 : memref<64x128xf32, #tpu.memory_space<vmem>>) offsets(%dma_start3A_754 : memref<64xi32, #tpu.memory_space<vmem>>) semaphore(%arg13 : memref<!tpu.dma_semaphore, #tpu.memory_space<semaphore_mem>>) {add = true}
    %dma_start3A_758 = arith.constant 16 : i32
    %dma_start3A_759 = arith.constant 1 : i32
    %dma_start3A_760 = arith.constant 0 : i32
    %dma_start3A_761 = arith.constant 0 : i32
    %dma_start3A_762 = tpu.memref_slice %arg9[%dma_start3A_759, %dma_start3A_760, %dma_start3A_761] : memref<3x64x128xf32, #tpu.memory_space<vmem>> -> memref<1x64x128xf32, #tpu.memory_space<vmem>>
    %dma_start3A_763 = tpu.memref_squeeze %dma_start3A_762 : memref<1x64x128xf32, #tpu.memory_space<vmem>> -> memref<64x128xf32, #tpu.memory_space<vmem>>
    %dma_start3A_764 = arith.constant 0 : i32
    %dma_start3A_765 = tpu.memref_slice %arg6[%dma_start3A_758, %dma_start3A_764] : memref<25x64xi32, #tpu.memory_space<vmem>> -> memref<1x64xi32, #tpu.memory_space<vmem>>
    %dma_start3A_766 = tpu.memref_squeeze %dma_start3A_765 : memref<1x64xi32, #tpu.memory_space<vmem>> -> memref<64xi32, #tpu.memory_space<vmem>>
    %dma_start3A_767 = arith.constant 0 : i32
    %dma_start3A_768 = arith.constant 0 : i32
    %dma_start3A_769 = tpu.memref_slice %arg7[%dma_start3A_767, %dma_start3A_768] : memref<1000x128xf32, #tpu.memory_space<vmem_shared>> -> memref<1000x128xf32, #tpu.memory_space<vmem_shared>>
    tpu.enqueue_indirect_dma source(%dma_start3A_769 : memref<1000x128xf32, #tpu.memory_space<vmem_shared>>) target(%dma_start3A_763 : memref<64x128xf32, #tpu.memory_space<vmem>>) offsets(%dma_start3A_766 : memref<64xi32, #tpu.memory_space<vmem>>) semaphore(%arg13 : memref<!tpu.dma_semaphore, #tpu.memory_space<semaphore_mem>>) {add = true}
    %dma_start3A_770 = arith.constant 17 : i32
    %dma_start3A_771 = arith.constant 2 : i32
    %dma_start3A_772 = arith.constant 0 : i32
    %dma_start3A_773 = arith.constant 0 : i32
    %dma_start3A_774 = tpu.memref_slice %arg9[%dma_start3A_771, %dma_start3A_772, %dma_start3A_773] : memref<3x64x128xf32, #tpu.memory_space<vmem>> -> memref<1x64x128xf32, #tpu.memory_space<vmem>>
    %dma_start3A_775 = tpu.memref_squeeze %dma_start3A_774 : memref<1x64x128xf32, #tpu.memory_space<vmem>> -> memref<64x128xf32, #tpu.memory_space<vmem>>
    %dma_start3A_776 = arith.constant 0 : i32
    %dma_start3A_777 = tpu.memref_slice %arg6[%dma_start3A_770, %dma_start3A_776] : memref<25x64xi32, #tpu.memory_space<vmem>> -> memref<1x64xi32, #tpu.memory_space<vmem>>
    %dma_start3A_778 = tpu.memref_squeeze %dma_start3A_777 : memref<1x64xi32, #tpu.memory_space<vmem>> -> memref<64xi32, #tpu.memory_space<vmem>>
    %dma_start3A_779 = arith.constant 0 : i32
    %dma_start3A_780 = arith.constant 0 : i32
    %dma_start3A_781 = tpu.memref_slice %arg7[%dma_start3A_779, %dma_start3A_780] : memref<1000x128xf32, #tpu.memory_space<vmem_shared>> -> memref<1000x128xf32, #tpu.memory_space<vmem_shared>>
    tpu.enqueue_indirect_dma source(%dma_start3A_781 : memref<1000x128xf32, #tpu.memory_space<vmem_shared>>) target(%dma_start3A_775 : memref<64x128xf32, #tpu.memory_space<vmem>>) offsets(%dma_start3A_778 : memref<64xi32, #tpu.memory_space<vmem>>) semaphore(%arg13 : memref<!tpu.dma_semaphore, #tpu.memory_space<semaphore_mem>>) {add = true}
    %dma_wait3A_782 = arith.constant 12 : i32
    %dma_wait3A_783 = arith.constant 0 : i32
    %dma_wait3A_784 = arith.constant 0 : i32
    %dma_wait3A_785 = arith.constant 0 : i32
    %dma_wait3A_786 = tpu.memref_slice %arg8[%dma_wait3A_783, %dma_wait3A_784, %dma_wait3A_785] : memref<3x64x128xf32, #tpu.memory_space<vmem>> -> memref<1x64x128xf32, #tpu.memory_space<vmem>>
    %dma_wait3A_787 = tpu.memref_squeeze %dma_wait3A_786 : memref<1x64x128xf32, #tpu.memory_space<vmem>> -> memref<64x128xf32, #tpu.memory_space<vmem>>
    %dma_wait3A_788 = arith.constant 0 : i32
    %dma_wait3A_789 = tpu.memref_slice %arg6[%dma_wait3A_782, %dma_wait3A_788] : memref<25x64xi32, #tpu.memory_space<vmem>> -> memref<1x64xi32, #tpu.memory_space<vmem>>
    %dma_wait3A_790 = tpu.memref_squeeze %dma_wait3A_789 : memref<1x64xi32, #tpu.memory_space<vmem>> -> memref<64xi32, #tpu.memory_space<vmem>>
    %dma_wait3A_791 = arith.constant 0 : i32
    %dma_wait3A_792 = arith.constant 0 : i32
    %dma_wait3A_793 = tpu.memref_slice %arg7[%dma_wait3A_791, %dma_wait3A_792] : memref<1000x128xf32, #tpu.memory_space<vmem_shared>> -> memref<1000x128xf32, #tpu.memory_space<vmem_shared>>
    tpu.wait_indirect_dma semaphore(%arg13 : memref<!tpu.dma_semaphore, #tpu.memory_space<semaphore_mem>>) src(%dma_wait3A_793 : memref<1000x128xf32, #tpu.memory_space<vmem_shared>>) dst(%dma_wait3A_787 : memref<64x128xf32, #tpu.memory_space<vmem>>)
    %dma_wait3A_794 = arith.constant 13 : i32
    %dma_wait3A_795 = arith.constant 1 : i32
    %dma_wait3A_796 = arith.constant 0 : i32
    %dma_wait3A_797 = arith.constant 0 : i32
    %dma_wait3A_798 = tpu.memref_slice %arg8[%dma_wait3A_795, %dma_wait3A_796, %dma_wait3A_797] : memref<3x64x128xf32, #tpu.memory_space<vmem>> -> memref<1x64x128xf32, #tpu.memory_space<vmem>>
    %dma_wait3A_799 = tpu.memref_squeeze %dma_wait3A_798 : memref<1x64x128xf32, #tpu.memory_space<vmem>> -> memref<64x128xf32, #tpu.memory_space<vmem>>
    %dma_wait3A_800 = arith.constant 0 : i32
    %dma_wait3A_801 = tpu.memref_slice %arg6[%dma_wait3A_794, %dma_wait3A_800] : memref<25x64xi32, #tpu.memory_space<vmem>> -> memref<1x64xi32, #tpu.memory_space<vmem>>
    %dma_wait3A_802 = tpu.memref_squeeze %dma_wait3A_801 : memref<1x64xi32, #tpu.memory_space<vmem>> -> memref<64xi32, #tpu.memory_space<vmem>>
    %dma_wait3A_803 = arith.constant 0 : i32
    %dma_wait3A_804 = arith.constant 0 : i32
    %dma_wait3A_805 = tpu.memref_slice %arg7[%dma_wait3A_803, %dma_wait3A_804] : memref<1000x128xf32, #tpu.memory_space<vmem_shared>> -> memref<1000x128xf32, #tpu.memory_space<vmem_shared>>
    tpu.wait_indirect_dma semaphore(%arg13 : memref<!tpu.dma_semaphore, #tpu.memory_space<semaphore_mem>>) src(%dma_wait3A_805 : memref<1000x128xf32, #tpu.memory_space<vmem_shared>>) dst(%dma_wait3A_799 : memref<64x128xf32, #tpu.memory_space<vmem>>)
    %dma_wait3A_806 = arith.constant 14 : i32
    %dma_wait3A_807 = arith.constant 2 : i32
    %dma_wait3A_808 = arith.constant 0 : i32
    %dma_wait3A_809 = arith.constant 0 : i32
    %dma_wait3A_810 = tpu.memref_slice %arg8[%dma_wait3A_807, %dma_wait3A_808, %dma_wait3A_809] : memref<3x64x128xf32, #tpu.memory_space<vmem>> -> memref<1x64x128xf32, #tpu.memory_space<vmem>>
    %dma_wait3A_811 = tpu.memref_squeeze %dma_wait3A_810 : memref<1x64x128xf32, #tpu.memory_space<vmem>> -> memref<64x128xf32, #tpu.memory_space<vmem>>
    %dma_wait3A_812 = arith.constant 0 : i32
    %dma_wait3A_813 = tpu.memref_slice %arg6[%dma_wait3A_806, %dma_wait3A_812] : memref<25x64xi32, #tpu.memory_space<vmem>> -> memref<1x64xi32, #tpu.memory_space<vmem>>
    %dma_wait3A_814 = tpu.memref_squeeze %dma_wait3A_813 : memref<1x64xi32, #tpu.memory_space<vmem>> -> memref<64xi32, #tpu.memory_space<vmem>>
    %dma_wait3A_815 = arith.constant 0 : i32
    %dma_wait3A_816 = arith.constant 0 : i32
    %dma_wait3A_817 = tpu.memref_slice %arg7[%dma_wait3A_815, %dma_wait3A_816] : memref<1000x128xf32, #tpu.memory_space<vmem_shared>> -> memref<1000x128xf32, #tpu.memory_space<vmem_shared>>
    tpu.wait_indirect_dma semaphore(%arg13 : memref<!tpu.dma_semaphore, #tpu.memory_space<semaphore_mem>>) src(%dma_wait3A_817 : memref<1000x128xf32, #tpu.memory_space<vmem_shared>>) dst(%dma_wait3A_811 : memref<64x128xf32, #tpu.memory_space<vmem>>)
    %add3A_818 = arith.constant 12 : i32
    %add3A_819 = arith.addi %mul3A_32, %add3A_818 : i32
    %dma_start3A_820 = arith.constant 0 : i32
    %dma_start3A_821 = arith.constant 0 : i32
    %dma_start3A_822 = arith.constant 0 : i32
    %dma_start3A_823 = tpu.memref_slice %arg8[%dma_start3A_820, %dma_start3A_821, %dma_start3A_822] : memref<3x64x128xf32, #tpu.memory_space<vmem>> -> memref<3x64x128xf32, #tpu.memory_space<vmem>>
    %dma_start3A_824 = arith.constant 0 : i32
    %dma_start3A_825 = arith.constant 0 : i32
    %dma_start3A_826 = tpu.memref_slice %arg5[%select_n3A, %add3A_819, %dma_start3A_824, %dma_start3A_825] : memref<16x50x64x128xf32, #tpu.memory_space<hbm>> -> memref<1x3x64x128xf32, #tpu.memory_space<hbm>>
    %dma_start3A_827 = tpu.memref_squeeze %dma_start3A_826 : memref<1x3x64x128xf32, #tpu.memory_space<hbm>> -> memref<3x64x128xf32, #tpu.memory_space<hbm>>
    %dma_start3A_828 = arith.constant 0 : i32
    %dma_start3A_829 = arith.constant 0 : i32
    %dma_start3A_830 = tpu.memref_slice %arg5[%select_n3A, %add3A_819, %dma_start3A_828, %dma_start3A_829] : memref<16x50x64x128xf32, #tpu.memory_space<hbm>> -> memref<1x3x64x128xf32, #tpu.memory_space<hbm>>
    %dma_start3A_831 = tpu.memref_squeeze %dma_start3A_830 : memref<1x3x64x128xf32, #tpu.memory_space<hbm>> -> memref<3x64x128xf32, #tpu.memory_space<hbm>>
    %dma_start3A_832 = arith.constant 0 : i32
    %dma_start3A_833 = arith.constant 0 : i32
    %dma_start3A_834 = arith.constant 0 : i32
    %dma_start3A_835 = tpu.memref_slice %arg8[%dma_start3A_832, %dma_start3A_833, %dma_start3A_834] : memref<3x64x128xf32, #tpu.memory_space<vmem>> -> memref<3x64x128xf32, #tpu.memory_space<vmem>>
    tpu.enqueue_dma source(%dma_start3A_835 : memref<3x64x128xf32, #tpu.memory_space<vmem>>) target(%dma_start3A_831 : memref<3x64x128xf32, #tpu.memory_space<hbm>>) target_semaphore(%arg14 : memref<!tpu.dma_semaphore, #tpu.memory_space<semaphore_mem>>)
    %dma_wait3A_836 = arith.constant 0 : i32
    %dma_wait3A_837 = arith.constant 0 : i32
    %dma_wait3A_838 = arith.constant 0 : i32
    %dma_wait3A_839 = tpu.memref_slice %arg8[%dma_wait3A_836, %dma_wait3A_837, %dma_wait3A_838] : memref<3x64x128xf32, #tpu.memory_space<vmem>> -> memref<3x64x128xf32, #tpu.memory_space<vmem>>
    %dma_wait3A_840 = arith.constant 0 : i32
    %dma_wait3A_841 = arith.constant 0 : i32
    %dma_wait3A_842 = tpu.memref_slice %arg5[%select_n3A, %add3A_819, %dma_wait3A_840, %dma_wait3A_841] : memref<16x50x64x128xf32, #tpu.memory_space<hbm>> -> memref<1x3x64x128xf32, #tpu.memory_space<hbm>>
    %dma_wait3A_843 = tpu.memref_squeeze %dma_wait3A_842 : memref<1x3x64x128xf32, #tpu.memory_space<hbm>> -> memref<3x64x128xf32, #tpu.memory_space<hbm>>
    %dma_wait3A_844 = arith.constant 0 : i32
    %dma_wait3A_845 = arith.constant 0 : i32
    %dma_wait3A_846 = tpu.memref_slice %arg5[%select_n3A, %add3A_819, %dma_wait3A_844, %dma_wait3A_845] : memref<16x50x64x128xf32, #tpu.memory_space<hbm>> -> memref<1x3x64x128xf32, #tpu.memory_space<hbm>>
    %dma_wait3A_847 = tpu.memref_squeeze %dma_wait3A_846 : memref<1x3x64x128xf32, #tpu.memory_space<hbm>> -> memref<3x64x128xf32, #tpu.memory_space<hbm>>
    %dma_wait3A_848 = arith.constant 0 : i32
    %dma_wait3A_849 = arith.constant 0 : i32
    %dma_wait3A_850 = arith.constant 0 : i32
    %dma_wait3A_851 = tpu.memref_slice %arg8[%dma_wait3A_848, %dma_wait3A_849, %dma_wait3A_850] : memref<3x64x128xf32, #tpu.memory_space<vmem>> -> memref<3x64x128xf32, #tpu.memory_space<vmem>>
    tpu.wait_dma2 semaphore(%arg14 : memref<!tpu.dma_semaphore, #tpu.memory_space<semaphore_mem>>) src(%dma_wait3A_851 : memref<3x64x128xf32, #tpu.memory_space<vmem>>) dst(%dma_wait3A_847 : memref<3x64x128xf32, #tpu.memory_space<hbm>>)
    %add3A_852 = arith.constant 24 : i32
    %add3A_853 = arith.addi %mul3A_32, %add3A_852 : i32
    %dma_start3A_854 = arith.constant 0 : i32
    %dma_start3A_855 = arith.constant 0 : i32
    %dma_start3A_856 = arith.constant 0 : i32
    %dma_start3A_857 = tpu.memref_slice %arg8[%dma_start3A_854, %dma_start3A_855, %dma_start3A_856] : memref<3x64x128xf32, #tpu.memory_space<vmem>> -> memref<1x64x128xf32, #tpu.memory_space<vmem>>
    %dma_start3A_858 = arith.constant 0 : i32
    %dma_start3A_859 = arith.constant 0 : i32
    %dma_start3A_860 = tpu.memref_slice %arg2[%select_n3A, %add3A_853, %dma_start3A_858, %dma_start3A_859] : memref<16x50x64x128xf32, #tpu.memory_space<hbm>> -> memref<1x1x64x128xf32, #tpu.memory_space<hbm>>
    %dma_start3A_861 = tpu.memref_squeeze %dma_start3A_860 : memref<1x1x64x128xf32, #tpu.memory_space<hbm>> -> memref<1x64x128xf32, #tpu.memory_space<hbm>>
    %dma_start3A_862 = arith.constant 0 : i32
    %dma_start3A_863 = arith.constant 0 : i32
    %dma_start3A_864 = arith.constant 0 : i32
    %dma_start3A_865 = tpu.memref_slice %arg8[%dma_start3A_862, %dma_start3A_863, %dma_start3A_864] : memref<3x64x128xf32, #tpu.memory_space<vmem>> -> memref<1x64x128xf32, #tpu.memory_space<vmem>>
    %dma_start3A_866 = arith.constant 0 : i32
    %dma_start3A_867 = arith.constant 0 : i32
    %dma_start3A_868 = tpu.memref_slice %arg2[%select_n3A, %add3A_853, %dma_start3A_866, %dma_start3A_867] : memref<16x50x64x128xf32, #tpu.memory_space<hbm>> -> memref<1x1x64x128xf32, #tpu.memory_space<hbm>>
    %dma_start3A_869 = tpu.memref_squeeze %dma_start3A_868 : memref<1x1x64x128xf32, #tpu.memory_space<hbm>> -> memref<1x64x128xf32, #tpu.memory_space<hbm>>
    tpu.enqueue_dma source(%dma_start3A_869 : memref<1x64x128xf32, #tpu.memory_space<hbm>>) target(%dma_start3A_865 : memref<1x64x128xf32, #tpu.memory_space<vmem>>) target_semaphore(%arg12 : memref<!tpu.dma_semaphore, #tpu.memory_space<semaphore_mem>>)
    %dma_wait3A_870 = arith.constant 0 : i32
    %dma_wait3A_871 = arith.constant 0 : i32
    %dma_wait3A_872 = arith.constant 0 : i32
    %dma_wait3A_873 = tpu.memref_slice %arg10[%dma_wait3A_870, %dma_wait3A_871, %dma_wait3A_872] : memref<3x64x128xf32, #tpu.memory_space<vmem>> -> memref<3x64x128xf32, #tpu.memory_space<vmem>>
    %dma_wait3A_874 = arith.constant 0 : i32
    %dma_wait3A_875 = arith.constant 0 : i32
    %dma_wait3A_876 = tpu.memref_slice %arg2[%select_n3A, %add3A_573, %dma_wait3A_874, %dma_wait3A_875] : memref<16x50x64x128xf32, #tpu.memory_space<hbm>> -> memref<1x3x64x128xf32, #tpu.memory_space<hbm>>
    %dma_wait3A_877 = tpu.memref_squeeze %dma_wait3A_876 : memref<1x3x64x128xf32, #tpu.memory_space<hbm>> -> memref<3x64x128xf32, #tpu.memory_space<hbm>>
    %dma_wait3A_878 = arith.constant 0 : i32
    %dma_wait3A_879 = arith.constant 0 : i32
    %dma_wait3A_880 = arith.constant 0 : i32
    %dma_wait3A_881 = tpu.memref_slice %arg10[%dma_wait3A_878, %dma_wait3A_879, %dma_wait3A_880] : memref<3x64x128xf32, #tpu.memory_space<vmem>> -> memref<3x64x128xf32, #tpu.memory_space<vmem>>
    %dma_wait3A_882 = arith.constant 0 : i32
    %dma_wait3A_883 = arith.constant 0 : i32
    %dma_wait3A_884 = tpu.memref_slice %arg2[%select_n3A, %add3A_573, %dma_wait3A_882, %dma_wait3A_883] : memref<16x50x64x128xf32, #tpu.memory_space<hbm>> -> memref<1x3x64x128xf32, #tpu.memory_space<hbm>>
    %dma_wait3A_885 = tpu.memref_squeeze %dma_wait3A_884 : memref<1x3x64x128xf32, #tpu.memory_space<hbm>> -> memref<3x64x128xf32, #tpu.memory_space<hbm>>
    tpu.wait_dma2 semaphore(%arg12 : memref<!tpu.dma_semaphore, #tpu.memory_space<semaphore_mem>>) src(%dma_wait3A_885 : memref<3x64x128xf32, #tpu.memory_space<hbm>>) dst(%dma_wait3A_881 : memref<3x64x128xf32, #tpu.memory_space<vmem>>)
    %dma_start3A_886 = arith.constant 18 : i32
    %dma_start3A_887 = arith.constant 0 : i32
    %dma_start3A_888 = arith.constant 0 : i32
    %dma_start3A_889 = arith.constant 0 : i32
    %dma_start3A_890 = tpu.memref_slice %arg10[%dma_start3A_887, %dma_start3A_888, %dma_start3A_889] : memref<3x64x128xf32, #tpu.memory_space<vmem>> -> memref<1x64x128xf32, #tpu.memory_space<vmem>>
    %dma_start3A_891 = tpu.memref_squeeze %dma_start3A_890 : memref<1x64x128xf32, #tpu.memory_space<vmem>> -> memref<64x128xf32, #tpu.memory_space<vmem>>
    %dma_start3A_892 = arith.constant 0 : i32
    %dma_start3A_893 = tpu.memref_slice %arg6[%dma_start3A_886, %dma_start3A_892] : memref<25x64xi32, #tpu.memory_space<vmem>> -> memref<1x64xi32, #tpu.memory_space<vmem>>
    %dma_start3A_894 = tpu.memref_squeeze %dma_start3A_893 : memref<1x64xi32, #tpu.memory_space<vmem>> -> memref<64xi32, #tpu.memory_space<vmem>>
    %dma_start3A_895 = arith.constant 0 : i32
    %dma_start3A_896 = arith.constant 0 : i32
    %dma_start3A_897 = tpu.memref_slice %arg7[%dma_start3A_895, %dma_start3A_896] : memref<1000x128xf32, #tpu.memory_space<vmem_shared>> -> memref<1000x128xf32, #tpu.memory_space<vmem_shared>>
    tpu.enqueue_indirect_dma source(%dma_start3A_897 : memref<1000x128xf32, #tpu.memory_space<vmem_shared>>) target(%dma_start3A_891 : memref<64x128xf32, #tpu.memory_space<vmem>>) offsets(%dma_start3A_894 : memref<64xi32, #tpu.memory_space<vmem>>) semaphore(%arg13 : memref<!tpu.dma_semaphore, #tpu.memory_space<semaphore_mem>>) {add = true}
    %dma_start3A_898 = arith.constant 19 : i32
    %dma_start3A_899 = arith.constant 1 : i32
    %dma_start3A_900 = arith.constant 0 : i32
    %dma_start3A_901 = arith.constant 0 : i32
    %dma_start3A_902 = tpu.memref_slice %arg10[%dma_start3A_899, %dma_start3A_900, %dma_start3A_901] : memref<3x64x128xf32, #tpu.memory_space<vmem>> -> memref<1x64x128xf32, #tpu.memory_space<vmem>>
    %dma_start3A_903 = tpu.memref_squeeze %dma_start3A_902 : memref<1x64x128xf32, #tpu.memory_space<vmem>> -> memref<64x128xf32, #tpu.memory_space<vmem>>
    %dma_start3A_904 = arith.constant 0 : i32
    %dma_start3A_905 = tpu.memref_slice %arg6[%dma_start3A_898, %dma_start3A_904] : memref<25x64xi32, #tpu.memory_space<vmem>> -> memref<1x64xi32, #tpu.memory_space<vmem>>
    %dma_start3A_906 = tpu.memref_squeeze %dma_start3A_905 : memref<1x64xi32, #tpu.memory_space<vmem>> -> memref<64xi32, #tpu.memory_space<vmem>>
    %dma_start3A_907 = arith.constant 0 : i32
    %dma_start3A_908 = arith.constant 0 : i32
    %dma_start3A_909 = tpu.memref_slice %arg7[%dma_start3A_907, %dma_start3A_908] : memref<1000x128xf32, #tpu.memory_space<vmem_shared>> -> memref<1000x128xf32, #tpu.memory_space<vmem_shared>>
    tpu.enqueue_indirect_dma source(%dma_start3A_909 : memref<1000x128xf32, #tpu.memory_space<vmem_shared>>) target(%dma_start3A_903 : memref<64x128xf32, #tpu.memory_space<vmem>>) offsets(%dma_start3A_906 : memref<64xi32, #tpu.memory_space<vmem>>) semaphore(%arg13 : memref<!tpu.dma_semaphore, #tpu.memory_space<semaphore_mem>>) {add = true}
    %dma_start3A_910 = arith.constant 20 : i32
    %dma_start3A_911 = arith.constant 2 : i32
    %dma_start3A_912 = arith.constant 0 : i32
    %dma_start3A_913 = arith.constant 0 : i32
    %dma_start3A_914 = tpu.memref_slice %arg10[%dma_start3A_911, %dma_start3A_912, %dma_start3A_913] : memref<3x64x128xf32, #tpu.memory_space<vmem>> -> memref<1x64x128xf32, #tpu.memory_space<vmem>>
    %dma_start3A_915 = tpu.memref_squeeze %dma_start3A_914 : memref<1x64x128xf32, #tpu.memory_space<vmem>> -> memref<64x128xf32, #tpu.memory_space<vmem>>
    %dma_start3A_916 = arith.constant 0 : i32
    %dma_start3A_917 = tpu.memref_slice %arg6[%dma_start3A_910, %dma_start3A_916] : memref<25x64xi32, #tpu.memory_space<vmem>> -> memref<1x64xi32, #tpu.memory_space<vmem>>
    %dma_start3A_918 = tpu.memref_squeeze %dma_start3A_917 : memref<1x64xi32, #tpu.memory_space<vmem>> -> memref<64xi32, #tpu.memory_space<vmem>>
    %dma_start3A_919 = arith.constant 0 : i32
    %dma_start3A_920 = arith.constant 0 : i32
    %dma_start3A_921 = tpu.memref_slice %arg7[%dma_start3A_919, %dma_start3A_920] : memref<1000x128xf32, #tpu.memory_space<vmem_shared>> -> memref<1000x128xf32, #tpu.memory_space<vmem_shared>>
    tpu.enqueue_indirect_dma source(%dma_start3A_921 : memref<1000x128xf32, #tpu.memory_space<vmem_shared>>) target(%dma_start3A_915 : memref<64x128xf32, #tpu.memory_space<vmem>>) offsets(%dma_start3A_918 : memref<64xi32, #tpu.memory_space<vmem>>) semaphore(%arg13 : memref<!tpu.dma_semaphore, #tpu.memory_space<semaphore_mem>>) {add = true}
    %dma_wait3A_922 = arith.constant 15 : i32
    %dma_wait3A_923 = arith.constant 0 : i32
    %dma_wait3A_924 = arith.constant 0 : i32
    %dma_wait3A_925 = arith.constant 0 : i32
    %dma_wait3A_926 = tpu.memref_slice %arg9[%dma_wait3A_923, %dma_wait3A_924, %dma_wait3A_925] : memref<3x64x128xf32, #tpu.memory_space<vmem>> -> memref<1x64x128xf32, #tpu.memory_space<vmem>>
    %dma_wait3A_927 = tpu.memref_squeeze %dma_wait3A_926 : memref<1x64x128xf32, #tpu.memory_space<vmem>> -> memref<64x128xf32, #tpu.memory_space<vmem>>
    %dma_wait3A_928 = arith.constant 0 : i32
    %dma_wait3A_929 = tpu.memref_slice %arg6[%dma_wait3A_922, %dma_wait3A_928] : memref<25x64xi32, #tpu.memory_space<vmem>> -> memref<1x64xi32, #tpu.memory_space<vmem>>
    %dma_wait3A_930 = tpu.memref_squeeze %dma_wait3A_929 : memref<1x64xi32, #tpu.memory_space<vmem>> -> memref<64xi32, #tpu.memory_space<vmem>>
    %dma_wait3A_931 = arith.constant 0 : i32
    %dma_wait3A_932 = arith.constant 0 : i32
    %dma_wait3A_933 = tpu.memref_slice %arg7[%dma_wait3A_931, %dma_wait3A_932] : memref<1000x128xf32, #tpu.memory_space<vmem_shared>> -> memref<1000x128xf32, #tpu.memory_space<vmem_shared>>
    tpu.wait_indirect_dma semaphore(%arg13 : memref<!tpu.dma_semaphore, #tpu.memory_space<semaphore_mem>>) src(%dma_wait3A_933 : memref<1000x128xf32, #tpu.memory_space<vmem_shared>>) dst(%dma_wait3A_927 : memref<64x128xf32, #tpu.memory_space<vmem>>)
    %dma_wait3A_934 = arith.constant 16 : i32
    %dma_wait3A_935 = arith.constant 1 : i32
    %dma_wait3A_936 = arith.constant 0 : i32
    %dma_wait3A_937 = arith.constant 0 : i32
    %dma_wait3A_938 = tpu.memref_slice %arg9[%dma_wait3A_935, %dma_wait3A_936, %dma_wait3A_937] : memref<3x64x128xf32, #tpu.memory_space<vmem>> -> memref<1x64x128xf32, #tpu.memory_space<vmem>>
    %dma_wait3A_939 = tpu.memref_squeeze %dma_wait3A_938 : memref<1x64x128xf32, #tpu.memory_space<vmem>> -> memref<64x128xf32, #tpu.memory_space<vmem>>
    %dma_wait3A_940 = arith.constant 0 : i32
    %dma_wait3A_941 = tpu.memref_slice %arg6[%dma_wait3A_934, %dma_wait3A_940] : memref<25x64xi32, #tpu.memory_space<vmem>> -> memref<1x64xi32, #tpu.memory_space<vmem>>
    %dma_wait3A_942 = tpu.memref_squeeze %dma_wait3A_941 : memref<1x64xi32, #tpu.memory_space<vmem>> -> memref<64xi32, #tpu.memory_space<vmem>>
    %dma_wait3A_943 = arith.constant 0 : i32
    %dma_wait3A_944 = arith.constant 0 : i32
    %dma_wait3A_945 = tpu.memref_slice %arg7[%dma_wait3A_943, %dma_wait3A_944] : memref<1000x128xf32, #tpu.memory_space<vmem_shared>> -> memref<1000x128xf32, #tpu.memory_space<vmem_shared>>
    tpu.wait_indirect_dma semaphore(%arg13 : memref<!tpu.dma_semaphore, #tpu.memory_space<semaphore_mem>>) src(%dma_wait3A_945 : memref<1000x128xf32, #tpu.memory_space<vmem_shared>>) dst(%dma_wait3A_939 : memref<64x128xf32, #tpu.memory_space<vmem>>)
    %dma_wait3A_946 = arith.constant 17 : i32
    %dma_wait3A_947 = arith.constant 2 : i32
    %dma_wait3A_948 = arith.constant 0 : i32
    %dma_wait3A_949 = arith.constant 0 : i32
    %dma_wait3A_950 = tpu.memref_slice %arg9[%dma_wait3A_947, %dma_wait3A_948, %dma_wait3A_949] : memref<3x64x128xf32, #tpu.memory_space<vmem>> -> memref<1x64x128xf32, #tpu.memory_space<vmem>>
    %dma_wait3A_951 = tpu.memref_squeeze %dma_wait3A_950 : memref<1x64x128xf32, #tpu.memory_space<vmem>> -> memref<64x128xf32, #tpu.memory_space<vmem>>
    %dma_wait3A_952 = arith.constant 0 : i32
    %dma_wait3A_953 = tpu.memref_slice %arg6[%dma_wait3A_946, %dma_wait3A_952] : memref<25x64xi32, #tpu.memory_space<vmem>> -> memref<1x64xi32, #tpu.memory_space<vmem>>
    %dma_wait3A_954 = tpu.memref_squeeze %dma_wait3A_953 : memref<1x64xi32, #tpu.memory_space<vmem>> -> memref<64xi32, #tpu.memory_space<vmem>>
    %dma_wait3A_955 = arith.constant 0 : i32
    %dma_wait3A_956 = arith.constant 0 : i32
    %dma_wait3A_957 = tpu.memref_slice %arg7[%dma_wait3A_955, %dma_wait3A_956] : memref<1000x128xf32, #tpu.memory_space<vmem_shared>> -> memref<1000x128xf32, #tpu.memory_space<vmem_shared>>
    tpu.wait_indirect_dma semaphore(%arg13 : memref<!tpu.dma_semaphore, #tpu.memory_space<semaphore_mem>>) src(%dma_wait3A_957 : memref<1000x128xf32, #tpu.memory_space<vmem_shared>>) dst(%dma_wait3A_951 : memref<64x128xf32, #tpu.memory_space<vmem>>)
    %add3A_958 = arith.constant 15 : i32
    %add3A_959 = arith.addi %mul3A_32, %add3A_958 : i32
    %dma_start3A_960 = arith.constant 0 : i32
    %dma_start3A_961 = arith.constant 0 : i32
    %dma_start3A_962 = arith.constant 0 : i32
    %dma_start3A_963 = tpu.memref_slice %arg9[%dma_start3A_960, %dma_start3A_961, %dma_start3A_962] : memref<3x64x128xf32, #tpu.memory_space<vmem>> -> memref<3x64x128xf32, #tpu.memory_space<vmem>>
    %dma_start3A_964 = arith.constant 0 : i32
    %dma_start3A_965 = arith.constant 0 : i32
    %dma_start3A_966 = tpu.memref_slice %arg5[%select_n3A, %add3A_959, %dma_start3A_964, %dma_start3A_965] : memref<16x50x64x128xf32, #tpu.memory_space<hbm>> -> memref<1x3x64x128xf32, #tpu.memory_space<hbm>>
    %dma_start3A_967 = tpu.memref_squeeze %dma_start3A_966 : memref<1x3x64x128xf32, #tpu.memory_space<hbm>> -> memref<3x64x128xf32, #tpu.memory_space<hbm>>
    %dma_start3A_968 = arith.constant 0 : i32
    %dma_start3A_969 = arith.constant 0 : i32
    %dma_start3A_970 = tpu.memref_slice %arg5[%select_n3A, %add3A_959, %dma_start3A_968, %dma_start3A_969] : memref<16x50x64x128xf32, #tpu.memory_space<hbm>> -> memref<1x3x64x128xf32, #tpu.memory_space<hbm>>
    %dma_start3A_971 = tpu.memref_squeeze %dma_start3A_970 : memref<1x3x64x128xf32, #tpu.memory_space<hbm>> -> memref<3x64x128xf32, #tpu.memory_space<hbm>>
    %dma_start3A_972 = arith.constant 0 : i32
    %dma_start3A_973 = arith.constant 0 : i32
    %dma_start3A_974 = arith.constant 0 : i32
    %dma_start3A_975 = tpu.memref_slice %arg9[%dma_start3A_972, %dma_start3A_973, %dma_start3A_974] : memref<3x64x128xf32, #tpu.memory_space<vmem>> -> memref<3x64x128xf32, #tpu.memory_space<vmem>>
    tpu.enqueue_dma source(%dma_start3A_975 : memref<3x64x128xf32, #tpu.memory_space<vmem>>) target(%dma_start3A_971 : memref<3x64x128xf32, #tpu.memory_space<hbm>>) target_semaphore(%arg14 : memref<!tpu.dma_semaphore, #tpu.memory_space<semaphore_mem>>)
    %dma_wait3A_976 = arith.constant 0 : i32
    %dma_wait3A_977 = arith.constant 0 : i32
    %dma_wait3A_978 = arith.constant 0 : i32
    %dma_wait3A_979 = tpu.memref_slice %arg11[%dma_wait3A_976, %dma_wait3A_977, %dma_wait3A_978] : memref<3x64x128xf32, #tpu.memory_space<vmem>> -> memref<3x64x128xf32, #tpu.memory_space<vmem>>
    %dma_wait3A_980 = arith.constant 0 : i32
    %dma_wait3A_981 = arith.constant 0 : i32
    %dma_wait3A_982 = tpu.memref_slice %arg2[%select_n3A, %add3A_713, %dma_wait3A_980, %dma_wait3A_981] : memref<16x50x64x128xf32, #tpu.memory_space<hbm>> -> memref<1x3x64x128xf32, #tpu.memory_space<hbm>>
    %dma_wait3A_983 = tpu.memref_squeeze %dma_wait3A_982 : memref<1x3x64x128xf32, #tpu.memory_space<hbm>> -> memref<3x64x128xf32, #tpu.memory_space<hbm>>
    %dma_wait3A_984 = arith.constant 0 : i32
    %dma_wait3A_985 = arith.constant 0 : i32
    %dma_wait3A_986 = arith.constant 0 : i32
    %dma_wait3A_987 = tpu.memref_slice %arg11[%dma_wait3A_984, %dma_wait3A_985, %dma_wait3A_986] : memref<3x64x128xf32, #tpu.memory_space<vmem>> -> memref<3x64x128xf32, #tpu.memory_space<vmem>>
    %dma_wait3A_988 = arith.constant 0 : i32
    %dma_wait3A_989 = arith.constant 0 : i32
    %dma_wait3A_990 = tpu.memref_slice %arg2[%select_n3A, %add3A_713, %dma_wait3A_988, %dma_wait3A_989] : memref<16x50x64x128xf32, #tpu.memory_space<hbm>> -> memref<1x3x64x128xf32, #tpu.memory_space<hbm>>
    %dma_wait3A_991 = tpu.memref_squeeze %dma_wait3A_990 : memref<1x3x64x128xf32, #tpu.memory_space<hbm>> -> memref<3x64x128xf32, #tpu.memory_space<hbm>>
    tpu.wait_dma2 semaphore(%arg12 : memref<!tpu.dma_semaphore, #tpu.memory_space<semaphore_mem>>) src(%dma_wait3A_991 : memref<3x64x128xf32, #tpu.memory_space<hbm>>) dst(%dma_wait3A_987 : memref<3x64x128xf32, #tpu.memory_space<vmem>>)
    %dma_start3A_992 = arith.constant 21 : i32
    %dma_start3A_993 = arith.constant 0 : i32
    %dma_start3A_994 = arith.constant 0 : i32
    %dma_start3A_995 = arith.constant 0 : i32
    %dma_start3A_996 = tpu.memref_slice %arg11[%dma_start3A_993, %dma_start3A_994, %dma_start3A_995] : memref<3x64x128xf32, #tpu.memory_space<vmem>> -> memref<1x64x128xf32, #tpu.memory_space<vmem>>
    %dma_start3A_997 = tpu.memref_squeeze %dma_start3A_996 : memref<1x64x128xf32, #tpu.memory_space<vmem>> -> memref<64x128xf32, #tpu.memory_space<vmem>>
    %dma_start3A_998 = arith.constant 0 : i32
    %dma_start3A_999 = tpu.memref_slice %arg6[%dma_start3A_992, %dma_start3A_998] : memref<25x64xi32, #tpu.memory_space<vmem>> -> memref<1x64xi32, #tpu.memory_space<vmem>>
    %dma_start3A_1000 = tpu.memref_squeeze %dma_start3A_999 : memref<1x64xi32, #tpu.memory_space<vmem>> -> memref<64xi32, #tpu.memory_space<vmem>>
    %dma_start3A_1001 = arith.constant 0 : i32
    %dma_start3A_1002 = arith.constant 0 : i32
    %dma_start3A_1003 = tpu.memref_slice %arg7[%dma_start3A_1001, %dma_start3A_1002] : memref<1000x128xf32, #tpu.memory_space<vmem_shared>> -> memref<1000x128xf32, #tpu.memory_space<vmem_shared>>
    tpu.enqueue_indirect_dma source(%dma_start3A_1003 : memref<1000x128xf32, #tpu.memory_space<vmem_shared>>) target(%dma_start3A_997 : memref<64x128xf32, #tpu.memory_space<vmem>>) offsets(%dma_start3A_1000 : memref<64xi32, #tpu.memory_space<vmem>>) semaphore(%arg13 : memref<!tpu.dma_semaphore, #tpu.memory_space<semaphore_mem>>) {add = true}
    %dma_start3A_1004 = arith.constant 22 : i32
    %dma_start3A_1005 = arith.constant 1 : i32
    %dma_start3A_1006 = arith.constant 0 : i32
    %dma_start3A_1007 = arith.constant 0 : i32
    %dma_start3A_1008 = tpu.memref_slice %arg11[%dma_start3A_1005, %dma_start3A_1006, %dma_start3A_1007] : memref<3x64x128xf32, #tpu.memory_space<vmem>> -> memref<1x64x128xf32, #tpu.memory_space<vmem>>
    %dma_start3A_1009 = tpu.memref_squeeze %dma_start3A_1008 : memref<1x64x128xf32, #tpu.memory_space<vmem>> -> memref<64x128xf32, #tpu.memory_space<vmem>>
    %dma_start3A_1010 = arith.constant 0 : i32
    %dma_start3A_1011 = tpu.memref_slice %arg6[%dma_start3A_1004, %dma_start3A_1010] : memref<25x64xi32, #tpu.memory_space<vmem>> -> memref<1x64xi32, #tpu.memory_space<vmem>>
    %dma_start3A_1012 = tpu.memref_squeeze %dma_start3A_1011 : memref<1x64xi32, #tpu.memory_space<vmem>> -> memref<64xi32, #tpu.memory_space<vmem>>
    %dma_start3A_1013 = arith.constant 0 : i32
    %dma_start3A_1014 = arith.constant 0 : i32
    %dma_start3A_1015 = tpu.memref_slice %arg7[%dma_start3A_1013, %dma_start3A_1014] : memref<1000x128xf32, #tpu.memory_space<vmem_shared>> -> memref<1000x128xf32, #tpu.memory_space<vmem_shared>>
    tpu.enqueue_indirect_dma source(%dma_start3A_1015 : memref<1000x128xf32, #tpu.memory_space<vmem_shared>>) target(%dma_start3A_1009 : memref<64x128xf32, #tpu.memory_space<vmem>>) offsets(%dma_start3A_1012 : memref<64xi32, #tpu.memory_space<vmem>>) semaphore(%arg13 : memref<!tpu.dma_semaphore, #tpu.memory_space<semaphore_mem>>) {add = true}
    %dma_start3A_1016 = arith.constant 23 : i32
    %dma_start3A_1017 = arith.constant 2 : i32
    %dma_start3A_1018 = arith.constant 0 : i32
    %dma_start3A_1019 = arith.constant 0 : i32
    %dma_start3A_1020 = tpu.memref_slice %arg11[%dma_start3A_1017, %dma_start3A_1018, %dma_start3A_1019] : memref<3x64x128xf32, #tpu.memory_space<vmem>> -> memref<1x64x128xf32, #tpu.memory_space<vmem>>
    %dma_start3A_1021 = tpu.memref_squeeze %dma_start3A_1020 : memref<1x64x128xf32, #tpu.memory_space<vmem>> -> memref<64x128xf32, #tpu.memory_space<vmem>>
    %dma_start3A_1022 = arith.constant 0 : i32
    %dma_start3A_1023 = tpu.memref_slice %arg6[%dma_start3A_1016, %dma_start3A_1022] : memref<25x64xi32, #tpu.memory_space<vmem>> -> memref<1x64xi32, #tpu.memory_space<vmem>>
    %dma_start3A_1024 = tpu.memref_squeeze %dma_start3A_1023 : memref<1x64xi32, #tpu.memory_space<vmem>> -> memref<64xi32, #tpu.memory_space<vmem>>
    %dma_start3A_1025 = arith.constant 0 : i32
    %dma_start3A_1026 = arith.constant 0 : i32
    %dma_start3A_1027 = tpu.memref_slice %arg7[%dma_start3A_1025, %dma_start3A_1026] : memref<1000x128xf32, #tpu.memory_space<vmem_shared>> -> memref<1000x128xf32, #tpu.memory_space<vmem_shared>>
    tpu.enqueue_indirect_dma source(%dma_start3A_1027 : memref<1000x128xf32, #tpu.memory_space<vmem_shared>>) target(%dma_start3A_1021 : memref<64x128xf32, #tpu.memory_space<vmem>>) offsets(%dma_start3A_1024 : memref<64xi32, #tpu.memory_space<vmem>>) semaphore(%arg13 : memref<!tpu.dma_semaphore, #tpu.memory_space<semaphore_mem>>) {add = true}
    %dma_wait3A_1028 = arith.constant 0 : i32
    %dma_wait3A_1029 = arith.constant 0 : i32
    %dma_wait3A_1030 = arith.constant 0 : i32
    %dma_wait3A_1031 = tpu.memref_slice %arg8[%dma_wait3A_1028, %dma_wait3A_1029, %dma_wait3A_1030] : memref<3x64x128xf32, #tpu.memory_space<vmem>> -> memref<1x64x128xf32, #tpu.memory_space<vmem>>
    %dma_wait3A_1032 = arith.constant 0 : i32
    %dma_wait3A_1033 = arith.constant 0 : i32
    %dma_wait3A_1034 = tpu.memref_slice %arg2[%select_n3A, %add3A_853, %dma_wait3A_1032, %dma_wait3A_1033] : memref<16x50x64x128xf32, #tpu.memory_space<hbm>> -> memref<1x1x64x128xf32, #tpu.memory_space<hbm>>
    %dma_wait3A_1035 = tpu.memref_squeeze %dma_wait3A_1034 : memref<1x1x64x128xf32, #tpu.memory_space<hbm>> -> memref<1x64x128xf32, #tpu.memory_space<hbm>>
    %dma_wait3A_1036 = arith.constant 0 : i32
    %dma_wait3A_1037 = arith.constant 0 : i32
    %dma_wait3A_1038 = arith.constant 0 : i32
    %dma_wait3A_1039 = tpu.memref_slice %arg8[%dma_wait3A_1036, %dma_wait3A_1037, %dma_wait3A_1038] : memref<3x64x128xf32, #tpu.memory_space<vmem>> -> memref<1x64x128xf32, #tpu.memory_space<vmem>>
    %dma_wait3A_1040 = arith.constant 0 : i32
    %dma_wait3A_1041 = arith.constant 0 : i32
    %dma_wait3A_1042 = tpu.memref_slice %arg2[%select_n3A, %add3A_853, %dma_wait3A_1040, %dma_wait3A_1041] : memref<16x50x64x128xf32, #tpu.memory_space<hbm>> -> memref<1x1x64x128xf32, #tpu.memory_space<hbm>>
    %dma_wait3A_1043 = tpu.memref_squeeze %dma_wait3A_1042 : memref<1x1x64x128xf32, #tpu.memory_space<hbm>> -> memref<1x64x128xf32, #tpu.memory_space<hbm>>
    tpu.wait_dma2 semaphore(%arg12 : memref<!tpu.dma_semaphore, #tpu.memory_space<semaphore_mem>>) src(%dma_wait3A_1043 : memref<1x64x128xf32, #tpu.memory_space<hbm>>) dst(%dma_wait3A_1039 : memref<1x64x128xf32, #tpu.memory_space<vmem>>)
    %dma_start3A_1044 = arith.constant 24 : i32
    %dma_start3A_1045 = arith.constant 0 : i32
    %dma_start3A_1046 = arith.constant 0 : i32
    %dma_start3A_1047 = arith.constant 0 : i32
    %dma_start3A_1048 = tpu.memref_slice %arg8[%dma_start3A_1045, %dma_start3A_1046, %dma_start3A_1047] : memref<3x64x128xf32, #tpu.memory_space<vmem>> -> memref<1x64x128xf32, #tpu.memory_space<vmem>>
    %dma_start3A_1049 = tpu.memref_squeeze %dma_start3A_1048 : memref<1x64x128xf32, #tpu.memory_space<vmem>> -> memref<64x128xf32, #tpu.memory_space<vmem>>
    %dma_start3A_1050 = arith.constant 0 : i32
    %dma_start3A_1051 = tpu.memref_slice %arg6[%dma_start3A_1044, %dma_start3A_1050] : memref<25x64xi32, #tpu.memory_space<vmem>> -> memref<1x64xi32, #tpu.memory_space<vmem>>
    %dma_start3A_1052 = tpu.memref_squeeze %dma_start3A_1051 : memref<1x64xi32, #tpu.memory_space<vmem>> -> memref<64xi32, #tpu.memory_space<vmem>>
    %dma_start3A_1053 = arith.constant 0 : i32
    %dma_start3A_1054 = arith.constant 0 : i32
    %dma_start3A_1055 = tpu.memref_slice %arg7[%dma_start3A_1053, %dma_start3A_1054] : memref<1000x128xf32, #tpu.memory_space<vmem_shared>> -> memref<1000x128xf32, #tpu.memory_space<vmem_shared>>
    tpu.enqueue_indirect_dma source(%dma_start3A_1055 : memref<1000x128xf32, #tpu.memory_space<vmem_shared>>) target(%dma_start3A_1049 : memref<64x128xf32, #tpu.memory_space<vmem>>) offsets(%dma_start3A_1052 : memref<64xi32, #tpu.memory_space<vmem>>) semaphore(%arg13 : memref<!tpu.dma_semaphore, #tpu.memory_space<semaphore_mem>>) {add = true}
    %dma_wait3A_1056 = arith.constant 18 : i32
    %dma_wait3A_1057 = arith.constant 0 : i32
    %dma_wait3A_1058 = arith.constant 0 : i32
    %dma_wait3A_1059 = arith.constant 0 : i32
    %dma_wait3A_1060 = tpu.memref_slice %arg10[%dma_wait3A_1057, %dma_wait3A_1058, %dma_wait3A_1059] : memref<3x64x128xf32, #tpu.memory_space<vmem>> -> memref<1x64x128xf32, #tpu.memory_space<vmem>>
    %dma_wait3A_1061 = tpu.memref_squeeze %dma_wait3A_1060 : memref<1x64x128xf32, #tpu.memory_space<vmem>> -> memref<64x128xf32, #tpu.memory_space<vmem>>
    %dma_wait3A_1062 = arith.constant 0 : i32
    %dma_wait3A_1063 = tpu.memref_slice %arg6[%dma_wait3A_1056, %dma_wait3A_1062] : memref<25x64xi32, #tpu.memory_space<vmem>> -> memref<1x64xi32, #tpu.memory_space<vmem>>
    %dma_wait3A_1064 = tpu.memref_squeeze %dma_wait3A_1063 : memref<1x64xi32, #tpu.memory_space<vmem>> -> memref<64xi32, #tpu.memory_space<vmem>>
    %dma_wait3A_1065 = arith.constant 0 : i32
    %dma_wait3A_1066 = arith.constant 0 : i32
    %dma_wait3A_1067 = tpu.memref_slice %arg7[%dma_wait3A_1065, %dma_wait3A_1066] : memref<1000x128xf32, #tpu.memory_space<vmem_shared>> -> memref<1000x128xf32, #tpu.memory_space<vmem_shared>>
    tpu.wait_indirect_dma semaphore(%arg13 : memref<!tpu.dma_semaphore, #tpu.memory_space<semaphore_mem>>) src(%dma_wait3A_1067 : memref<1000x128xf32, #tpu.memory_space<vmem_shared>>) dst(%dma_wait3A_1061 : memref<64x128xf32, #tpu.memory_space<vmem>>)
    %dma_wait3A_1068 = arith.constant 19 : i32
    %dma_wait3A_1069 = arith.constant 1 : i32
    %dma_wait3A_1070 = arith.constant 0 : i32
    %dma_wait3A_1071 = arith.constant 0 : i32
    %dma_wait3A_1072 = tpu.memref_slice %arg10[%dma_wait3A_1069, %dma_wait3A_1070, %dma_wait3A_1071] : memref<3x64x128xf32, #tpu.memory_space<vmem>> -> memref<1x64x128xf32, #tpu.memory_space<vmem>>
    %dma_wait3A_1073 = tpu.memref_squeeze %dma_wait3A_1072 : memref<1x64x128xf32, #tpu.memory_space<vmem>> -> memref<64x128xf32, #tpu.memory_space<vmem>>
    %dma_wait3A_1074 = arith.constant 0 : i32
    %dma_wait3A_1075 = tpu.memref_slice %arg6[%dma_wait3A_1068, %dma_wait3A_1074] : memref<25x64xi32, #tpu.memory_space<vmem>> -> memref<1x64xi32, #tpu.memory_space<vmem>>
    %dma_wait3A_1076 = tpu.memref_squeeze %dma_wait3A_1075 : memref<1x64xi32, #tpu.memory_space<vmem>> -> memref<64xi32, #tpu.memory_space<vmem>>
    %dma_wait3A_1077 = arith.constant 0 : i32
    %dma_wait3A_1078 = arith.constant 0 : i32
    %dma_wait3A_1079 = tpu.memref_slice %arg7[%dma_wait3A_1077, %dma_wait3A_1078] : memref<1000x128xf32, #tpu.memory_space<vmem_shared>> -> memref<1000x128xf32, #tpu.memory_space<vmem_shared>>
    tpu.wait_indirect_dma semaphore(%arg13 : memref<!tpu.dma_semaphore, #tpu.memory_space<semaphore_mem>>) src(%dma_wait3A_1079 : memref<1000x128xf32, #tpu.memory_space<vmem_shared>>) dst(%dma_wait3A_1073 : memref<64x128xf32, #tpu.memory_space<vmem>>)
    %dma_wait3A_1080 = arith.constant 20 : i32
    %dma_wait3A_1081 = arith.constant 2 : i32
    %dma_wait3A_1082 = arith.constant 0 : i32
    %dma_wait3A_1083 = arith.constant 0 : i32
    %dma_wait3A_1084 = tpu.memref_slice %arg10[%dma_wait3A_1081, %dma_wait3A_1082, %dma_wait3A_1083] : memref<3x64x128xf32, #tpu.memory_space<vmem>> -> memref<1x64x128xf32, #tpu.memory_space<vmem>>
    %dma_wait3A_1085 = tpu.memref_squeeze %dma_wait3A_1084 : memref<1x64x128xf32, #tpu.memory_space<vmem>> -> memref<64x128xf32, #tpu.memory_space<vmem>>
    %dma_wait3A_1086 = arith.constant 0 : i32
    %dma_wait3A_1087 = tpu.memref_slice %arg6[%dma_wait3A_1080, %dma_wait3A_1086] : memref<25x64xi32, #tpu.memory_space<vmem>> -> memref<1x64xi32, #tpu.memory_space<vmem>>
    %dma_wait3A_1088 = tpu.memref_squeeze %dma_wait3A_1087 : memref<1x64xi32, #tpu.memory_space<vmem>> -> memref<64xi32, #tpu.memory_space<vmem>>
    %dma_wait3A_1089 = arith.constant 0 : i32
    %dma_wait3A_1090 = arith.constant 0 : i32
    %dma_wait3A_1091 = tpu.memref_slice %arg7[%dma_wait3A_1089, %dma_wait3A_1090] : memref<1000x128xf32, #tpu.memory_space<vmem_shared>> -> memref<1000x128xf32, #tpu.memory_space<vmem_shared>>
    tpu.wait_indirect_dma semaphore(%arg13 : memref<!tpu.dma_semaphore, #tpu.memory_space<semaphore_mem>>) src(%dma_wait3A_1091 : memref<1000x128xf32, #tpu.memory_space<vmem_shared>>) dst(%dma_wait3A_1085 : memref<64x128xf32, #tpu.memory_space<vmem>>)
    %add3A_1092 = arith.constant 18 : i32
    %add3A_1093 = arith.addi %mul3A_32, %add3A_1092 : i32
    %dma_start3A_1094 = arith.constant 0 : i32
    %dma_start3A_1095 = arith.constant 0 : i32
    %dma_start3A_1096 = arith.constant 0 : i32
    %dma_start3A_1097 = tpu.memref_slice %arg10[%dma_start3A_1094, %dma_start3A_1095, %dma_start3A_1096] : memref<3x64x128xf32, #tpu.memory_space<vmem>> -> memref<3x64x128xf32, #tpu.memory_space<vmem>>
    %dma_start3A_1098 = arith.constant 0 : i32
    %dma_start3A_1099 = arith.constant 0 : i32
    %dma_start3A_1100 = tpu.memref_slice %arg5[%select_n3A, %add3A_1093, %dma_start3A_1098, %dma_start3A_1099] : memref<16x50x64x128xf32, #tpu.memory_space<hbm>> -> memref<1x3x64x128xf32, #tpu.memory_space<hbm>>
    %dma_start3A_1101 = tpu.memref_squeeze %dma_start3A_1100 : memref<1x3x64x128xf32, #tpu.memory_space<hbm>> -> memref<3x64x128xf32, #tpu.memory_space<hbm>>
    %dma_start3A_1102 = arith.constant 0 : i32
    %dma_start3A_1103 = arith.constant 0 : i32
    %dma_start3A_1104 = tpu.memref_slice %arg5[%select_n3A, %add3A_1093, %dma_start3A_1102, %dma_start3A_1103] : memref<16x50x64x128xf32, #tpu.memory_space<hbm>> -> memref<1x3x64x128xf32, #tpu.memory_space<hbm>>
    %dma_start3A_1105 = tpu.memref_squeeze %dma_start3A_1104 : memref<1x3x64x128xf32, #tpu.memory_space<hbm>> -> memref<3x64x128xf32, #tpu.memory_space<hbm>>
    %dma_start3A_1106 = arith.constant 0 : i32
    %dma_start3A_1107 = arith.constant 0 : i32
    %dma_start3A_1108 = arith.constant 0 : i32
    %dma_start3A_1109 = tpu.memref_slice %arg10[%dma_start3A_1106, %dma_start3A_1107, %dma_start3A_1108] : memref<3x64x128xf32, #tpu.memory_space<vmem>> -> memref<3x64x128xf32, #tpu.memory_space<vmem>>
    tpu.enqueue_dma source(%dma_start3A_1109 : memref<3x64x128xf32, #tpu.memory_space<vmem>>) target(%dma_start3A_1105 : memref<3x64x128xf32, #tpu.memory_space<hbm>>) target_semaphore(%arg14 : memref<!tpu.dma_semaphore, #tpu.memory_space<semaphore_mem>>)
    %dma_wait3A_1110 = arith.constant 21 : i32
    %dma_wait3A_1111 = arith.constant 0 : i32
    %dma_wait3A_1112 = arith.constant 0 : i32
    %dma_wait3A_1113 = arith.constant 0 : i32
    %dma_wait3A_1114 = tpu.memref_slice %arg11[%dma_wait3A_1111, %dma_wait3A_1112, %dma_wait3A_1113] : memref<3x64x128xf32, #tpu.memory_space<vmem>> -> memref<1x64x128xf32, #tpu.memory_space<vmem>>
    %dma_wait3A_1115 = tpu.memref_squeeze %dma_wait3A_1114 : memref<1x64x128xf32, #tpu.memory_space<vmem>> -> memref<64x128xf32, #tpu.memory_space<vmem>>
    %dma_wait3A_1116 = arith.constant 0 : i32
    %dma_wait3A_1117 = tpu.memref_slice %arg6[%dma_wait3A_1110, %dma_wait3A_1116] : memref<25x64xi32, #tpu.memory_space<vmem>> -> memref<1x64xi32, #tpu.memory_space<vmem>>
    %dma_wait3A_1118 = tpu.memref_squeeze %dma_wait3A_1117 : memref<1x64xi32, #tpu.memory_space<vmem>> -> memref<64xi32, #tpu.memory_space<vmem>>
    %dma_wait3A_1119 = arith.constant 0 : i32
    %dma_wait3A_1120 = arith.constant 0 : i32
    %dma_wait3A_1121 = tpu.memref_slice %arg7[%dma_wait3A_1119, %dma_wait3A_1120] : memref<1000x128xf32, #tpu.memory_space<vmem_shared>> -> memref<1000x128xf32, #tpu.memory_space<vmem_shared>>
    tpu.wait_indirect_dma semaphore(%arg13 : memref<!tpu.dma_semaphore, #tpu.memory_space<semaphore_mem>>) src(%dma_wait3A_1121 : memref<1000x128xf32, #tpu.memory_space<vmem_shared>>) dst(%dma_wait3A_1115 : memref<64x128xf32, #tpu.memory_space<vmem>>)
    %dma_wait3A_1122 = arith.constant 22 : i32
    %dma_wait3A_1123 = arith.constant 1 : i32
    %dma_wait3A_1124 = arith.constant 0 : i32
    %dma_wait3A_1125 = arith.constant 0 : i32
    %dma_wait3A_1126 = tpu.memref_slice %arg11[%dma_wait3A_1123, %dma_wait3A_1124, %dma_wait3A_1125] : memref<3x64x128xf32, #tpu.memory_space<vmem>> -> memref<1x64x128xf32, #tpu.memory_space<vmem>>
    %dma_wait3A_1127 = tpu.memref_squeeze %dma_wait3A_1126 : memref<1x64x128xf32, #tpu.memory_space<vmem>> -> memref<64x128xf32, #tpu.memory_space<vmem>>
    %dma_wait3A_1128 = arith.constant 0 : i32
    %dma_wait3A_1129 = tpu.memref_slice %arg6[%dma_wait3A_1122, %dma_wait3A_1128] : memref<25x64xi32, #tpu.memory_space<vmem>> -> memref<1x64xi32, #tpu.memory_space<vmem>>
    %dma_wait3A_1130 = tpu.memref_squeeze %dma_wait3A_1129 : memref<1x64xi32, #tpu.memory_space<vmem>> -> memref<64xi32, #tpu.memory_space<vmem>>
    %dma_wait3A_1131 = arith.constant 0 : i32
    %dma_wait3A_1132 = arith.constant 0 : i32
    %dma_wait3A_1133 = tpu.memref_slice %arg7[%dma_wait3A_1131, %dma_wait3A_1132] : memref<1000x128xf32, #tpu.memory_space<vmem_shared>> -> memref<1000x128xf32, #tpu.memory_space<vmem_shared>>
    tpu.wait_indirect_dma semaphore(%arg13 : memref<!tpu.dma_semaphore, #tpu.memory_space<semaphore_mem>>) src(%dma_wait3A_1133 : memref<1000x128xf32, #tpu.memory_space<vmem_shared>>) dst(%dma_wait3A_1127 : memref<64x128xf32, #tpu.memory_space<vmem>>)
    %dma_wait3A_1134 = arith.constant 23 : i32
    %dma_wait3A_1135 = arith.constant 2 : i32
    %dma_wait3A_1136 = arith.constant 0 : i32
    %dma_wait3A_1137 = arith.constant 0 : i32
    %dma_wait3A_1138 = tpu.memref_slice %arg11[%dma_wait3A_1135, %dma_wait3A_1136, %dma_wait3A_1137] : memref<3x64x128xf32, #tpu.memory_space<vmem>> -> memref<1x64x128xf32, #tpu.memory_space<vmem>>
    %dma_wait3A_1139 = tpu.memref_squeeze %dma_wait3A_1138 : memref<1x64x128xf32, #tpu.memory_space<vmem>> -> memref<64x128xf32, #tpu.memory_space<vmem>>
    %dma_wait3A_1140 = arith.constant 0 : i32
    %dma_wait3A_1141 = tpu.memref_slice %arg6[%dma_wait3A_1134, %dma_wait3A_1140] : memref<25x64xi32, #tpu.memory_space<vmem>> -> memref<1x64xi32, #tpu.memory_space<vmem>>
    %dma_wait3A_1142 = tpu.memref_squeeze %dma_wait3A_1141 : memref<1x64xi32, #tpu.memory_space<vmem>> -> memref<64xi32, #tpu.memory_space<vmem>>
    %dma_wait3A_1143 = arith.constant 0 : i32
    %dma_wait3A_1144 = arith.constant 0 : i32
    %dma_wait3A_1145 = tpu.memref_slice %arg7[%dma_wait3A_1143, %dma_wait3A_1144] : memref<1000x128xf32, #tpu.memory_space<vmem_shared>> -> memref<1000x128xf32, #tpu.memory_space<vmem_shared>>
    tpu.wait_indirect_dma semaphore(%arg13 : memref<!tpu.dma_semaphore, #tpu.memory_space<semaphore_mem>>) src(%dma_wait3A_1145 : memref<1000x128xf32, #tpu.memory_space<vmem_shared>>) dst(%dma_wait3A_1139 : memref<64x128xf32, #tpu.memory_space<vmem>>)
    %add3A_1146 = arith.constant 21 : i32
    %add3A_1147 = arith.addi %mul3A_32, %add3A_1146 : i32
    %dma_start3A_1148 = arith.constant 0 : i32
    %dma_start3A_1149 = arith.constant 0 : i32
    %dma_start3A_1150 = arith.constant 0 : i32
    %dma_start3A_1151 = tpu.memref_slice %arg11[%dma_start3A_1148, %dma_start3A_1149, %dma_start3A_1150] : memref<3x64x128xf32, #tpu.memory_space<vmem>> -> memref<3x64x128xf32, #tpu.memory_space<vmem>>
    %dma_start3A_1152 = arith.constant 0 : i32
    %dma_start3A_1153 = arith.constant 0 : i32
    %dma_start3A_1154 = tpu.memref_slice %arg5[%select_n3A, %add3A_1147, %dma_start3A_1152, %dma_start3A_1153] : memref<16x50x64x128xf32, #tpu.memory_space<hbm>> -> memref<1x3x64x128xf32, #tpu.memory_space<hbm>>
    %dma_start3A_1155 = tpu.memref_squeeze %dma_start3A_1154 : memref<1x3x64x128xf32, #tpu.memory_space<hbm>> -> memref<3x64x128xf32, #tpu.memory_space<hbm>>
    %dma_start3A_1156 = arith.constant 0 : i32
    %dma_start3A_1157 = arith.constant 0 : i32
    %dma_start3A_1158 = tpu.memref_slice %arg5[%select_n3A, %add3A_1147, %dma_start3A_1156, %dma_start3A_1157] : memref<16x50x64x128xf32, #tpu.memory_space<hbm>> -> memref<1x3x64x128xf32, #tpu.memory_space<hbm>>
    %dma_start3A_1159 = tpu.memref_squeeze %dma_start3A_1158 : memref<1x3x64x128xf32, #tpu.memory_space<hbm>> -> memref<3x64x128xf32, #tpu.memory_space<hbm>>
    %dma_start3A_1160 = arith.constant 0 : i32
    %dma_start3A_1161 = arith.constant 0 : i32
    %dma_start3A_1162 = arith.constant 0 : i32
    %dma_start3A_1163 = tpu.memref_slice %arg11[%dma_start3A_1160, %dma_start3A_1161, %dma_start3A_1162] : memref<3x64x128xf32, #tpu.memory_space<vmem>> -> memref<3x64x128xf32, #tpu.memory_space<vmem>>
    tpu.enqueue_dma source(%dma_start3A_1163 : memref<3x64x128xf32, #tpu.memory_space<vmem>>) target(%dma_start3A_1159 : memref<3x64x128xf32, #tpu.memory_space<hbm>>) target_semaphore(%arg14 : memref<!tpu.dma_semaphore, #tpu.memory_space<semaphore_mem>>)
    %dma_wait3A_1164 = arith.constant 24 : i32
    %dma_wait3A_1165 = arith.constant 0 : i32
    %dma_wait3A_1166 = arith.constant 0 : i32
    %dma_wait3A_1167 = arith.constant 0 : i32
    %dma_wait3A_1168 = tpu.memref_slice %arg8[%dma_wait3A_1165, %dma_wait3A_1166, %dma_wait3A_1167] : memref<3x64x128xf32, #tpu.memory_space<vmem>> -> memref<1x64x128xf32, #tpu.memory_space<vmem>>
    %dma_wait3A_1169 = tpu.memref_squeeze %dma_wait3A_1168 : memref<1x64x128xf32, #tpu.memory_space<vmem>> -> memref<64x128xf32, #tpu.memory_space<vmem>>
    %dma_wait3A_1170 = arith.constant 0 : i32
    %dma_wait3A_1171 = tpu.memref_slice %arg6[%dma_wait3A_1164, %dma_wait3A_1170] : memref<25x64xi32, #tpu.memory_space<vmem>> -> memref<1x64xi32, #tpu.memory_space<vmem>>
    %dma_wait3A_1172 = tpu.memref_squeeze %dma_wait3A_1171 : memref<1x64xi32, #tpu.memory_space<vmem>> -> memref<64xi32, #tpu.memory_space<vmem>>
    %dma_wait3A_1173 = arith.constant 0 : i32
    %dma_wait3A_1174 = arith.constant 0 : i32
    %dma_wait3A_1175 = tpu.memref_slice %arg7[%dma_wait3A_1173, %dma_wait3A_1174] : memref<1000x128xf32, #tpu.memory_space<vmem_shared>> -> memref<1000x128xf32, #tpu.memory_space<vmem_shared>>
    tpu.wait_indirect_dma semaphore(%arg13 : memref<!tpu.dma_semaphore, #tpu.memory_space<semaphore_mem>>) src(%dma_wait3A_1175 : memref<1000x128xf32, #tpu.memory_space<vmem_shared>>) dst(%dma_wait3A_1169 : memref<64x128xf32, #tpu.memory_space<vmem>>)
    %add3A_1176 = arith.constant 24 : i32
    %add3A_1177 = arith.addi %mul3A_32, %add3A_1176 : i32
    %dma_start3A_1178 = arith.constant 0 : i32
    %dma_start3A_1179 = arith.constant 0 : i32
    %dma_start3A_1180 = arith.constant 0 : i32
    %dma_start3A_1181 = tpu.memref_slice %arg8[%dma_start3A_1178, %dma_start3A_1179, %dma_start3A_1180] : memref<3x64x128xf32, #tpu.memory_space<vmem>> -> memref<1x64x128xf32, #tpu.memory_space<vmem>>
    %dma_start3A_1182 = arith.constant 0 : i32
    %dma_start3A_1183 = arith.constant 0 : i32
    %dma_start3A_1184 = tpu.memref_slice %arg5[%select_n3A, %add3A_1177, %dma_start3A_1182, %dma_start3A_1183] : memref<16x50x64x128xf32, #tpu.memory_space<hbm>> -> memref<1x1x64x128xf32, #tpu.memory_space<hbm>>
    %dma_start3A_1185 = tpu.memref_squeeze %dma_start3A_1184 : memref<1x1x64x128xf32, #tpu.memory_space<hbm>> -> memref<1x64x128xf32, #tpu.memory_space<hbm>>
    %dma_start3A_1186 = arith.constant 0 : i32
    %dma_start3A_1187 = arith.constant 0 : i32
    %dma_start3A_1188 = tpu.memref_slice %arg5[%select_n3A, %add3A_1177, %dma_start3A_1186, %dma_start3A_1187] : memref<16x50x64x128xf32, #tpu.memory_space<hbm>> -> memref<1x1x64x128xf32, #tpu.memory_space<hbm>>
    %dma_start3A_1189 = tpu.memref_squeeze %dma_start3A_1188 : memref<1x1x64x128xf32, #tpu.memory_space<hbm>> -> memref<1x64x128xf32, #tpu.memory_space<hbm>>
    %dma_start3A_1190 = arith.constant 0 : i32
    %dma_start3A_1191 = arith.constant 0 : i32
    %dma_start3A_1192 = arith.constant 0 : i32
    %dma_start3A_1193 = tpu.memref_slice %arg8[%dma_start3A_1190, %dma_start3A_1191, %dma_start3A_1192] : memref<3x64x128xf32, #tpu.memory_space<vmem>> -> memref<1x64x128xf32, #tpu.memory_space<vmem>>
    tpu.enqueue_dma source(%dma_start3A_1193 : memref<1x64x128xf32, #tpu.memory_space<vmem>>) target(%dma_start3A_1189 : memref<1x64x128xf32, #tpu.memory_space<hbm>>) target_semaphore(%arg14 : memref<!tpu.dma_semaphore, #tpu.memory_space<semaphore_mem>>)
    %dma_wait3A_1194 = arith.constant 0 : i32
    %dma_wait3A_1195 = arith.constant 0 : i32
    %dma_wait3A_1196 = arith.constant 0 : i32
    %dma_wait3A_1197 = tpu.memref_slice %arg9[%dma_wait3A_1194, %dma_wait3A_1195, %dma_wait3A_1196] : memref<3x64x128xf32, #tpu.memory_space<vmem>> -> memref<3x64x128xf32, #tpu.memory_space<vmem>>
    %dma_wait3A_1198 = arith.constant 0 : i32
    %dma_wait3A_1199 = arith.constant 0 : i32
    %dma_wait3A_1200 = tpu.memref_slice %arg5[%select_n3A, %add3A_959, %dma_wait3A_1198, %dma_wait3A_1199] : memref<16x50x64x128xf32, #tpu.memory_space<hbm>> -> memref<1x3x64x128xf32, #tpu.memory_space<hbm>>
    %dma_wait3A_1201 = tpu.memref_squeeze %dma_wait3A_1200 : memref<1x3x64x128xf32, #tpu.memory_space<hbm>> -> memref<3x64x128xf32, #tpu.memory_space<hbm>>
    %dma_wait3A_1202 = arith.constant 0 : i32
    %dma_wait3A_1203 = arith.constant 0 : i32
    %dma_wait3A_1204 = tpu.memref_slice %arg5[%select_n3A, %add3A_959, %dma_wait3A_1202, %dma_wait3A_1203] : memref<16x50x64x128xf32, #tpu.memory_space<hbm>> -> memref<1x3x64x128xf32, #tpu.memory_space<hbm>>
    %dma_wait3A_1205 = tpu.memref_squeeze %dma_wait3A_1204 : memref<1x3x64x128xf32, #tpu.memory_space<hbm>> -> memref<3x64x128xf32, #tpu.memory_space<hbm>>
    %dma_wait3A_1206 = arith.constant 0 : i32
    %dma_wait3A_1207 = arith.constant 0 : i32
    %dma_wait3A_1208 = arith.constant 0 : i32
    %dma_wait3A_1209 = tpu.memref_slice %arg9[%dma_wait3A_1206, %dma_wait3A_1207, %dma_wait3A_1208] : memref<3x64x128xf32, #tpu.memory_space<vmem>> -> memref<3x64x128xf32, #tpu.memory_space<vmem>>
    tpu.wait_dma2 semaphore(%arg14 : memref<!tpu.dma_semaphore, #tpu.memory_space<semaphore_mem>>) src(%dma_wait3A_1209 : memref<3x64x128xf32, #tpu.memory_space<vmem>>) dst(%dma_wait3A_1205 : memref<3x64x128xf32, #tpu.memory_space<hbm>>)
    %dma_wait3A_1210 = arith.constant 0 : i32
    %dma_wait3A_1211 = arith.constant 0 : i32
    %dma_wait3A_1212 = arith.constant 0 : i32
    %dma_wait3A_1213 = tpu.memref_slice %arg10[%dma_wait3A_1210, %dma_wait3A_1211, %dma_wait3A_1212] : memref<3x64x128xf32, #tpu.memory_space<vmem>> -> memref<3x64x128xf32, #tpu.memory_space<vmem>>
    %dma_wait3A_1214 = arith.constant 0 : i32
    %dma_wait3A_1215 = arith.constant 0 : i32
    %dma_wait3A_1216 = tpu.memref_slice %arg5[%select_n3A, %add3A_1093, %dma_wait3A_1214, %dma_wait3A_1215] : memref<16x50x64x128xf32, #tpu.memory_space<hbm>> -> memref<1x3x64x128xf32, #tpu.memory_space<hbm>>
    %dma_wait3A_1217 = tpu.memref_squeeze %dma_wait3A_1216 : memref<1x3x64x128xf32, #tpu.memory_space<hbm>> -> memref<3x64x128xf32, #tpu.memory_space<hbm>>
    %dma_wait3A_1218 = arith.constant 0 : i32
    %dma_wait3A_1219 = arith.constant 0 : i32
    %dma_wait3A_1220 = tpu.memref_slice %arg5[%select_n3A, %add3A_1093, %dma_wait3A_1218, %dma_wait3A_1219] : memref<16x50x64x128xf32, #tpu.memory_space<hbm>> -> memref<1x3x64x128xf32, #tpu.memory_space<hbm>>
    %dma_wait3A_1221 = tpu.memref_squeeze %dma_wait3A_1220 : memref<1x3x64x128xf32, #tpu.memory_space<hbm>> -> memref<3x64x128xf32, #tpu.memory_space<hbm>>
    %dma_wait3A_1222 = arith.constant 0 : i32
    %dma_wait3A_1223 = arith.constant 0 : i32
    %dma_wait3A_1224 = arith.constant 0 : i32
    %dma_wait3A_1225 = tpu.memref_slice %arg10[%dma_wait3A_1222, %dma_wait3A_1223, %dma_wait3A_1224] : memref<3x64x128xf32, #tpu.memory_space<vmem>> -> memref<3x64x128xf32, #tpu.memory_space<vmem>>
    tpu.wait_dma2 semaphore(%arg14 : memref<!tpu.dma_semaphore, #tpu.memory_space<semaphore_mem>>) src(%dma_wait3A_1225 : memref<3x64x128xf32, #tpu.memory_space<vmem>>) dst(%dma_wait3A_1221 : memref<3x64x128xf32, #tpu.memory_space<hbm>>)
    %dma_wait3A_1226 = arith.constant 0 : i32
    %dma_wait3A_1227 = arith.constant 0 : i32
    %dma_wait3A_1228 = arith.constant 0 : i32
    %dma_wait3A_1229 = tpu.memref_slice %arg11[%dma_wait3A_1226, %dma_wait3A_1227, %dma_wait3A_1228] : memref<3x64x128xf32, #tpu.memory_space<vmem>> -> memref<3x64x128xf32, #tpu.memory_space<vmem>>
    %dma_wait3A_1230 = arith.constant 0 : i32
    %dma_wait3A_1231 = arith.constant 0 : i32
    %dma_wait3A_1232 = tpu.memref_slice %arg5[%select_n3A, %add3A_1147, %dma_wait3A_1230, %dma_wait3A_1231] : memref<16x50x64x128xf32, #tpu.memory_space<hbm>> -> memref<1x3x64x128xf32, #tpu.memory_space<hbm>>
    %dma_wait3A_1233 = tpu.memref_squeeze %dma_wait3A_1232 : memref<1x3x64x128xf32, #tpu.memory_space<hbm>> -> memref<3x64x128xf32, #tpu.memory_space<hbm>>
    %dma_wait3A_1234 = arith.constant 0 : i32
    %dma_wait3A_1235 = arith.constant 0 : i32
    %dma_wait3A_1236 = tpu.memref_slice %arg5[%select_n3A, %add3A_1147, %dma_wait3A_1234, %dma_wait3A_1235] : memref<16x50x64x128xf32, #tpu.memory_space<hbm>> -> memref<1x3x64x128xf32, #tpu.memory_space<hbm>>
    %dma_wait3A_1237 = tpu.memref_squeeze %dma_wait3A_1236 : memref<1x3x64x128xf32, #tpu.memory_space<hbm>> -> memref<3x64x128xf32, #tpu.memory_space<hbm>>
    %dma_wait3A_1238 = arith.constant 0 : i32
    %dma_wait3A_1239 = arith.constant 0 : i32
    %dma_wait3A_1240 = arith.constant 0 : i32
    %dma_wait3A_1241 = tpu.memref_slice %arg11[%dma_wait3A_1238, %dma_wait3A_1239, %dma_wait3A_1240] : memref<3x64x128xf32, #tpu.memory_space<vmem>> -> memref<3x64x128xf32, #tpu.memory_space<vmem>>
    tpu.wait_dma2 semaphore(%arg14 : memref<!tpu.dma_semaphore, #tpu.memory_space<semaphore_mem>>) src(%dma_wait3A_1241 : memref<3x64x128xf32, #tpu.memory_space<vmem>>) dst(%dma_wait3A_1237 : memref<3x64x128xf32, #tpu.memory_space<hbm>>)
    %dma_wait3A_1242 = arith.constant 0 : i32
    %dma_wait3A_1243 = arith.constant 0 : i32
    %dma_wait3A_1244 = arith.constant 0 : i32
    %dma_wait3A_1245 = tpu.memref_slice %arg8[%dma_wait3A_1242, %dma_wait3A_1243, %dma_wait3A_1244] : memref<3x64x128xf32, #tpu.memory_space<vmem>> -> memref<1x64x128xf32, #tpu.memory_space<vmem>>
    %dma_wait3A_1246 = arith.constant 0 : i32
    %dma_wait3A_1247 = arith.constant 0 : i32
    %dma_wait3A_1248 = tpu.memref_slice %arg5[%select_n3A, %add3A_1177, %dma_wait3A_1246, %dma_wait3A_1247] : memref<16x50x64x128xf32, #tpu.memory_space<hbm>> -> memref<1x1x64x128xf32, #tpu.memory_space<hbm>>
    %dma_wait3A_1249 = tpu.memref_squeeze %dma_wait3A_1248 : memref<1x1x64x128xf32, #tpu.memory_space<hbm>> -> memref<1x64x128xf32, #tpu.memory_space<hbm>>
    %dma_wait3A_1250 = arith.constant 0 : i32
    %dma_wait3A_1251 = arith.constant 0 : i32
    %dma_wait3A_1252 = tpu.memref_slice %arg5[%select_n3A, %add3A_1177, %dma_wait3A_1250, %dma_wait3A_1251] : memref<16x50x64x128xf32, #tpu.memory_space<hbm>> -> memref<1x1x64x128xf32, #tpu.memory_space<hbm>>
    %dma_wait3A_1253 = tpu.memref_squeeze %dma_wait3A_1252 : memref<1x1x64x128xf32, #tpu.memory_space<hbm>> -> memref<1x64x128xf32, #tpu.memory_space<hbm>>
    %dma_wait3A_1254 = arith.constant 0 : i32
    %dma_wait3A_1255 = arith.constant 0 : i32
    %dma_wait3A_1256 = arith.constant 0 : i32
    %dma_wait3A_1257 = tpu.memref_slice %arg8[%dma_wait3A_1254, %dma_wait3A_1255, %dma_wait3A_1256] : memref<3x64x128xf32, #tpu.memory_space<vmem>> -> memref<1x64x128xf32, #tpu.memory_space<vmem>>
    tpu.wait_dma2 semaphore(%arg14 : memref<!tpu.dma_semaphore, #tpu.memory_space<semaphore_mem>>) src(%dma_wait3A_1257 : memref<1x64x128xf32, #tpu.memory_space<vmem>>) dst(%dma_wait3A_1253 : memref<1x64x128xf32, #tpu.memory_space<hbm>>)
    return
  }
}

</mosaic_0001>

<sc_bundles>
// kernel: kernel.3.cloned.1.call-start
scs
__scs_entry_jumppad:
0x0: {  	(pc) =	sbr.rel $0x88, $3  }
0x1: {  	(tag) =	ssettag $0x0;
	lr =	simm.s32 $0x1  }
0x2: {  	[smem:$0x3F9E] =	sst lr;
	_ =	strace $0xD0000000  }
0x3: {  	_ = 	snop  }
0x4: {  	_ = 	snop  }
0x5: {  	_ = 	snop  }
0x6: {  	_ = 	snop  }
0x7: {  	_ = 	snop  }
__scs_overlays_trampoline_lowered:
0x8: {  	[smem:$0x3FAD] =	sst s0  }
0x9: {  	[smem:$0x3FAE] =	sst s1  }
0xa: {  	[smem:$0x3FAF] =	sst s2  }
0xb: {  	[smem:$0x3FB0] =	sst s3  }
0xc: {  	[smem:$0x3FB1] =	sst s4  }
0xd: {  	[smem:$0x3FB2] =	sst s5  }
0xe: {  	[smem:$0x3FB3] =	sst s6  }
0xf: {  	[smem:$0x3FB4] =	sst s7  }
0x10: {  	[smem:$0x3FB5] =	sst s8  }
0x11: {  	[smem:$0x3FB6] =	sst s9;
	s0 =	simm.s32 @!p0 $0x0  }
0x12: {  	s1 =	sld [smem:$0x3F9C];
	s0 =	simm.s32 @p0 $0x1  }
0x13: {  	[smem:$0x3FB7] =	sst s0;
	s0 =	simm.s32 @!p1 $0x0  }
0x14: {  	s2 =	sld [smem:$0x3F9B];
	s0 =	simm.s32 @p1 $0x1  }
0x15: {  	[smem:$0x3FB8] =	sst s0;
	s0 =	simm.s32 @!p2 $0x0  }
0x16: {  	s3 =	sld [smem:$0x3FDB];
	s0 =	simm.s32 @p2 $0x1  }
0x17: {  	s4 =	simm.s32 $0x1BF5;
	[smem:$0x3FBA] =	sst s0  }
0x18: {  	s0 =	sld [smem:$0x3F9D];
	_ =	swait.ge [sflag:s4], $0x0  }
0x19: {  	s7 =	sld [smem:$0x3F9E]  }
0x1a: {  	s8 =	sadd.s32 $0xFFFFE003, lr  }
0x1b: {  	s9 =	sadd.s32 $0xFFFFFEF7, lr;
	s5 =	simm.s32 $0xFFFFFFFF;
	p2 =	slt.u32 s8, $0xFFFFF086  }
0x1c: {  	p1 =	slt.u32 s9, $0xF7A;
	s5 =	simm.s32 @!p2 $0x0  }
0x1d: {  	s5 =	simm.s32 @p1 $0x1;
	p0 =	seq.s32 s7, s2  }
0x1e: {  	s7 =	smul.u32 @!p0 $0xF7A, s2;
	p2 =	seq.s32 @!p0 s5, $0x0  }
0x1f: {  	s9 =	smul.u32 $0xF7A, s1;
	s8 =	simm.s32 @!p0 $0x1BF5;
	p2 =	por !p2, p0  }
0x20: {  	[sflag:s8] =	ssyncset.s32 @!p0 $0xFFFFF086;
	s6 =	sadd.s32 @!p0 s3, s7;
	s7 =	simm.s32 @!p0 $0x108  }
0x21: {  	s3 =	sadd.s32 s3, s9;
	s6 =	sadd.s32 @!p0 $0x88, s6;
	s7 =	simm.s32 @p2 $0x1082  }
0x22: {  	[simem:s7], [sflag:s8] =	dma.local @!p0 [hbm:s6], $0xF7A  }
0x23: {  	s9 =	sor.u32 $0xD0000000, s2;
	s6 =	simm.s32 $0x108;
	_ =	swait.ge @!p0 [sflag:s8], $0x0  }
0x24: {  	s3 =	sadd.s32 $0x88, s3;
	s6 =	simm.s32 @!p1 $0x1082;
	[sflag:s4] =	ssyncset.s32 $0xFFFFF086  }
0x25: {  	[simem:s6], [sflag:s4] =	dma.local [hbm:s3], $0xF7A  }
0x26: {  	[smem:$0x3F9E] =	sst s1;
	(tag) =	ssettag s2;
	_ =	strace s9  }
0x27: {  	s1 =	sld [smem:$0x3FAE]  }
0x28: {  	s2 =	sld [smem:$0x3FAF]  }
0x29: {  	s4 =	sld [smem:$0x3FB1]  }
0x2a: {  	p0 =	seq.s32 s5, $0x0;
	s5 =	sld [smem:$0x3FB2]  }
0x2b: {  	s6 =	sld [smem:$0x3FB3]  }
0x2c: {  	s7 =	sld [smem:$0x3FB4]  }
0x2d: {  	s3 =	simm.s32 $0x108;
	s8 =	sld [smem:$0x3FB5]  }
0x2e: {  	s3 =	simm.s32 @!p0 $0x1082;
	s9 =	sld [smem:$0x3FB6]  }
0x2f: {  	lr =	sadd.s32 s0, s3;
	s0 =	sld [smem:$0x3FAD]  }
0x30: {  	s3 =	sld [smem:$0x3FB0]  }
0x31: {  	[smem:$0x3FB9] =	sst s10  }
0x32: {  	s10 =	sld [smem:$0x3FB7];
	_ =	sdelay $0x3  }
0x33: {  	p0 =	seq.s32 s10, $0x1;
	s10 =	sld [smem:$0x3FB9];
	_ =	sdelay $0x3  }
0x34: {  	[smem:$0x3FB9] =	sst s10  }
0x35: {  	s10 =	sld [smem:$0x3FB8];
	_ =	sdelay $0x3  }
0x36: {  	p1 =	seq.s32 s10, $0x1;
	s10 =	sld [smem:$0x3FB9];
	_ =	sdelay $0x3  }
0x37: {  	[smem:$0x3FB9] =	sst s10  }
0x38: {  	s10 =	sld [smem:$0x3FBA]  }
0x39: {  	_ = 	snop;
	(pc) =	sbr.ind lr, $3  }
0x3a: {  	_ = 	snop  }
0x3b: {  	_ = 	snop  }
0x3c: {  	p2 =	seq.s32 s10, $0x1;
	s10 =	sld [smem:$0x3FB9]  }
0x3d: {  	_ =	shalt  }
0x3e: {  	_ =	shalt  }
0x3f: {  	_ =	shalt  }
0x40: {  	_ =	shalt  }
0x41: {  	_ =	shalt  }
0x42: {  	_ =	shalt  }
0x43: {  	_ =	shalt  }
0x44: {  	_ =	shalt  }
0x45: {  	_ =	shalt  }
0x46: {  	_ =	shalt  }
0x47: {  	_ =	shalt  }
0x48: {  	_ =	shalt  }
0x49: {  	_ =	shalt  }
0x4a: {  	_ =	shalt  }
0x4b: {  	_ =	shalt  }
0x4c: {  	_ =	shalt  }
0x4d: {  	_ =	shalt  }
0x4e: {  	_ =	shalt  }
0x4f: {  	_ =	shalt  }
0x50: {  	_ =	shalt  }
0x51: {  	_ =	shalt  }
0x52: {  	_ =	shalt  }
0x53: {  	_ =	shalt  }
0x54: {  	_ =	shalt  }
0x55: {  	_ =	shalt  }
0x56: {  	_ =	shalt  }
0x57: {  	_ =	shalt  }
0x58: {  	_ =	shalt  }
0x59: {  	_ =	shalt  }
0x5a: {  	_ =	shalt  }
0x5b: {  	_ =	shalt  }
0x5c: {  	_ =	shalt  }
0x5d: {  	_ =	shalt  }
0x5e: {  	_ =	shalt  }
0x5f: {  	_ =	shalt  }
0x60: {  	_ =	shalt  }
0x61: {  	_ =	shalt  }
0x62: {  	_ =	shalt  }
0x63: {  	_ =	shalt  }
0x64: {  	_ =	shalt  }
0x65: {  	_ =	shalt  }
0x66: {  	_ =	shalt  }
0x67: {  	_ =	shalt  }
0x68: {  	_ =	shalt  }
0x69: {  	_ =	shalt  }
0x6a: {  	_ =	shalt  }
0x6b: {  	_ =	shalt  }
0x6c: {  	_ =	shalt  }
0x6d: {  	_ =	shalt  }
0x6e: {  	_ =	shalt  }
0x6f: {  	_ =	shalt  }
0x70: {  	_ =	shalt  }
0x71: {  	_ =	shalt  }
0x72: {  	_ =	shalt  }
0x73: {  	_ =	shalt  }
0x74: {  	_ =	shalt  }
0x75: {  	_ =	shalt  }
0x76: {  	_ =	shalt  }
0x77: {  	_ =	shalt  }
0x78: {  	_ =	shalt  }
0x79: {  	_ =	shalt  }
0x7a: {  	_ =	shalt  }
0x7b: {  	_ =	shalt  }
0x7c: {  	_ =	shalt  }
0x7d: {  	_ =	shalt  }
0x7e: {  	_ =	shalt  }
0x7f: {  	_ =	shalt  }
0x80: {  	_ =	shalt  }
0x81: {  	_ =	shalt  }
0x82: {  	_ =	shalt  }
0x83: {  	_ =	shalt  }
0x84: {  	_ =	shalt  }
0x85: {  	_ =	shalt  }
0x86: {  	_ =	shalt  }
0x87: {  	_ =	shalt  }
.Lfunc_end0:
.L_simem_size_0:
called_computation_lowered:
.L_overlay_start_0:
0x88: {  	s2 =	sld [smem:$0x3FD9]  }
0x89: {  	s3 =	sld [smem:$0x3FFE];
	_ =	sdelay $0x1  }
0x8a: {  	s1 =	srdreg.scid  }
0x8b: {  	s0 =	sand.u32 $0x1, s1  }
0x8c: {  	s18 =	sshll.u32 s0, $0xA;
	s2 =	sadd.s32 s3, s2  }
0x8d: {  	s2 =	sadd.s32 s2, s18  }
0x8e: {  	[smem:$0x3FC5] =	sst s2  }
0x8f: {  	_ = 	snop  }
0x90: {  	s2 =	sld [smem:$0x3FC9]  }
0x91: {  	s19 =	sld [smem:$0x3FC8]  }
0x92: {  	s4 =	sld [smem:$0x3FC7]  }
0x93: {  	s5 =	sld [smem:$0x3FD0];
	(tm) =	ssettm $0x1  }
0x94: {  	s6 =	sld [smem:$0x3FFB];
	_ =	sdelay $0x3  }
0x95: {  	_ =	strace s6  }
0x96: {  	s6 =	sld [smem:$0x3FFC];
	_ =	sdelay $0x3  }
0x97: {  	_ =	strace s6  }
0x98: {  	s6 =	sld [smem:$0x3FFD];
	_ =	sdelay $0x3  }
0x99: {  	_ =	strace s6  }
0x9a: {  	_ =	strace $0x8FFFFFFF  }
0x9b: {  	s20 =	sld [smem:$0x3FDB];
	_ =	sdelay $0x1  }
0x9c: {  	s7 =	simm.s32 $_scs_section_size  }
0x9d: {  	s8 =	simm.s32 $_size__tile_overlayer_lowered;
	s9 =	simm.s32 $_tile_overlayer_lowered  }
0x9e: {  	s23 =	simm.s32 $0x1BFF;
	s22 =	sshll.u32 s9, $0x1;
	s6 =	sadd.s32 s7, s20  }
0x9f: {  	s10 =	simm.s32 $0x0;
	s21 =	sshll.u32 s8, $0x1;
	s8 =	sadd.s32 s22, s6  }
0xa0: {  	[timem:s10], [sflag:s23] =	dma.local [hbm:s8], s21  }
0xa1: {  	_ =	swait.ge [sflag:s23], s21  }
0xa2: {  	s7 =	ssub.s32 $0x0, s21;
	[sflag:s23] =	ssyncset.done $0x0  }
0xa3: {  	[sflag:s23] =	ssyncadd.s32 s7;
	_ =	sdelay $0x1  }
0xa4: {  	s24 =	simm.s32 $0x1B8B  }
0xa5: {  	_ =	swait.ge [sflag:s24], $0x1  }
0xa6: {  	[sflag:s24] =	ssyncset.done $0x0  }
0xa7: {  	s25 =	simm.s32 $0x1B8E;
	[sflag:s24] =	ssyncadd.s32 $0xFFFFFFFF  }
0xa8: {  	s26 =	simm.s32 $execute0_lowered;
	[smem:$0x3FD2] =	sst s25  }
0xa9: {  	s7 =	sshll.u32 s26, $0x1;
	_ =	strace $0x80000046;
	[dreg:$0x1] =	wrdreg $0xFFFFFFFF  }
0xaa: {  	s28 =	simm.s32 $_size_execute0_lowered;
	s6 =	sadd.s32 s6, s7;
	[dreg:$0x0] =	wrdreg $0x0  }
0xab: {  	s7 =	sshll.u32 s28, $0x1;
	[dreg:$0x2] =	wrdreg s6  }
0xac: {  	[dreg:$0x3] =	wrdreg s7  }
0xad: {  	[dreg:$0x4] =	wrdreg $0xC0  }
0xae: {  	_ =	task [dreg:s10], $0x5FFFF  }
0xaf: {  	[dreg:$0x1] =	wrdreg $0xFFFFFFFF  }
0xb0: {  	[dreg:$0x0] =	wrdreg $0x60  }
0xb1: {  	[dreg:$0x2] =	wrdreg s2  }
0xb2: {  	[dreg:$0x3] =	wrdreg s19  }
0xb3: {  	[dreg:$0x4] =	wrdreg s4  }
0xb4: {  	[dreg:$0x5] =	wrdreg s5  }
0xb5: {  	[dreg:$0x6] =	wrdreg $0x10000  }
0xb6: {  	[dreg:$0x7] =	wrdreg $0x9  }
0xb7: {  	_ =	task.clear_ibuf [dreg:s10], $0x8FFFF;
	_ =	strace $0x90000046  }
0xb8: {  	s29 =	simm.s32 $0x9;
	_ =	strace $0x80000048  }
0xb9: {  	_ =	swait.ge [sflag:s29], $0x1  }
0xba: {  	[sflag:s29] =	ssyncadd.s32 $0xFFFFFFFF  }
0xbb: {  	_ =	strace $0x90000048  }
0xbc: {  	_ =	sfence  }
0xbd: {  	s30 =	sld [smem:$0x0];
	_ =	sdelay $0x2  }
0xbe: {  	s31 =	sshll.u32 s1, $0xD;
	s1 =	sshrl.u32 s1, $0x2  }
0xbf: {  	s3 =	sand.u32 $0x4000, s31;
	s1 =	sadd.s32 s1, s30  }
0xc0: {  	s0 =	sor.u32 s3, s0;
	s1 =	sshll.u32 s1, $0x11  }
0xc1: {  	s0 =	sor.u32 s1, s0  }
0xc2: {  	s0 =	sadd.s32 $0x8F2B, s0  }
0xc3: {  	[sflag:s0] =	ssyncadd.remote.s32 $0x1  }
0xc4: {  	_ =	sfence.sel $0xFFFF  }
0xc5: {  	[dreg:$0x0] =	wrdreg $0xFFFFFFFF;
	(pc) =	sbr.abs _section_cstart, $3  }
0xc6: {  	[dreg:$0x1] =	wrdreg $0xFFFFFFFF  }
0xc7: {  	_ =	task.clear_ibuf [dreg:s10], $0x2FFFF;
	_ =	strace $0x9FFFFFFF  }
0xc8: {  	(tm) =	ssettm $0x7FFFFFFF  }
0xc9: {  	_ =	shalt  }
tec
execute0_lowered:
.L_overlay_start_1:
0x0: {  	(tag) =	ssettag $0x1  }
0x1: {  	s0 =	srdreg.scid  }
0x2: {  	s3 =	stileid.u32;
	s4 =	sand.u32 $0x1, s0  }
0x3: {  	s6 =	rddreg [dreg:$0x0];
	s0 =	sor.u32 s4, s3  }
0x4: {  	s16 =	rddreg [dreg:$0x1];
	p1 =	seq.s32 s4, $0x1;
	p0 =	seq.s32 s0, $0x0  }
0x5: {  	s2 =	rddreg [dreg:$0x2];
	p0 =	por !p0, !p1  }
0x6: {  	s1 =	simm.s32 $0x1;
	s5 =	rddreg [dreg:$0x3];
	p0 =	por !p0, !p0  }
0x7: {  	s15 =	rddreg [dreg:$0x5];
	s30 =	simm.s32 $0xA00;
	s1 =	simm.s32 @!p0 $0x0  }
0x8: {  	[dreg:$0x6] =	wrdreg s2;
	s7 =	smul.u32 $0xC800, s4;
	s1 =	ssub.s32 s3, s1  }
0x9: {  	s2 =	rddreg [dreg:$0x4];
	s17 =	smul.u32 $0x32000, s4;
	s8 =	sshll.u32 s1, $0x7  }
0xa: {  	s4 =	ssub.s32 $0x2, s4;
	s10 =	smul.u32 $0x64000, s1;
	s9 =	sand.u32 $0xFFFFFC00, s8  }
0xb: {  	s1 =	simm.s32 $0x0;
	s8 =	sand.u32 $0x380, s8;
	s7 =	sadd.s32 s7, s9  }
0xc: {  	p1 =	por $0x0, $0x0;
	[smem:$0x7FF] =	sst s1;
	s7 =	sor.u32 s8, s7  }
0xd: {  	_ =	strace $0x80000047;
	s8 =	sadd.s32 s17, s10;
	s7 =	sshrl.u32 s7, $0x3  }
0xe: {  	s18 =	sshrl.u32 s8, $0x3;
	s9 =	sadd.s32 $0x6000, s8;
	s21 =	sadd.s32 $0xC000, s8  }
0xf: {  	s11 =	sadd.s32 $0x12000, s8;
	s12 =	sadd.s32 $0x18000, s8;
	s0 =	sadd.s32 s16, s7  }
0x10: {  	s13 =	sadd.s32 $0x24000, s8;
	s19 =	sadd.s32 s6, s18;
	[dreg:$0x7] =	wrdreg s0  }
0x11: {  	s20 =	sshrl.u32 s9, $0x3;
	s7 =	sadd.s32 s5, s18;
	[dreg:$0x8] =	wrdreg s19  }
0x12: {  	s16 =	sshrl.u32 s13, $0x3;
	s13 =	simm.s32 $0x400;
	[dreg:$0xc] =	wrdreg s7  }
0x13: {  	s9 =	sshrl.u32 s21, $0x3;
	s22 =	sadd.s32 s6, s20;
	[smem:$0x7F3] =	sst s13  }
0x14: {  	s11 =	sshrl.u32 s11, $0x3;
	s23 =	sadd.s32 s6, s9;
	[dreg:$0x9] =	wrdreg s22  }
0x15: {  	s25 =	sshrl.u32 s12, $0x3;
	s24 =	sadd.s32 s6, s11;
	[dreg:$0xa] =	wrdreg s23  }
0x16: {  	s29 =	sadd.s32 $0x1E000, s8;
	s26 =	sadd.s32 s6, s25;
	[dreg:$0xb] =	wrdreg s24  }
0x17: {  	s31 =	sshrl.u32 s29, $0x3;
	s0 =	sadd.s32 s5, s20;
	[dreg:$0xd] =	wrdreg s26  }
0x18: {  	p0 =	sne.s32 s3, $0x0;
	s12 =	sadd.s32 s6, s31;
	[dreg:$0xe] =	wrdreg s0  }
0x19: {  	s3 =	simm.s32 $0x2F40;
	s14 =	sadd.s32 s5, s9;
	[dreg:$0xf] =	wrdreg s12  }
0x1a: {  	s28 =	sshrl.u32 @!p0 s2, $0x3;
	s17 =	sadd.s32 s6, s16;
	[dreg:$0x10] =	wrdreg s14  }
0x1b: {  	s10 =	simm.s32 $0x8F40;
	s19 =	sadd.s32 s5, s11;
	[dreg:$0x11] =	wrdreg s17  }
0x1c: {  	s18 =	sadd.s32 $0x2A000, s8;
	s7 =	simm.s32 $0x200;
	[dreg:$0x12] =	wrdreg s19  }
0x1d: {  	s8 =	sadd.s32 $0x30000, s8;
	s9 =	simm.s32 $0x300;
	[dreg:$0x1c] =	wrdreg s7  }
0x1e: {  	s20 =	sshrl.u32 s18, $0x3;
	s18 =	simm.s32 $0x600;
	[dreg:$0x1e] =	wrdreg s9  }
0x1f: {  	s8 =	sshrl.u32 s8, $0x3;
	s13 =	simm.s32 $0x900;
	[smem:$0x7F7] =	sst s18  }
0x20: {  	s11 =	simm.s32 $0x800;
	s21 =	sadd.s32 s6, s20;
	[smem:$0x7FC] =	sst s13  }
0x21: {  	s22 =	sadd.s32 s5, s25;
	s23 =	sadd.s32 s6, s8;
	[dreg:$0x13] =	wrdreg s21  }
0x22: {  	s24 =	sadd.s32 s5, s31;
	s25 =	sadd.s32 s5, s16;
	[dreg:$0x14] =	wrdreg s22  }
0x23: {  	s26 =	sshrl.u32 s4, $0x1;
	s29 =	sadd.s32 s5, s20;
	[dreg:$0x15] =	wrdreg s23  }
0x24: {  	s31 =	sadd.s32 s5, s8;
	s5 =	simm.s32 $0x100;
	[dreg:$0x16] =	wrdreg s24  }
0x25: {  	s8 =	simm.s32 $0x280;
	s12 =	simm.s32 $0x380;
	[dreg:$0x17] =	wrdreg s25  }
0x26: {  	s9 =	simm.s32 $0x40;
	s14 =	simm.s32 $0x480;
	[dreg:$0x18] =	wrdreg s29  }
0x27: {  	s16 =	simm.s32 $0x500;
	s7 =	simm.s32 $0x14F40;
	[dreg:$0x19] =	wrdreg s31  }
0x28: {  	s17 =	simm.s32 $0x580;
	s19 =	simm.s32 $0x680;
	[dreg:$0x1a] =	wrdreg s5  }
0x29: {  	s20 =	simm.s32 $0x700;
	s18 =	simm.s32 $0x10F40;
	[dreg:$0x1d] =	wrdreg s8  }
0x2a: {  	s13 =	simm.s32 $0x18F40;
	s6 =	ssub.s32 s4, s26;
	[dreg:$0x1f] =	wrdreg s12  }
0x2b: {  	s4 =	simm.s32 $0x1;
	s25 =	simm.s32 $0x80;
	[smem:$0x7F4] =	sst s14  }
0x2c: {  	s26 =	simm.s32 $0x4;
	s23 =	simm.s32 $0x4F40;
	[smem:$0x7F5] =	sst s16  }
0x2d: {  	s24 =	simm.s32 $0x6F40;
	s21 =	simm.s32 $0xAF40;
	[smem:$0x7F6] =	sst s17  }
0x2e: {  	s22 =	simm.s32 $0xCF40;
	s14 =	simm.s32 $0x980;
	s0 =	smax.u32 s6, $0x1  }
0x2f: {  	s8 =	simm.s32 $0x2;
	[smem:$0x7FD] =	sst s14;
	s14 =	sadd.s32 $0xFFFFFFFF, s0  }
0x30: {  	[smem:$0x7F8] =	sst s19;
	s5 =	simm.s32 $0x3;
	p2 =	sne.s32 s14, $0x0  }
.Ltmp0:
0x31: {  	[smem:$0x7F9] =	sst s20;
	s29 =	simm.s32 $0x780;
	(pc) =	sbr.rel @!p2 .LBB2_1-.Ltmp0, $4  }
0x32: {  	s31 =	simm.s32 $0x880;
	s19 =	simm.s32 $0x12F40;
	[smem:$0x7FA] =	sst s29  }
0x33: {  	s12 =	simm.s32 $0x16F40;
	s6 =	simm.s32 $0x180;
	[smem:$0x7FB] =	sst s31  }
0x34: {  	s16 =	simm.s32 $0xB00;
	s20 =	simm.s32 $0xB80;
	[dreg:$0x1b] =	wrdreg s6  }
0x35: {  	s17 =	simm.s32 $0xC00;
	s6 =	simm.s32 $0xEF40;
	s0 =	rddreg [dreg:$0x7]  }
0x36: {  	s31 =	rddreg [dreg:$0x6]  }
0x37: {  	[tilespmem:s1], [sflag:$0x4] =	stream.strided.gather [hbm4b:s0+s25], $0xC80, s11, s25, $0x38;
	[tilespmem:$0x1AF40] =	vst v63  }
0x38: {  	s29 =	rddreg [dreg:$0x8]  }
0x39: {  	[tilespmem:s3], [sflag:$0x1] =	stream.linear.gather [hbm4b:s29+s1], $0x6000, $0x38;
	[tilespmem:$0x1AF40] =	vst v63  }
0x3a: {  	s16 =	rddreg [dreg:$0x9];
	s15 =	simm.s32 @!p0 $0x1C05;
	s30 =	simm.s32 @!p0 $0x5  }
0x3b: {  	[tilespmem:s10], [sflag:$0x1] =	stream.linear.gather [hbm4b:s16+s1], $0x6000, $0x38;
	[tilespmem:$0x1AF40] =	vst v63  }
0x3c: {  	[spmem:s28], [sflag:s15] =	dma.local @!p0 [hbm:s31], $0x3E80  }
0x3d: {  	_ =	swait.ge @!p0 [sflag:s30], $0x3E80  }
0x3e: {  	[sflag:s30] =	ssyncset.done @!p0 $0x0  }
0x3f: {  	[sflag:s30] =	ssyncadd.s32 @!p0 $0xFFFFC180  }
0x40: {  	_ =	swait.ge [sflag:s26], $0xC80  }
0x41: {  	[sflag:s26] =	ssyncset.done $0x0  }
0x42: {  	[sflag:s26] =	ssyncadd.s32 $0xFFFFF380  }
0x43: {  	[bflag:$0x0] =	sbarrier.arrive $0xFFFF  }
0x44: {  	s16 =	rddreg [dreg:$0xa]  }
0x45: {  	[tilespmem:s6], [sflag:$0x1] =	stream.linear.gather [hbm4b:s16+s1], $0x6000, $0x38;
	[tilespmem:$0x1AF40] =	vst v63  }
0x46: {  	_ =	swait.ge [sflag:s4], $0x6000  }
0x47: {  	[sflag:s4] =	ssyncset.done $0x0  }
0x48: {  	[sflag:s4] =	ssyncadd.s32 $0xFFFFA000  }
0x49: {  	[tilespmem:s3], [sflag:$0x2] =	stream.indirect.gather.add.f32 [spmem:s2], $0x80, s1, s9, $0xb8;
	[tilespmem:$0x1AF40] =	vst v63  }
0x4a: {  	_ = 	snop  }
0x4b: {  	[tilespmem:s23], [sflag:$0x2] =	stream.indirect.gather.add.f32 [spmem:s2], $0x80, s25, s9, $0xb8;
	[tilespmem:$0x1AF40] =	vst v63  }
0x4c: {  	s15 =	rddreg [dreg:$0x1a]  }
0x4d: {  	[tilespmem:s24], [sflag:$0x2] =	stream.indirect.gather.add.f32 [spmem:s2], $0x80, s15, s9, $0xb8;
	[tilespmem:$0x1AF40] =	vst v63  }
0x4e: {  	s31 =	rddreg [dreg:$0xb]  }
0x4f: {  	[tilespmem:s7], [sflag:$0x1] =	stream.linear.gather [hbm4b:s31+s1], $0x6000, $0x38;
	[tilespmem:$0x1AF40] =	vst v63  }
0x50: {  	_ =	swait.ge [sflag:s4], $0x6000  }
0x51: {  	[sflag:s4] =	ssyncset.done $0x0  }
0x52: {  	s16 =	rddreg [dreg:$0x1b];
	[sflag:s4] =	ssyncadd.s32 $0xFFFFA000  }
0x53: {  	[tilespmem:s10], [sflag:$0x2] =	stream.indirect.gather.add.f32 [spmem:s2], $0x80, s16, s9, $0xb8;
	[tilespmem:$0x1AF40] =	vst v63  }
0x54: {  	s31 =	rddreg [dreg:$0x1c]  }
0x55: {  	[tilespmem:s21], [sflag:$0x2] =	stream.indirect.gather.add.f32 [spmem:s2], $0x80, s31, s9, $0xb8;
	[tilespmem:$0x1AF40] =	vst v63  }
0x56: {  	s15 =	rddreg [dreg:$0x1d]  }
0x57: {  	[tilespmem:s22], [sflag:$0x2] =	stream.indirect.gather.add.f32 [spmem:s2], $0x80, s15, s9, $0xb8;
	[tilespmem:$0x1AF40] =	vst v63  }
0x58: {  	_ =	swait.ge [sflag:s8], $0x2000  }
0x59: {  	[sflag:s8] =	ssyncset.done $0x0  }
0x5a: {  	[sflag:s8] =	ssyncadd.s32 $0xFFFFE000  }
0x5b: {  	_ =	swait.ge [sflag:s8], $0x2000  }
0x5c: {  	[sflag:s8] =	ssyncset.done $0x0  }
0x5d: {  	[sflag:s8] =	ssyncadd.s32 $0xFFFFE000  }
0x5e: {  	_ =	swait.ge [sflag:s8], $0x2000  }
0x5f: {  	[sflag:s8] =	ssyncset.done $0x0  }
0x60: {  	s16 =	rddreg [dreg:$0xc];
	[sflag:s8] =	ssyncadd.s32 $0xFFFFE000  }
0x61: {  	[hbm4b:s16+s1] =	stream.linear.scatter [tilespmem:s3], [sflag:$0x3], $0x6000, $0x38;
	[tilespmem:$0x1AF40] =	vst v63  }
0x62: {  	_ =	swait.ge [sflag:s5], $0x6000  }
0x63: {  	[sflag:s5] =	ssyncset.done $0x0  }
0x64: {  	s15 =	rddreg [dreg:$0xd];
	[sflag:s5] =	ssyncadd.s32 $0xFFFFA000  }
0x65: {  	[tilespmem:s3], [sflag:$0x1] =	stream.linear.gather [hbm4b:s15+s1], $0x6000, $0x38;
	[tilespmem:$0x1AF40] =	vst v63  }
0x66: {  	_ =	swait.ge [sflag:s4], $0x6000  }
0x67: {  	s16 =	rddreg [dreg:$0x1e];
	[sflag:s4] =	ssyncset.done $0x0  }
0x68: {  	s31 =	rddreg [dreg:$0x1f];
	[sflag:s4] =	ssyncadd.s32 $0xFFFFA000  }
0x69: {  	[tilespmem:s6], [sflag:$0x2] =	stream.indirect.gather.add.f32 [spmem:s2], $0x80, s16, s9, $0xb8;
	[tilespmem:$0x1AF40] =	vst v63  }
0x6a: {  	s15 =	sld [smem:$0x7F3]  }
0x6b: {  	[tilespmem:s18], [sflag:$0x2] =	stream.indirect.gather.add.f32 [spmem:s2], $0x80, s31, s9, $0xb8;
	[tilespmem:$0x1AF40] =	vst v63  }
0x6c: {  	_ = 	snop  }
0x6d: {  	[tilespmem:s19], [sflag:$0x2] =	stream.indirect.gather.add.f32 [spmem:s2], $0x80, s15, s9, $0xb8;
	[tilespmem:$0x1AF40] =	vst v63  }
0x6e: {  	_ =	swait.ge [sflag:s8], $0x2000  }
0x6f: {  	[sflag:s8] =	ssyncset.done $0x0  }
0x70: {  	[sflag:s8] =	ssyncadd.s32 $0xFFFFE000  }
0x71: {  	_ =	swait.ge [sflag:s8], $0x2000  }
0x72: {  	[sflag:s8] =	ssyncset.done $0x0  }
0x73: {  	[sflag:s8] =	ssyncadd.s32 $0xFFFFE000  }
0x74: {  	_ =	swait.ge [sflag:s8], $0x2000  }
0x75: {  	[sflag:s8] =	ssyncset.done $0x0  }
0x76: {  	s16 =	rddreg [dreg:$0xe];
	[sflag:s8] =	ssyncadd.s32 $0xFFFFE000  }
0x77: {  	[hbm4b:s16+s1] =	stream.linear.scatter [tilespmem:s10], [sflag:$0x3], $0x6000, $0x38;
	[tilespmem:$0x1AF40] =	vst v63  }
0x78: {  	_ =	swait.ge [sflag:s5], $0x6000  }
0x79: {  	[sflag:s5] =	ssyncset.done $0x0  }
0x7a: {  	s15 =	rddreg [dreg:$0xf];
	[sflag:s5] =	ssyncadd.s32 $0xFFFFA000  }
0x7b: {  	[tilespmem:s10], [sflag:$0x1] =	stream.linear.gather [hbm4b:s15+s1], $0x6000, $0x38;
	[tilespmem:$0x1AF40] =	vst v63  }
0x7c: {  	_ =	swait.ge [sflag:s4], $0x6000  }
0x7d: {  	s16 =	sld [smem:$0x7F4]  }
0x7e: {  	[sflag:s4] =	ssyncset.done $0x0  }
0x7f: {  	s31 =	sld [smem:$0x7F5];
	[sflag:s4] =	ssyncadd.s32 $0xFFFFA000  }
0x80: {  	[tilespmem:s7], [sflag:$0x2] =	stream.indirect.gather.add.f32 [spmem:s2], $0x80, s16, s9, $0xb8;
	[tilespmem:$0x1AF40] =	vst v63  }
0x81: {  	s15 =	sld [smem:$0x7F6]  }
0x82: {  	[tilespmem:s12], [sflag:$0x2] =	stream.indirect.gather.add.f32 [spmem:s2], $0x80, s31, s9, $0xb8;
	[tilespmem:$0x1AF40] =	vst v63  }
0x83: {  	_ = 	snop  }
0x84: {  	[tilespmem:s13], [sflag:$0x2] =	stream.indirect.gather.add.f32 [spmem:s2], $0x80, s15, s9, $0xb8;
	[tilespmem:$0x1AF40] =	vst v63  }
0x85: {  	_ =	swait.ge [sflag:s8], $0x2000  }
0x86: {  	[sflag:s8] =	ssyncset.done $0x0  }
0x87: {  	[sflag:s8] =	ssyncadd.s32 $0xFFFFE000  }
0x88: {  	_ =	swait.ge [sflag:s8], $0x2000  }
0x89: {  	[sflag:s8] =	ssyncset.done $0x0  }
0x8a: {  	[sflag:s8] =	ssyncadd.s32 $0xFFFFE000  }
0x8b: {  	_ =	swait.ge [sflag:s8], $0x2000  }
0x8c: {  	[sflag:s8] =	ssyncset.done $0x0  }
0x8d: {  	s16 =	rddreg [dreg:$0x10];
	[sflag:s8] =	ssyncadd.s32 $0xFFFFE000  }
0x8e: {  	[hbm4b:s16+s1] =	stream.linear.scatter [tilespmem:s6], [sflag:$0x3], $0x6000, $0x38;
	[tilespmem:$0x1AF40] =	vst v63  }
0x8f: {  	_ =	swait.ge [sflag:s5], $0x6000  }
0x90: {  	[sflag:s5] =	ssyncset.done $0x0  }
0x91: {  	s15 =	rddreg [dreg:$0x11];
	[sflag:s5] =	ssyncadd.s32 $0xFFFFA000  }
0x92: {  	[tilespmem:s6], [sflag:$0x1] =	stream.linear.gather [hbm4b:s15+s1], $0x6000, $0x38;
	[tilespmem:$0x1AF40] =	vst v63  }
0x93: {  	_ =	swait.ge [sflag:s4], $0x6000  }
0x94: {  	s16 =	sld [smem:$0x7F7]  }
0x95: {  	[sflag:s4] =	ssyncset.done $0x0  }
0x96: {  	s31 =	sld [smem:$0x7F8];
	[sflag:s4] =	ssyncadd.s32 $0xFFFFA000  }
0x97: {  	[tilespmem:s3], [sflag:$0x2] =	stream.indirect.gather.add.f32 [spmem:s2], $0x80, s16, s9, $0xb8;
	[tilespmem:$0x1AF40] =	vst v63  }
0x98: {  	s15 =	sld [smem:$0x7F9]  }
0x99: {  	[tilespmem:s23], [sflag:$0x2] =	stream.indirect.gather.add.f32 [spmem:s2], $0x80, s31, s9, $0xb8;
	[tilespmem:$0x1AF40] =	vst v63  }
0x9a: {  	_ = 	snop  }
0x9b: {  	[tilespmem:s24], [sflag:$0x2] =	stream.indirect.gather.add.f32 [spmem:s2], $0x80, s15, s9, $0xb8;
	[tilespmem:$0x1AF40] =	vst v63  }
0x9c: {  	_ =	swait.ge [sflag:s8], $0x2000  }
0x9d: {  	[sflag:s8] =	ssyncset.done $0x0  }
0x9e: {  	[sflag:s8] =	ssyncadd.s32 $0xFFFFE000  }
0x9f: {  	_ =	swait.ge [sflag:s8], $0x2000  }
0xa0: {  	[sflag:s8] =	ssyncset.done $0x0  }
0xa1: {  	[sflag:s8] =	ssyncadd.s32 $0xFFFFE000  }
0xa2: {  	_ =	swait.ge [sflag:s8], $0x2000  }
0xa3: {  	[sflag:s8] =	ssyncset.done $0x0  }
0xa4: {  	s16 =	rddreg [dreg:$0x12];
	[sflag:s8] =	ssyncadd.s32 $0xFFFFE000  }
0xa5: {  	[hbm4b:s16+s1] =	stream.linear.scatter [tilespmem:s7], [sflag:$0x3], $0x6000, $0x38;
	[tilespmem:$0x1AF40] =	vst v63  }
0xa6: {  	_ =	swait.ge [sflag:s5], $0x6000  }
0xa7: {  	[sflag:s5] =	ssyncset.done $0x0  }
0xa8: {  	s15 =	rddreg [dreg:$0x13];
	[sflag:s5] =	ssyncadd.s32 $0xFFFFA000  }
0xa9: {  	[tilespmem:s7], [sflag:$0x1] =	stream.linear.gather [hbm4b:s15+s1], $0x6000, $0x38;
	[tilespmem:$0x1AF40] =	vst v63  }
0xaa: {  	_ =	swait.ge [sflag:s4], $0x6000  }
0xab: {  	s16 =	sld [smem:$0x7FA]  }
0xac: {  	[sflag:s4] =	ssyncset.done $0x0  }
0xad: {  	[sflag:s4] =	ssyncadd.s32 $0xFFFFA000  }
0xae: {  	[tilespmem:s10], [sflag:$0x2] =	stream.indirect.gather.add.f32 [spmem:s2], $0x80, s16, s9, $0xb8;
	[tilespmem:$0x1AF40] =	vst v63  }
0xaf: {  	s15 =	sld [smem:$0x7FB]  }
0xb0: {  	[tilespmem:s21], [sflag:$0x2] =	stream.indirect.gather.add.f32 [spmem:s2], $0x80, s11, s9, $0xb8;
	[tilespmem:$0x1AF40] =	vst v63  }
0xb1: {  	_ = 	snop  }
0xb2: {  	[tilespmem:s22], [sflag:$0x2] =	stream.indirect.gather.add.f32 [spmem:s2], $0x80, s15, s9, $0xb8;
	[tilespmem:$0x1AF40] =	vst v63  }
0xb3: {  	_ =	swait.ge [sflag:s8], $0x2000  }
0xb4: {  	[sflag:s8] =	ssyncset.done $0x0  }
0xb5: {  	[sflag:s8] =	ssyncadd.s32 $0xFFFFE000  }
0xb6: {  	_ =	swait.ge [sflag:s8], $0x2000  }
0xb7: {  	[sflag:s8] =	ssyncset.done $0x0  }
0xb8: {  	[sflag:s8] =	ssyncadd.s32 $0xFFFFE000  }
0xb9: {  	_ =	swait.ge [sflag:s8], $0x2000  }
0xba: {  	[sflag:s8] =	ssyncset.done $0x0  }
0xbb: {  	s16 =	rddreg [dreg:$0x14];
	[sflag:s8] =	ssyncadd.s32 $0xFFFFE000  }
0xbc: {  	[hbm4b:s16+s1] =	stream.linear.scatter [tilespmem:s3], [sflag:$0x3], $0x6000, $0x38;
	[tilespmem:$0x1AF40] =	vst v63  }
0xbd: {  	_ =	swait.ge [sflag:s5], $0x6000  }
0xbe: {  	[sflag:s5] =	ssyncset.done $0x0  }
0xbf: {  	s15 =	rddreg [dreg:$0x15];
	[sflag:s5] =	ssyncadd.s32 $0xFFFFA000  }
0xc0: {  	[tilespmem:s3], [sflag:$0x1] =	stream.linear.gather [hbm4b:s15+s1], $0x2000, $0x38;
	[tilespmem:$0x1AF40] =	vst v63  }
0xc1: {  	_ =	swait.ge [sflag:s4], $0x6000  }
0xc2: {  	s16 =	sld [smem:$0x7FC]  }
0xc3: {  	[sflag:s4] =	ssyncset.done $0x0  }
0xc4: {  	s31 =	sld [smem:$0x7FD];
	[sflag:s4] =	ssyncadd.s32 $0xFFFFA000  }
0xc5: {  	[tilespmem:s6], [sflag:$0x2] =	stream.indirect.gather.add.f32 [spmem:s2], $0x80, s16, s9, $0xb8;
	[tilespmem:$0x1AF40] =	vst v63  }
0xc6: {  	_ = 	snop  }
0xc7: {  	[tilespmem:s18], [sflag:$0x2] =	stream.indirect.gather.add.f32 [spmem:s2], $0x80, s31, s9, $0xb8;
	[tilespmem:$0x1AF40] =	vst v63  }
0xc8: {  	s17 =	simm.s32 $0xA00  }
0xc9: {  	[tilespmem:s19], [sflag:$0x2] =	stream.indirect.gather.add.f32 [spmem:s2], $0x80, s17, s9, $0xb8;
	[tilespmem:$0x1AF40] =	vst v63  }
0xca: {  	_ =	swait.ge [sflag:s8], $0x2000  }
0xcb: {  	[sflag:s8] =	ssyncset.done $0x0  }
0xcc: {  	[sflag:s8] =	ssyncadd.s32 $0xFFFFE000  }
0xcd: {  	_ =	swait.ge [sflag:s8], $0x2000  }
0xce: {  	[sflag:s8] =	ssyncset.done $0x0  }
0xcf: {  	[sflag:s8] =	ssyncadd.s32 $0xFFFFE000  }
0xd0: {  	_ =	swait.ge [sflag:s8], $0x2000  }
0xd1: {  	[sflag:s8] =	ssyncset.done $0x0  }
0xd2: {  	s15 =	rddreg [dreg:$0x16];
	[sflag:s8] =	ssyncadd.s32 $0xFFFFE000  }
0xd3: {  	[hbm4b:s15+s1] =	stream.linear.scatter [tilespmem:s10], [sflag:$0x3], $0x6000, $0x38;
	[tilespmem:$0x1AF40] =	vst v63  }
0xd4: {  	_ =	swait.ge [sflag:s4], $0x6000  }
0xd5: {  	[sflag:s4] =	ssyncset.done $0x0  }
0xd6: {  	s17 =	simm.s32 $0xA80;
	[sflag:s4] =	ssyncadd.s32 $0xFFFFA000  }
0xd7: {  	[tilespmem:s7], [sflag:$0x2] =	stream.indirect.gather.add.f32 [spmem:s2], $0x80, s17, s9, $0xb8;
	[tilespmem:$0x1AF40] =	vst v63  }
0xd8: {  	s29 =	simm.s32 $0xB00  }
0xd9: {  	[tilespmem:s12], [sflag:$0x2] =	stream.indirect.gather.add.f32 [spmem:s2], $0x80, s29, s9, $0xb8;
	[tilespmem:$0x1AF40] =	vst v63  }
0xda: {  	s20 =	simm.s32 $0xB80  }
0xdb: {  	[tilespmem:s13], [sflag:$0x2] =	stream.indirect.gather.add.f32 [spmem:s2], $0x80, s20, s9, $0xb8;
	[tilespmem:$0x1AF40] =	vst v63  }
0xdc: {  	_ =	swait.ge [sflag:s4], $0x2000  }
0xdd: {  	[sflag:s4] =	ssyncset.done $0x0  }
0xde: {  	s15 =	simm.s32 $0xC00;
	[sflag:s4] =	ssyncadd.s32 $0xFFFFE000  }
0xdf: {  	[tilespmem:s3], [sflag:$0x2] =	stream.indirect.gather.add.f32 [spmem:s2], $0x80, s15, s9, $0xb8;
	[tilespmem:$0x1AF40] =	vst v63  }
0xe0: {  	_ =	swait.ge [sflag:s8], $0x2000  }
0xe1: {  	[sflag:s8] =	ssyncset.done $0x0  }
0xe2: {  	[sflag:s8] =	ssyncadd.s32 $0xFFFFE000  }
0xe3: {  	_ =	swait.ge [sflag:s8], $0x2000  }
0xe4: {  	[sflag:s8] =	ssyncset.done $0x0  }
0xe5: {  	[sflag:s8] =	ssyncadd.s32 $0xFFFFE000  }
0xe6: {  	_ =	swait.ge [sflag:s8], $0x2000  }
0xe7: {  	[sflag:s8] =	ssyncset.done $0x0  }
0xe8: {  	s15 =	rddreg [dreg:$0x17];
	[sflag:s8] =	ssyncadd.s32 $0xFFFFE000  }
0xe9: {  	[hbm4b:s15+s1] =	stream.linear.scatter [tilespmem:s6], [sflag:$0x3], $0x6000, $0x38;
	[tilespmem:$0x1AF40] =	vst v63  }
0xea: {  	_ =	swait.ge [sflag:s8], $0x2000  }
0xeb: {  	[sflag:s8] =	ssyncset.done $0x0  }
0xec: {  	[sflag:s8] =	ssyncadd.s32 $0xFFFFE000  }
0xed: {  	_ =	swait.ge [sflag:s8], $0x2000  }
0xee: {  	[sflag:s8] =	ssyncset.done $0x0  }
0xef: {  	[sflag:s8] =	ssyncadd.s32 $0xFFFFE000  }
0xf0: {  	_ =	swait.ge [sflag:s8], $0x2000  }
0xf1: {  	[sflag:s8] =	ssyncset.done $0x0  }
0xf2: {  	s15 =	rddreg [dreg:$0x18];
	[sflag:s8] =	ssyncadd.s32 $0xFFFFE000  }
0xf3: {  	[hbm4b:s15+s1] =	stream.linear.scatter [tilespmem:s7], [sflag:$0x3], $0x6000, $0x38;
	[tilespmem:$0x1AF40] =	vst v63  }
0xf4: {  	_ =	swait.ge [sflag:s8], $0x2000  }
0xf5: {  	[sflag:s8] =	ssyncset.done $0x0  }
0xf6: {  	s15 =	rddreg [dreg:$0x19];
	[sflag:s8] =	ssyncadd.s32 $0xFFFFE000  }
0xf7: {  	[hbm4b:s15+s1] =	stream.linear.scatter [tilespmem:s3], [sflag:$0x3], $0x2000, $0x38;
	[tilespmem:$0x1AF40] =	vst v63  }
0xf8: {  	_ =	swait.ge [sflag:s5], $0x6000  }
0xf9: {  	[sflag:s5] =	ssyncset.done $0x0  }
0xfa: {  	[sflag:s5] =	ssyncadd.s32 $0xFFFFA000  }
0xfb: {  	_ =	swait.ge [sflag:s5], $0x6000  }
0xfc: {  	s31 =	sadd.s32 $0xFFFFFFFF, s14;
	[sflag:s5] =	ssyncset.done $0x0  }
0xfd: {  	p2 =	sne.s32 s31, $0x0;
	[sflag:s5] =	ssyncadd.s32 $0xFFFFA000  }
.Ltmp1:
0xfe: {  	_ =	swait.ge [sflag:s5], $0x6000;
	(pc) =	sbr.rel @!p2 .LBB2_3-.Ltmp1, $4  }
0xff: {  	[sflag:s5] =	ssyncset.done $0x0  }
0x100: {  	p1 =	por $0x1, $0x1;
	s16 =	simm.s32 $0xA00;
	[sflag:s5] =	ssyncadd.s32 $0xFFFFA000  }
0x101: {  	s17 =	simm.s32 $0xB00;
	s29 =	simm.s32 $0xB80;
	_ =	swait.ge [sflag:s5], $0x2000  }
0x102: {  	s20 =	simm.s32 $0xC00;
	s0 =	rddreg [dreg:$0x7];
	[sflag:s5] =	ssyncset.done $0x0  }
.LBB2_4:
0x103: {  	[sflag:s5] =	ssyncadd.s32 $0xFFFFE000  }
0x104: {  	[tilespmem:s1], [sflag:$0x4] =	stream.strided.gather [hbm4b:s0+s25], $0xC80, s11, s25, $0x38;
	[tilespmem:$0x1AF40] =	vst v63  }
0x105: {  	s15 =	rddreg [dreg:$0x8]  }
0x106: {  	[tilespmem:s3], [sflag:$0x1] =	stream.linear.gather [hbm4b:s15+s1], $0x6000, $0x38;
	[tilespmem:$0x1AF40] =	vst v63  }
0x107: {  	s0 =	rddreg [dreg:$0x9]  }
0x108: {  	[tilespmem:s10], [sflag:$0x1] =	stream.linear.gather [hbm4b:s0+s1], $0x6000, $0x38;
	[tilespmem:$0x1AF40] =	vst v63  }
0x109: {  	s14 =	rddreg [dreg:$0x6];
	s0 =	simm.s32 @!p0 $0x1C05  }
0x10a: {  	[spmem:s28], [sflag:s0] =	dma.local @!p0 [hbm:s14], $0x3E80  }
0x10b: {  	_ =	swait.ge @!p0 [sflag:s30], $0x3E80  }
0x10c: {  	[sflag:s30] =	ssyncset.done @!p0 $0x0  }
0x10d: {  	[sflag:s30] =	ssyncadd.s32 @!p0 $0xFFFFC180  }
0x10e: {  	_ =	swait.ge [sflag:s26], $0xC80  }
0x10f: {  	[sflag:s26] =	ssyncset.done $0x0  }
0x110: {  	[sflag:s26] =	ssyncadd.s32 $0xFFFFF380  }
0x111: {  	[bflag:$0x0] =	sbarrier.arrive $0xFFFF  }
0x112: {  	s15 =	rddreg [dreg:$0xa]  }
0x113: {  	[tilespmem:s6], [sflag:$0x1] =	stream.linear.gather [hbm4b:s15+s1], $0x6000, $0x38;
	[tilespmem:$0x1AF40] =	vst v63  }
0x114: {  	_ =	swait.ge [sflag:s4], $0x6000  }
0x115: {  	[sflag:s4] =	ssyncset.done $0x0  }
0x116: {  	[sflag:s4] =	ssyncadd.s32 $0xFFFFA000  }
0x117: {  	[tilespmem:s3], [sflag:$0x2] =	stream.indirect.gather.add.f32 [spmem:s2], $0x80, s1, s9, $0xb8;
	[tilespmem:$0x1AF40] =	vst v63  }
0x118: {  	_ = 	snop  }
0x119: {  	[tilespmem:s23], [sflag:$0x2] =	stream.indirect.gather.add.f32 [spmem:s2], $0x80, s25, s9, $0xb8;
	[tilespmem:$0x1AF40] =	vst v63  }
0x11a: {  	s14 =	rddreg [dreg:$0x1a]  }
0x11b: {  	[tilespmem:s24], [sflag:$0x2] =	stream.indirect.gather.add.f32 [spmem:s2], $0x80, s14, s9, $0xb8;
	[tilespmem:$0x1AF40] =	vst v63  }
0x11c: {  	s15 =	rddreg [dreg:$0xb]  }
0x11d: {  	[tilespmem:s7], [sflag:$0x1] =	stream.linear.gather [hbm4b:s15+s1], $0x6000, $0x38;
	[tilespmem:$0x1AF40] =	vst v63  }
0x11e: {  	_ =	swait.ge [sflag:s4], $0x6000  }
0x11f: {  	[sflag:s4] =	ssyncset.done $0x0  }
0x120: {  	s15 =	rddreg [dreg:$0x1b];
	[sflag:s4] =	ssyncadd.s32 $0xFFFFA000  }
0x121: {  	[tilespmem:s10], [sflag:$0x2] =	stream.indirect.gather.add.f32 [spmem:s2], $0x80, s15, s9, $0xb8;
	[tilespmem:$0x1AF40] =	vst v63  }
0x122: {  	s14 =	rddreg [dreg:$0x1c]  }
0x123: {  	[tilespmem:s21], [sflag:$0x2] =	stream.indirect.gather.add.f32 [spmem:s2], $0x80, s14, s9, $0xb8;
	[tilespmem:$0x1AF40] =	vst v63  }
0x124: {  	s15 =	rddreg [dreg:$0x1d]  }
0x125: {  	[tilespmem:s22], [sflag:$0x2] =	stream.indirect.gather.add.f32 [spmem:s2], $0x80, s15, s9, $0xb8;
	[tilespmem:$0x1AF40] =	vst v63  }
0x126: {  	_ =	swait.ge [sflag:s8], $0x2000  }
0x127: {  	[sflag:s8] =	ssyncset.done $0x0  }
0x128: {  	[sflag:s8] =	ssyncadd.s32 $0xFFFFE000  }
0x129: {  	_ =	swait.ge [sflag:s8], $0x2000  }
0x12a: {  	[sflag:s8] =	ssyncset.done $0x0  }
0x12b: {  	[sflag:s8] =	ssyncadd.s32 $0xFFFFE000  }
0x12c: {  	_ =	swait.ge [sflag:s8], $0x2000  }
0x12d: {  	[sflag:s8] =	ssyncset.done $0x0  }
0x12e: {  	s15 =	rddreg [dreg:$0xc];
	[sflag:s8] =	ssyncadd.s32 $0xFFFFE000  }
0x12f: {  	[hbm4b:s15+s1] =	stream.linear.scatter [tilespmem:s3], [sflag:$0x3], $0x6000, $0x38;
	[tilespmem:$0x1AF40] =	vst v63  }
0x130: {  	_ =	swait.ge [sflag:s5], $0x6000  }
0x131: {  	[sflag:s5] =	ssyncset.done $0x0  }
0x132: {  	s14 =	rddreg [dreg:$0xd];
	[sflag:s5] =	ssyncadd.s32 $0xFFFFA000  }
0x133: {  	[tilespmem:s3], [sflag:$0x1] =	stream.linear.gather [hbm4b:s14+s1], $0x6000, $0x38;
	[tilespmem:$0x1AF40] =	vst v63  }
0x134: {  	_ =	swait.ge [sflag:s4], $0x6000  }
0x135: {  	s15 =	rddreg [dreg:$0x1e];
	[sflag:s4] =	ssyncset.done $0x0  }
0x136: {  	s14 =	rddreg [dreg:$0x1f];
	[sflag:s4] =	ssyncadd.s32 $0xFFFFA000  }
0x137: {  	[tilespmem:s6], [sflag:$0x2] =	stream.indirect.gather.add.f32 [spmem:s2], $0x80, s15, s9, $0xb8;
	[tilespmem:$0x1AF40] =	vst v63  }
0x138: {  	s15 =	sld [smem:$0x7F3]  }
0x139: {  	[tilespmem:s18], [sflag:$0x2] =	stream.indirect.gather.add.f32 [spmem:s2], $0x80, s14, s9, $0xb8;
	[tilespmem:$0x1AF40] =	vst v63  }
0x13a: {  	_ = 	snop  }
0x13b: {  	[tilespmem:s19], [sflag:$0x2] =	stream.indirect.gather.add.f32 [spmem:s2], $0x80, s15, s9, $0xb8;
	[tilespmem:$0x1AF40] =	vst v63  }
0x13c: {  	_ =	swait.ge [sflag:s8], $0x2000  }
0x13d: {  	[sflag:s8] =	ssyncset.done $0x0  }
0x13e: {  	[sflag:s8] =	ssyncadd.s32 $0xFFFFE000  }
0x13f: {  	_ =	swait.ge [sflag:s8], $0x2000  }
0x140: {  	[sflag:s8] =	ssyncset.done $0x0  }
0x141: {  	[sflag:s8] =	ssyncadd.s32 $0xFFFFE000  }
0x142: {  	_ =	swait.ge [sflag:s8], $0x2000  }
0x143: {  	[sflag:s8] =	ssyncset.done $0x0  }
0x144: {  	s15 =	rddreg [dreg:$0xe];
	[sflag:s8] =	ssyncadd.s32 $0xFFFFE000  }
0x145: {  	[hbm4b:s15+s1] =	stream.linear.scatter [tilespmem:s10], [sflag:$0x3], $0x6000, $0x38;
	[tilespmem:$0x1AF40] =	vst v63  }
0x146: {  	_ =	swait.ge [sflag:s5], $0x6000  }
0x147: {  	[sflag:s5] =	ssyncset.done $0x0  }
0x148: {  	s14 =	rddreg [dreg:$0xf];
	[sflag:s5] =	ssyncadd.s32 $0xFFFFA000  }
0x149: {  	[tilespmem:s10], [sflag:$0x1] =	stream.linear.gather [hbm4b:s14+s1], $0x6000, $0x38;
	[tilespmem:$0x1AF40] =	vst v63  }
0x14a: {  	_ =	swait.ge [sflag:s4], $0x6000  }
0x14b: {  	s15 =	sld [smem:$0x7F4]  }
0x14c: {  	[sflag:s4] =	ssyncset.done $0x0  }
0x14d: {  	s14 =	sld [smem:$0x7F5];
	[sflag:s4] =	ssyncadd.s32 $0xFFFFA000  }
0x14e: {  	[tilespmem:s7], [sflag:$0x2] =	stream.indirect.gather.add.f32 [spmem:s2], $0x80, s15, s9, $0xb8;
	[tilespmem:$0x1AF40] =	vst v63  }
0x14f: {  	s15 =	sld [smem:$0x7F6]  }
0x150: {  	[tilespmem:s12], [sflag:$0x2] =	stream.indirect.gather.add.f32 [spmem:s2], $0x80, s14, s9, $0xb8;
	[tilespmem:$0x1AF40] =	vst v63  }
0x151: {  	_ = 	snop  }
0x152: {  	[tilespmem:s13], [sflag:$0x2] =	stream.indirect.gather.add.f32 [spmem:s2], $0x80, s15, s9, $0xb8;
	[tilespmem:$0x1AF40] =	vst v63  }
0x153: {  	_ =	swait.ge [sflag:s8], $0x2000  }
0x154: {  	[sflag:s8] =	ssyncset.done $0x0  }
0x155: {  	[sflag:s8] =	ssyncadd.s32 $0xFFFFE000  }
0x156: {  	_ =	swait.ge [sflag:s8], $0x2000  }
0x157: {  	[sflag:s8] =	ssyncset.done $0x0  }
0x158: {  	[sflag:s8] =	ssyncadd.s32 $0xFFFFE000  }
0x159: {  	_ =	swait.ge [sflag:s8], $0x2000  }
0x15a: {  	[sflag:s8] =	ssyncset.done $0x0  }
0x15b: {  	s15 =	rddreg [dreg:$0x10];
	[sflag:s8] =	ssyncadd.s32 $0xFFFFE000  }
0x15c: {  	[hbm4b:s15+s1] =	stream.linear.scatter [tilespmem:s6], [sflag:$0x3], $0x6000, $0x38;
	[tilespmem:$0x1AF40] =	vst v63  }
0x15d: {  	_ =	swait.ge [sflag:s5], $0x6000  }
0x15e: {  	[sflag:s5] =	ssyncset.done $0x0  }
0x15f: {  	s14 =	rddreg [dreg:$0x11];
	[sflag:s5] =	ssyncadd.s32 $0xFFFFA000  }
0x160: {  	[tilespmem:s6], [sflag:$0x1] =	stream.linear.gather [hbm4b:s14+s1], $0x6000, $0x38;
	[tilespmem:$0x1AF40] =	vst v63  }
0x161: {  	_ =	swait.ge [sflag:s4], $0x6000  }
0x162: {  	s15 =	sld [smem:$0x7F7]  }
0x163: {  	[sflag:s4] =	ssyncset.done $0x0  }
0x164: {  	s14 =	sld [smem:$0x7F8];
	[sflag:s4] =	ssyncadd.s32 $0xFFFFA000  }
0x165: {  	[tilespmem:s3], [sflag:$0x2] =	stream.indirect.gather.add.f32 [spmem:s2], $0x80, s15, s9, $0xb8;
	[tilespmem:$0x1AF40] =	vst v63  }
0x166: {  	s15 =	sld [smem:$0x7F9]  }
0x167: {  	[tilespmem:s23], [sflag:$0x2] =	stream.indirect.gather.add.f32 [spmem:s2], $0x80, s14, s9, $0xb8;
	[tilespmem:$0x1AF40] =	vst v63  }
0x168: {  	_ = 	snop  }
0x169: {  	[tilespmem:s24], [sflag:$0x2] =	stream.indirect.gather.add.f32 [spmem:s2], $0x80, s15, s9, $0xb8;
	[tilespmem:$0x1AF40] =	vst v63  }
0x16a: {  	_ =	swait.ge [sflag:s8], $0x2000  }
0x16b: {  	[sflag:s8] =	ssyncset.done $0x0  }
0x16c: {  	[sflag:s8] =	ssyncadd.s32 $0xFFFFE000  }
0x16d: {  	_ =	swait.ge [sflag:s8], $0x2000  }
0x16e: {  	[sflag:s8] =	ssyncset.done $0x0  }
0x16f: {  	[sflag:s8] =	ssyncadd.s32 $0xFFFFE000  }
0x170: {  	_ =	swait.ge [sflag:s8], $0x2000  }
0x171: {  	[sflag:s8] =	ssyncset.done $0x0  }
0x172: {  	s14 =	rddreg [dreg:$0x12];
	[sflag:s8] =	ssyncadd.s32 $0xFFFFE000  }
0x173: {  	[hbm4b:s14+s1] =	stream.linear.scatter [tilespmem:s7], [sflag:$0x3], $0x6000, $0x38;
	[tilespmem:$0x1AF40] =	vst v63  }
0x174: {  	_ =	swait.ge [sflag:s5], $0x6000  }
0x175: {  	[sflag:s5] =	ssyncset.done $0x0  }
0x176: {  	s15 =	rddreg [dreg:$0x13];
	[sflag:s5] =	ssyncadd.s32 $0xFFFFA000  }
0x177: {  	[tilespmem:s7], [sflag:$0x1] =	stream.linear.gather [hbm4b:s15+s1], $0x6000, $0x38;
	[tilespmem:$0x1AF40] =	vst v63  }
0x178: {  	_ =	swait.ge [sflag:s4], $0x6000  }
0x179: {  	s14 =	sld [smem:$0x7FA]  }
0x17a: {  	[sflag:s4] =	ssyncset.done $0x0  }
0x17b: {  	[sflag:s4] =	ssyncadd.s32 $0xFFFFA000  }
0x17c: {  	[tilespmem:s10], [sflag:$0x2] =	stream.indirect.gather.add.f32 [spmem:s2], $0x80, s14, s9, $0xb8;
	[tilespmem:$0x1AF40] =	vst v63  }
0x17d: {  	s15 =	sld [smem:$0x7FB]  }
0x17e: {  	[tilespmem:s21], [sflag:$0x2] =	stream.indirect.gather.add.f32 [spmem:s2], $0x80, s11, s9, $0xb8;
	[tilespmem:$0x1AF40] =	vst v63  }
0x17f: {  	_ = 	snop  }
0x180: {  	[tilespmem:s22], [sflag:$0x2] =	stream.indirect.gather.add.f32 [spmem:s2], $0x80, s15, s9, $0xb8;
	[tilespmem:$0x1AF40] =	vst v63  }
0x181: {  	_ =	swait.ge [sflag:s8], $0x2000  }
0x182: {  	[sflag:s8] =	ssyncset.done $0x0  }
0x183: {  	[sflag:s8] =	ssyncadd.s32 $0xFFFFE000  }
0x184: {  	_ =	swait.ge [sflag:s8], $0x2000  }
0x185: {  	[sflag:s8] =	ssyncset.done $0x0  }
0x186: {  	[sflag:s8] =	ssyncadd.s32 $0xFFFFE000  }
0x187: {  	_ =	swait.ge [sflag:s8], $0x2000  }
0x188: {  	[sflag:s8] =	ssyncset.done $0x0  }
0x189: {  	s14 =	rddreg [dreg:$0x14];
	[sflag:s8] =	ssyncadd.s32 $0xFFFFE000  }
0x18a: {  	[hbm4b:s14+s1] =	stream.linear.scatter [tilespmem:s3], [sflag:$0x3], $0x6000, $0x38;
	[tilespmem:$0x1AF40] =	vst v63  }
0x18b: {  	_ =	swait.ge [sflag:s5], $0x6000  }
0x18c: {  	[sflag:s5] =	ssyncset.done $0x0  }
0x18d: {  	s15 =	rddreg [dreg:$0x15];
	[sflag:s5] =	ssyncadd.s32 $0xFFFFA000  }
0x18e: {  	[tilespmem:s3], [sflag:$0x1] =	stream.linear.gather [hbm4b:s15+s1], $0x2000, $0x38;
	[tilespmem:$0x1AF40] =	vst v63  }
0x18f: {  	_ =	swait.ge [sflag:s4], $0x6000  }
0x190: {  	s14 =	sld [smem:$0x7FC]  }
0x191: {  	[sflag:s4] =	ssyncset.done $0x0  }
0x192: {  	s15 =	sld [smem:$0x7FD];
	[sflag:s4] =	ssyncadd.s32 $0xFFFFA000  }
0x193: {  	[tilespmem:s6], [sflag:$0x2] =	stream.indirect.gather.add.f32 [spmem:s2], $0x80, s14, s9, $0xb8;
	[tilespmem:$0x1AF40] =	vst v63  }
0x194: {  	_ = 	snop  }
0x195: {  	[tilespmem:s18], [sflag:$0x2] =	stream.indirect.gather.add.f32 [spmem:s2], $0x80, s15, s9, $0xb8;
	[tilespmem:$0x1AF40] =	vst v63  }
0x196: {  	_ = 	snop  }
0x197: {  	[tilespmem:s19], [sflag:$0x2] =	stream.indirect.gather.add.f32 [spmem:s2], $0x80, s16, s9, $0xb8;
	[tilespmem:$0x1AF40] =	vst v63  }
0x198: {  	_ =	swait.ge [sflag:s8], $0x2000  }
0x199: {  	[sflag:s8] =	ssyncset.done $0x0  }
0x19a: {  	[sflag:s8] =	ssyncadd.s32 $0xFFFFE000  }
0x19b: {  	_ =	swait.ge [sflag:s8], $0x2000  }
0x19c: {  	[sflag:s8] =	ssyncset.done $0x0  }
0x19d: {  	[sflag:s8] =	ssyncadd.s32 $0xFFFFE000  }
0x19e: {  	_ =	swait.ge [sflag:s8], $0x2000  }
0x19f: {  	[sflag:s8] =	ssyncset.done $0x0  }
0x1a0: {  	s15 =	rddreg [dreg:$0x16];
	[sflag:s8] =	ssyncadd.s32 $0xFFFFE000  }
0x1a1: {  	[hbm4b:s15+s1] =	stream.linear.scatter [tilespmem:s10], [sflag:$0x3], $0x6000, $0x38;
	[tilespmem:$0x1AF40] =	vst v63  }
0x1a2: {  	_ =	swait.ge [sflag:s4], $0x6000  }
0x1a3: {  	[sflag:s4] =	ssyncset.done $0x0  }
0x1a4: {  	s14 =	simm.s32 $0xA80;
	[sflag:s4] =	ssyncadd.s32 $0xFFFFA000  }
0x1a5: {  	[tilespmem:s7], [sflag:$0x2] =	stream.indirect.gather.add.f32 [spmem:s2], $0x80, s14, s9, $0xb8;
	[tilespmem:$0x1AF40] =	vst v63  }
0x1a6: {  	_ = 	snop  }
0x1a7: {  	[tilespmem:s12], [sflag:$0x2] =	stream.indirect.gather.add.f32 [spmem:s2], $0x80, s17, s9, $0xb8;
	[tilespmem:$0x1AF40] =	vst v63  }
0x1a8: {  	_ = 	snop  }
0x1a9: {  	[tilespmem:s13], [sflag:$0x2] =	stream.indirect.gather.add.f32 [spmem:s2], $0x80, s29, s9, $0xb8;
	[tilespmem:$0x1AF40] =	vst v63  }
0x1aa: {  	_ =	swait.ge [sflag:s4], $0x2000  }
0x1ab: {  	[sflag:s4] =	ssyncset.done $0x0  }
0x1ac: {  	[sflag:s4] =	ssyncadd.s32 $0xFFFFE000  }
0x1ad: {  	[tilespmem:s3], [sflag:$0x2] =	stream.indirect.gather.add.f32 [spmem:s2], $0x80, s20, s9, $0xb8;
	[tilespmem:$0x1AF40] =	vst v63  }
0x1ae: {  	_ =	swait.ge [sflag:s8], $0x2000  }
0x1af: {  	[sflag:s8] =	ssyncset.done $0x0  }
0x1b0: {  	[sflag:s8] =	ssyncadd.s32 $0xFFFFE000  }
0x1b1: {  	_ =	swait.ge [sflag:s8], $0x2000  }
0x1b2: {  	[sflag:s8] =	ssyncset.done $0x0  }
0x1b3: {  	[sflag:s8] =	ssyncadd.s32 $0xFFFFE000  }
0x1b4: {  	_ =	swait.ge [sflag:s8], $0x2000  }
0x1b5: {  	[sflag:s8] =	ssyncset.done $0x0  }
0x1b6: {  	s15 =	rddreg [dreg:$0x17];
	[sflag:s8] =	ssyncadd.s32 $0xFFFFE000  }
0x1b7: {  	[hbm4b:s15+s1] =	stream.linear.scatter [tilespmem:s6], [sflag:$0x3], $0x6000, $0x38;
	[tilespmem:$0x1AF40] =	vst v63  }
0x1b8: {  	_ =	swait.ge [sflag:s8], $0x2000  }
0x1b9: {  	[sflag:s8] =	ssyncset.done $0x0  }
0x1ba: {  	[sflag:s8] =	ssyncadd.s32 $0xFFFFE000  }
0x1bb: {  	_ =	swait.ge [sflag:s8], $0x2000  }
0x1bc: {  	[sflag:s8] =	ssyncset.done $0x0  }
0x1bd: {  	[sflag:s8] =	ssyncadd.s32 $0xFFFFE000  }
0x1be: {  	_ =	swait.ge [sflag:s8], $0x2000  }
0x1bf: {  	[sflag:s8] =	ssyncset.done $0x0  }
0x1c0: {  	s14 =	rddreg [dreg:$0x18];
	[sflag:s8] =	ssyncadd.s32 $0xFFFFE000  }
0x1c1: {  	[hbm4b:s14+s1] =	stream.linear.scatter [tilespmem:s7], [sflag:$0x3], $0x6000, $0x38;
	[tilespmem:$0x1AF40] =	vst v63  }
0x1c2: {  	_ =	swait.ge [sflag:s8], $0x2000  }
0x1c3: {  	[sflag:s8] =	ssyncset.done $0x0  }
0x1c4: {  	s15 =	rddreg [dreg:$0x19];
	[sflag:s8] =	ssyncadd.s32 $0xFFFFE000  }
0x1c5: {  	[hbm4b:s15+s1] =	stream.linear.scatter [tilespmem:s3], [sflag:$0x3], $0x2000, $0x38;
	[tilespmem:$0x1AF40] =	vst v63  }
0x1c6: {  	_ =	swait.ge [sflag:s5], $0x6000  }
0x1c7: {  	[sflag:s5] =	ssyncset.done $0x0  }
0x1c8: {  	[sflag:s5] =	ssyncadd.s32 $0xFFFFA000  }
0x1c9: {  	_ =	swait.ge [sflag:s5], $0x6000  }
0x1ca: {  	s31 =	sadd.s32 $0xFFFFFFFF, s31;
	[sflag:s5] =	ssyncset.done $0x0  }
0x1cb: {  	p2 =	sne.s32 s31, $0x0;
	[sflag:s5] =	ssyncadd.s32 $0xFFFFA000  }
.Ltmp2:
0x1cc: {  	_ =	swait.ge [sflag:s5], $0x6000;
	(pc) =	sbr.rel @p2 .LBB2_4-.Ltmp2, $4  }
0x1cd: {  	[sflag:s5] =	ssyncset.done $0x0  }
0x1ce: {  	[sflag:s5] =	ssyncadd.s32 $0xFFFFA000  }
0x1cf: {  	_ =	swait.ge [sflag:s5], $0x2000  }
0x1d0: {  	s0 =	rddreg [dreg:$0x7];
	[sflag:s5] =	ssyncset.done $0x0  }
0x1d1: {  	s29 =	simm.s32 $0xA80;
	s15 =	rddreg [dreg:$0x5];
	s16 =	simm.s32 $0xB00  }
0x1d2: {  	s17 =	simm.s32 $0xC00;
	s20 =	simm.s32 $0xB80;
	s30 =	simm.s32 $0xA00  }
.LBB2_6:
0x1d3: {  	[sflag:s5] =	ssyncadd.s32 @p1 $0xFFFFE000;
	s14 =	rddreg [dreg:$0x8]  }
0x1d4: {  	[tilespmem:s1], [sflag:$0x4] =	stream.strided.gather [hbm4b:s0+s25], $0xC80, s11, s25, $0x38;
	[tilespmem:$0x1AF40] =	vst v63  }
0x1d5: {  	s31 =	rddreg [dreg:$0x9]  }
0x1d6: {  	[tilespmem:s3], [sflag:$0x1] =	stream.linear.gather [hbm4b:s14+s1], $0x6000, $0x38;
	[tilespmem:$0x1AF40] =	vst v63  }
0x1d7: {  	s0 =	simm.s32 @!p0 $0x1C05;
	s14 =	rddreg [dreg:$0x6]  }
0x1d8: {  	[tilespmem:s10], [sflag:$0x1] =	stream.linear.gather [hbm4b:s31+s1], $0x6000, $0x38;
	[tilespmem:$0x1AF40] =	vst v63  }
0x1d9: {  	[spmem:s28], [sflag:s0] =	dma.local @!p0 [hbm:s14], $0x3E80  }
0x1da: {  	s0 =	simm.s32 @!p0 $0x5  }
0x1db: {  	_ =	swait.ge @!p0 [sflag:s0], $0x3E80  }
0x1dc: {  	[sflag:s0] =	ssyncset.done @!p0 $0x0  }
0x1dd: {  	[sflag:s0] =	ssyncadd.s32 @!p0 $0xFFFFC180  }
0x1de: {  	_ =	swait.ge [sflag:s26], $0xC80  }
0x1df: {  	[sflag:s26] =	ssyncset.done $0x0  }
0x1e0: {  	[sflag:s26] =	ssyncadd.s32 $0xFFFFF380  }
0x1e1: {  	[bflag:$0x0] =	sbarrier.arrive $0xFFFF  }
0x1e2: {  	s31 =	rddreg [dreg:$0xa]  }
0x1e3: {  	[tilespmem:s6], [sflag:$0x1] =	stream.linear.gather [hbm4b:s31+s1], $0x6000, $0x38;
	[tilespmem:$0x1AF40] =	vst v63  }
0x1e4: {  	_ =	swait.ge [sflag:s4], $0x6000  }
0x1e5: {  	[sflag:s4] =	ssyncset.done $0x0  }
0x1e6: {  	[sflag:s4] =	ssyncadd.s32 $0xFFFFA000  }
0x1e7: {  	[tilespmem:s3], [sflag:$0x2] =	stream.indirect.gather.add.f32 [spmem:s2], $0x80, s1, s9, $0xb8;
	[tilespmem:$0x1AF40] =	vst v63  }
0x1e8: {  	_ = 	snop  }
0x1e9: {  	[tilespmem:s23], [sflag:$0x2] =	stream.indirect.gather.add.f32 [spmem:s2], $0x80, s25, s9, $0xb8;
	[tilespmem:$0x1AF40] =	vst v63  }
0x1ea: {  	s14 =	rddreg [dreg:$0x1a]  }
0x1eb: {  	[tilespmem:s24], [sflag:$0x2] =	stream.indirect.gather.add.f32 [spmem:s2], $0x80, s14, s9, $0xb8;
	[tilespmem:$0x1AF40] =	vst v63  }
0x1ec: {  	s25 =	rddreg [dreg:$0xb]  }
0x1ed: {  	[tilespmem:s7], [sflag:$0x1] =	stream.linear.gather [hbm4b:s25+s1], $0x6000, $0x38;
	[tilespmem:$0x1AF40] =	vst v63  }
0x1ee: {  	_ =	swait.ge [sflag:s4], $0x6000  }
0x1ef: {  	[sflag:s4] =	ssyncset.done $0x0  }
0x1f0: {  	s26 =	rddreg [dreg:$0x1b];
	[sflag:s4] =	ssyncadd.s32 $0xFFFFA000  }
0x1f1: {  	[tilespmem:s10], [sflag:$0x2] =	stream.indirect.gather.add.f32 [spmem:s2], $0x80, s26, s9, $0xb8;
	[tilespmem:$0x1AF40] =	vst v63  }
0x1f2: {  	s28 =	rddreg [dreg:$0x1c]  }
0x1f3: {  	[tilespmem:s21], [sflag:$0x2] =	stream.indirect.gather.add.f32 [spmem:s2], $0x80, s28, s9, $0xb8;
	[tilespmem:$0x1AF40] =	vst v63  }
0x1f4: {  	s31 =	rddreg [dreg:$0x1d]  }
0x1f5: {  	[tilespmem:s22], [sflag:$0x2] =	stream.indirect.gather.add.f32 [spmem:s2], $0x80, s31, s9, $0xb8;
	[tilespmem:$0x1AF40] =	vst v63  }
0x1f6: {  	_ =	swait.ge [sflag:s8], $0x2000  }
0x1f7: {  	[sflag:s8] =	ssyncset.done $0x0  }
0x1f8: {  	[sflag:s8] =	ssyncadd.s32 $0xFFFFE000  }
0x1f9: {  	_ =	swait.ge [sflag:s8], $0x2000  }
0x1fa: {  	[sflag:s8] =	ssyncset.done $0x0  }
0x1fb: {  	[sflag:s8] =	ssyncadd.s32 $0xFFFFE000  }
0x1fc: {  	_ =	swait.ge [sflag:s8], $0x2000  }
0x1fd: {  	[sflag:s8] =	ssyncset.done $0x0  }
0x1fe: {  	s14 =	rddreg [dreg:$0xc];
	[sflag:s8] =	ssyncadd.s32 $0xFFFFE000  }
0x1ff: {  	[hbm4b:s14+s1] =	stream.linear.scatter [tilespmem:s3], [sflag:$0x3], $0x6000, $0x38;
	[tilespmem:$0x1AF40] =	vst v63  }
0x200: {  	_ =	swait.ge [sflag:s5], $0x6000  }
0x201: {  	[sflag:s5] =	ssyncset.done $0x0  }
0x202: {  	s25 =	rddreg [dreg:$0xd];
	[sflag:s5] =	ssyncadd.s32 $0xFFFFA000  }
0x203: {  	[tilespmem:s3], [sflag:$0x1] =	stream.linear.gather [hbm4b:s25+s1], $0x6000, $0x38;
	[tilespmem:$0x1AF40] =	vst v63  }
0x204: {  	_ =	swait.ge [sflag:s4], $0x6000  }
0x205: {  	s26 =	rddreg [dreg:$0x1e];
	[sflag:s4] =	ssyncset.done $0x0  }
0x206: {  	s28 =	rddreg [dreg:$0x1f];
	[sflag:s4] =	ssyncadd.s32 $0xFFFFA000  }
0x207: {  	[tilespmem:s6], [sflag:$0x2] =	stream.indirect.gather.add.f32 [spmem:s2], $0x80, s26, s9, $0xb8;
	[tilespmem:$0x1AF40] =	vst v63  }
0x208: {  	s31 =	sld [smem:$0x7F3]  }
0x209: {  	[tilespmem:s18], [sflag:$0x2] =	stream.indirect.gather.add.f32 [spmem:s2], $0x80, s28, s9, $0xb8;
	[tilespmem:$0x1AF40] =	vst v63  }
0x20a: {  	_ = 	snop  }
0x20b: {  	[tilespmem:s19], [sflag:$0x2] =	stream.indirect.gather.add.f32 [spmem:s2], $0x80, s31, s9, $0xb8;
	[tilespmem:$0x1AF40] =	vst v63  }
0x20c: {  	_ =	swait.ge [sflag:s8], $0x2000  }
0x20d: {  	[sflag:s8] =	ssyncset.done $0x0  }
0x20e: {  	[sflag:s8] =	ssyncadd.s32 $0xFFFFE000  }
0x20f: {  	_ =	swait.ge [sflag:s8], $0x2000  }
0x210: {  	[sflag:s8] =	ssyncset.done $0x0  }
0x211: {  	[sflag:s8] =	ssyncadd.s32 $0xFFFFE000  }
0x212: {  	_ =	swait.ge [sflag:s8], $0x2000  }
0x213: {  	[sflag:s8] =	ssyncset.done $0x0  }
0x214: {  	s14 =	rddreg [dreg:$0xe];
	[sflag:s8] =	ssyncadd.s32 $0xFFFFE000  }
0x215: {  	[hbm4b:s14+s1] =	stream.linear.scatter [tilespmem:s10], [sflag:$0x3], $0x6000, $0x38;
	[tilespmem:$0x1AF40] =	vst v63  }
0x216: {  	_ =	swait.ge [sflag:s5], $0x6000  }
0x217: {  	[sflag:s5] =	ssyncset.done $0x0  }
0x218: {  	s25 =	rddreg [dreg:$0xf];
	[sflag:s5] =	ssyncadd.s32 $0xFFFFA000  }
0x219: {  	[tilespmem:s10], [sflag:$0x1] =	stream.linear.gather [hbm4b:s25+s1], $0x6000, $0x38;
	[tilespmem:$0x1AF40] =	vst v63  }
0x21a: {  	_ =	swait.ge [sflag:s4], $0x6000  }
0x21b: {  	s26 =	sld [smem:$0x7F4]  }
0x21c: {  	[sflag:s4] =	ssyncset.done $0x0  }
0x21d: {  	s28 =	sld [smem:$0x7F5];
	[sflag:s4] =	ssyncadd.s32 $0xFFFFA000  }
0x21e: {  	[tilespmem:s7], [sflag:$0x2] =	stream.indirect.gather.add.f32 [spmem:s2], $0x80, s26, s9, $0xb8;
	[tilespmem:$0x1AF40] =	vst v63  }
0x21f: {  	s31 =	sld [smem:$0x7F6]  }
0x220: {  	[tilespmem:s12], [sflag:$0x2] =	stream.indirect.gather.add.f32 [spmem:s2], $0x80, s28, s9, $0xb8;
	[tilespmem:$0x1AF40] =	vst v63  }
0x221: {  	_ = 	snop  }
0x222: {  	[tilespmem:s13], [sflag:$0x2] =	stream.indirect.gather.add.f32 [spmem:s2], $0x80, s31, s9, $0xb8;
	[tilespmem:$0x1AF40] =	vst v63  }
0x223: {  	_ =	swait.ge [sflag:s8], $0x2000  }
0x224: {  	[sflag:s8] =	ssyncset.done $0x0  }
0x225: {  	[sflag:s8] =	ssyncadd.s32 $0xFFFFE000  }
0x226: {  	_ =	swait.ge [sflag:s8], $0x2000  }
0x227: {  	[sflag:s8] =	ssyncset.done $0x0  }
0x228: {  	[sflag:s8] =	ssyncadd.s32 $0xFFFFE000  }
0x229: {  	_ =	swait.ge [sflag:s8], $0x2000  }
0x22a: {  	[sflag:s8] =	ssyncset.done $0x0  }
0x22b: {  	s25 =	rddreg [dreg:$0x10];
	[sflag:s8] =	ssyncadd.s32 $0xFFFFE000  }
0x22c: {  	[hbm4b:s25+s1] =	stream.linear.scatter [tilespmem:s6], [sflag:$0x3], $0x6000, $0x38;
	[tilespmem:$0x1AF40] =	vst v63  }
0x22d: {  	_ =	swait.ge [sflag:s5], $0x6000  }
0x22e: {  	[sflag:s5] =	ssyncset.done $0x0  }
0x22f: {  	s26 =	rddreg [dreg:$0x11];
	[sflag:s5] =	ssyncadd.s32 $0xFFFFA000  }
0x230: {  	[tilespmem:s6], [sflag:$0x1] =	stream.linear.gather [hbm4b:s26+s1], $0x6000, $0x38;
	[tilespmem:$0x1AF40] =	vst v63  }
0x231: {  	_ =	swait.ge [sflag:s4], $0x6000  }
0x232: {  	s28 =	sld [smem:$0x7F7]  }
0x233: {  	[sflag:s4] =	ssyncset.done $0x0  }
0x234: {  	s31 =	sld [smem:$0x7F8];
	[sflag:s4] =	ssyncadd.s32 $0xFFFFA000  }
0x235: {  	[tilespmem:s3], [sflag:$0x2] =	stream.indirect.gather.add.f32 [spmem:s2], $0x80, s28, s9, $0xb8;
	[tilespmem:$0x1AF40] =	vst v63  }
0x236: {  	s25 =	sld [smem:$0x7F9]  }
0x237: {  	[tilespmem:s23], [sflag:$0x2] =	stream.indirect.gather.add.f32 [spmem:s2], $0x80, s31, s9, $0xb8;
	[tilespmem:$0x1AF40] =	vst v63  }
0x238: {  	_ = 	snop  }
0x239: {  	[tilespmem:s24], [sflag:$0x2] =	stream.indirect.gather.add.f32 [spmem:s2], $0x80, s25, s9, $0xb8;
	[tilespmem:$0x1AF40] =	vst v63  }
0x23a: {  	_ =	swait.ge [sflag:s8], $0x2000  }
0x23b: {  	[sflag:s8] =	ssyncset.done $0x0  }
0x23c: {  	[sflag:s8] =	ssyncadd.s32 $0xFFFFE000  }
0x23d: {  	_ =	swait.ge [sflag:s8], $0x2000  }
0x23e: {  	[sflag:s8] =	ssyncset.done $0x0  }
0x23f: {  	[sflag:s8] =	ssyncadd.s32 $0xFFFFE000  }
0x240: {  	_ =	swait.ge [sflag:s8], $0x2000  }
0x241: {  	[sflag:s8] =	ssyncset.done $0x0  }
0x242: {  	s26 =	rddreg [dreg:$0x12];
	[sflag:s8] =	ssyncadd.s32 $0xFFFFE000  }
0x243: {  	[hbm4b:s26+s1] =	stream.linear.scatter [tilespmem:s7], [sflag:$0x3], $0x6000, $0x38;
	[tilespmem:$0x1AF40] =	vst v63  }
0x244: {  	_ =	swait.ge [sflag:s5], $0x6000  }
0x245: {  	[sflag:s5] =	ssyncset.done $0x0  }
0x246: {  	s28 =	rddreg [dreg:$0x13];
	[sflag:s5] =	ssyncadd.s32 $0xFFFFA000  }
0x247: {  	[tilespmem:s7], [sflag:$0x1] =	stream.linear.gather [hbm4b:s28+s1], $0x6000, $0x38;
	[tilespmem:$0x1AF40] =	vst v63  }
0x248: {  	_ =	swait.ge [sflag:s4], $0x6000  }
0x249: {  	s31 =	sld [smem:$0x7FA]  }
0x24a: {  	[sflag:s4] =	ssyncset.done $0x0  }
0x24b: {  	[sflag:s4] =	ssyncadd.s32 $0xFFFFA000  }
0x24c: {  	[tilespmem:s10], [sflag:$0x2] =	stream.indirect.gather.add.f32 [spmem:s2], $0x80, s31, s9, $0xb8;
	[tilespmem:$0x1AF40] =	vst v63  }
0x24d: {  	s14 =	sld [smem:$0x7FB]  }
0x24e: {  	[tilespmem:s21], [sflag:$0x2] =	stream.indirect.gather.add.f32 [spmem:s2], $0x80, s11, s9, $0xb8;
	[tilespmem:$0x1AF40] =	vst v63  }
0x24f: {  	_ = 	snop  }
0x250: {  	[tilespmem:s22], [sflag:$0x2] =	stream.indirect.gather.add.f32 [spmem:s2], $0x80, s14, s9, $0xb8;
	[tilespmem:$0x1AF40] =	vst v63  }
0x251: {  	_ =	swait.ge [sflag:s8], $0x2000  }
0x252: {  	[sflag:s8] =	ssyncset.done $0x0  }
0x253: {  	[sflag:s8] =	ssyncadd.s32 $0xFFFFE000  }
0x254: {  	_ =	swait.ge [sflag:s8], $0x2000  }
0x255: {  	[sflag:s8] =	ssyncset.done $0x0  }
0x256: {  	[sflag:s8] =	ssyncadd.s32 $0xFFFFE000  }
0x257: {  	_ =	swait.ge [sflag:s8], $0x2000  }
0x258: {  	[sflag:s8] =	ssyncset.done $0x0  }
0x259: {  	s23 =	rddreg [dreg:$0x14];
	[sflag:s8] =	ssyncadd.s32 $0xFFFFE000  }
0x25a: {  	[hbm4b:s23+s1] =	stream.linear.scatter [tilespmem:s3], [sflag:$0x3], $0x6000, $0x38;
	[tilespmem:$0x1AF40] =	vst v63  }
0x25b: {  	_ =	swait.ge [sflag:s5], $0x6000  }
0x25c: {  	[sflag:s5] =	ssyncset.done $0x0  }
0x25d: {  	s24 =	rddreg [dreg:$0x15];
	[sflag:s5] =	ssyncadd.s32 $0xFFFFA000  }
0x25e: {  	[tilespmem:s3], [sflag:$0x1] =	stream.linear.gather [hbm4b:s24+s1], $0x2000, $0x38;
	[tilespmem:$0x1AF40] =	vst v63  }
0x25f: {  	_ =	swait.ge [sflag:s4], $0x6000  }
0x260: {  	s25 =	sld [smem:$0x7FC]  }
0x261: {  	[sflag:s4] =	ssyncset.done $0x0  }
0x262: {  	s26 =	sld [smem:$0x7FD];
	[sflag:s4] =	ssyncadd.s32 $0xFFFFA000  }
0x263: {  	[tilespmem:s6], [sflag:$0x2] =	stream.indirect.gather.add.f32 [spmem:s2], $0x80, s25, s9, $0xb8;
	[tilespmem:$0x1AF40] =	vst v63  }
0x264: {  	_ = 	snop  }
0x265: {  	[tilespmem:s18], [sflag:$0x2] =	stream.indirect.gather.add.f32 [spmem:s2], $0x80, s26, s9, $0xb8;
	[tilespmem:$0x1AF40] =	vst v63  }
0x266: {  	_ = 	snop  }
0x267: {  	[tilespmem:s19], [sflag:$0x2] =	stream.indirect.gather.add.f32 [spmem:s2], $0x80, s30, s9, $0xb8;
	[tilespmem:$0x1AF40] =	vst v63  }
0x268: {  	_ =	swait.ge [sflag:s8], $0x2000  }
0x269: {  	[sflag:s8] =	ssyncset.done $0x0  }
0x26a: {  	[sflag:s8] =	ssyncadd.s32 $0xFFFFE000  }
0x26b: {  	_ =	swait.ge [sflag:s8], $0x2000  }
0x26c: {  	[sflag:s8] =	ssyncset.done $0x0  }
0x26d: {  	[sflag:s8] =	ssyncadd.s32 $0xFFFFE000  }
0x26e: {  	_ =	swait.ge [sflag:s8], $0x2000  }
0x26f: {  	[sflag:s8] =	ssyncset.done $0x0  }
0x270: {  	s28 =	rddreg [dreg:$0x16];
	[sflag:s8] =	ssyncadd.s32 $0xFFFFE000  }
0x271: {  	[hbm4b:s28+s1] =	stream.linear.scatter [tilespmem:s10], [sflag:$0x3], $0x6000, $0x38;
	[tilespmem:$0x1AF40] =	vst v63  }
0x272: {  	_ =	swait.ge [sflag:s4], $0x6000  }
0x273: {  	[sflag:s4] =	ssyncset.done $0x0  }
0x274: {  	[sflag:s4] =	ssyncadd.s32 $0xFFFFA000  }
0x275: {  	[tilespmem:s7], [sflag:$0x2] =	stream.indirect.gather.add.f32 [spmem:s2], $0x80, s29, s9, $0xb8;
	[tilespmem:$0x1AF40] =	vst v63  }
0x276: {  	_ = 	snop  }
0x277: {  	[tilespmem:s12], [sflag:$0x2] =	stream.indirect.gather.add.f32 [spmem:s2], $0x80, s16, s9, $0xb8;
	[tilespmem:$0x1AF40] =	vst v63  }
0x278: {  	_ = 	snop  }
0x279: {  	[tilespmem:s13], [sflag:$0x2] =	stream.indirect.gather.add.f32 [spmem:s2], $0x80, s20, s9, $0xb8;
	[tilespmem:$0x1AF40] =	vst v63  }
0x27a: {  	_ =	swait.ge [sflag:s4], $0x2000  }
0x27b: {  	[sflag:s4] =	ssyncset.done $0x0  }
0x27c: {  	[sflag:s4] =	ssyncadd.s32 $0xFFFFE000  }
0x27d: {  	[tilespmem:s3], [sflag:$0x2] =	stream.indirect.gather.add.f32 [spmem:s2], $0x80, s17, s9, $0xb8;
	[tilespmem:$0x1AF40] =	vst v63  }
0x27e: {  	_ =	swait.ge [sflag:s8], $0x2000  }
0x27f: {  	[sflag:s8] =	ssyncset.done $0x0  }
0x280: {  	[sflag:s8] =	ssyncadd.s32 $0xFFFFE000  }
0x281: {  	_ =	swait.ge [sflag:s8], $0x2000  }
0x282: {  	[sflag:s8] =	ssyncset.done $0x0  }
0x283: {  	[sflag:s8] =	ssyncadd.s32 $0xFFFFE000  }
0x284: {  	_ =	swait.ge [sflag:s8], $0x2000  }
0x285: {  	[sflag:s8] =	ssyncset.done $0x0  }
0x286: {  	s29 =	rddreg [dreg:$0x17];
	[sflag:s8] =	ssyncadd.s32 $0xFFFFE000  }
0x287: {  	[hbm4b:s29+s1] =	stream.linear.scatter [tilespmem:s6], [sflag:$0x3], $0x6000, $0x38;
	[tilespmem:$0x1AF40] =	vst v63  }
0x288: {  	_ =	swait.ge [sflag:s8], $0x2000  }
0x289: {  	[sflag:s8] =	ssyncset.done $0x0  }
0x28a: {  	[sflag:s8] =	ssyncadd.s32 $0xFFFFE000  }
0x28b: {  	_ =	swait.ge [sflag:s8], $0x2000  }
0x28c: {  	[sflag:s8] =	ssyncset.done $0x0  }
0x28d: {  	[sflag:s8] =	ssyncadd.s32 $0xFFFFE000  }
0x28e: {  	_ =	swait.ge [sflag:s8], $0x2000  }
0x28f: {  	[sflag:s8] =	ssyncset.done $0x0  }
0x290: {  	s30 =	rddreg [dreg:$0x18];
	[sflag:s8] =	ssyncadd.s32 $0xFFFFE000  }
0x291: {  	[hbm4b:s30+s1] =	stream.linear.scatter [tilespmem:s7], [sflag:$0x3], $0x6000, $0x38;
	[tilespmem:$0x1AF40] =	vst v63  }
0x292: {  	_ =	swait.ge [sflag:s8], $0x2000  }
0x293: {  	[sflag:s8] =	ssyncset.done $0x0  }
0x294: {  	s31 =	rddreg [dreg:$0x19];
	[sflag:s8] =	ssyncadd.s32 $0xFFFFE000  }
0x295: {  	[hbm4b:s31+s1] =	stream.linear.scatter [tilespmem:s3], [sflag:$0x3], $0x2000, $0x38;
	[tilespmem:$0x1AF40] =	vst v63  }
0x296: {  	_ =	swait.ge [sflag:s5], $0x6000  }
0x297: {  	[sflag:s5] =	ssyncset.done $0x0  }
0x298: {  	[sflag:s5] =	ssyncadd.s32 $0xFFFFA000  }
0x299: {  	_ =	swait.ge [sflag:s5], $0x6000  }
0x29a: {  	[sflag:s5] =	ssyncset.done $0x0  }
0x29b: {  	[sflag:s5] =	ssyncadd.s32 $0xFFFFA000  }
0x29c: {  	_ =	swait.ge [sflag:s5], $0x6000  }
0x29d: {  	[sflag:s5] =	ssyncset.done $0x0  }
0x29e: {  	[sflag:s5] =	ssyncadd.s32 $0xFFFFA000  }
0x29f: {  	_ =	swait.ge [sflag:s5], $0x2000  }
0x2a0: {  	[sflag:s5] =	ssyncset.done $0x0  }
0x2a1: {  	[sflag:s5] =	ssyncadd.s32 $0xFFFFE000  }
0x2a2: {  	_ =	sfence.sel $0x180000  }
0x2a3: {  	[bflag:$0x0] =	sbarrier.arrive $0xFFFF  }
0x2a4: {  	_ =	strace $0x90000047  }
0x2a5: {  	s0 =	sadd.s32 @!p0 $0x100000, s15;
	[bflag:$0x2] =	sbarrier.arrive $0xFFFF  }
0x2a6: {  	[sflag:s0] =	ssyncadd.tile.s32 @!p0 $0x1;
	_ =	shalt  }
.LBB2_1:
.Ltmp3:
0x2a7: {  	(pc) =	sbr.rel .LBB2_6-.Ltmp3, $2  }
0x2a8: {  	_ =	sdelay $0x2  }
0x2a9: {  	s29 =	simm.s32 $0xA80  }
.LBB2_3:
.Ltmp4:
0x2aa: {  	(pc) =	sbr.rel .LBB2_6-.Ltmp4, $3  }
0x2ab: {  	_ =	sdelay $0x1  }
0x2ac: {  	s29 =	simm.s32 $0xA80;
	s15 =	rddreg [dreg:$0x5];
	s16 =	simm.s32 $0xB00  }
0x2ad: {  	s17 =	simm.s32 $0xC00;
	s20 =	simm.s32 $0xB80;
	s30 =	simm.s32 $0xA00  }
.Lfunc_end2:
_tile_overlayer_lowered:
.L_overlay_start_2:
0x2ae: {  	(tag) =	ssettag $0x2  }
0x2af: {  	s0 =	rddreg [dreg:$0x0];
	s2 =	stileid.u32  }
0x2b0: {  	s1 =	rddreg [dreg:$0x1];
	p0 =	sne.s32 s2, $0x0  }
0x2b1: {  	s3 =	rddreg [dreg:$0x2];
	[bflag:$0x3] =	sbarrier.arrive $0xFFFF;
	s2 =	simm.s32 @!p0 $0x1C05  }
0x2b2: {  	[timem:s3], [sflag:s2] =	dma.local @!p0 [hbm:s0], s1  }
0x2b3: {  	s0 =	simm.s32 @!p0 $0x5  }
0x2b4: {  	_ =	swait.ge @!p0 [sflag:s0], s1  }
0x2b5: {  	s1 =	ssub.s32 @!p0 $0x0, s1;
	[sflag:s0] =	ssyncset.done @!p0 $0x0  }
0x2b6: {  	[sflag:s0] =	ssyncadd.s32 @!p0 s1  }
0x2b7: {  	[bflag:$0x3] =	sbarrier.arrive $0xFFFF  }
0x2b8: {  	_ =	shalt  }

</sc_bundles>
